<compile_context>
chip_gen: v7x
topology: tpu7x:2x2x1
jax: 0.10.2.dev20260603
libtpu: 0.0.44.dev20260713+nightly
codegen_flags: <defaults>
</compile_context>

<pallas_src>
import functools

import jax
import jax.numpy as jnp
from jax import lax
from jax.experimental import pallas as pl
from jax.experimental.pallas import tpu as pltpu
from jax.experimental.pallas import tpu_sc as plsc

NC = 2
NS = 16
K = 125
def _mesh():
    return plsc.VectorSubcoreMesh(core_axis_name="c", subcore_axis_name="s")


_SC_PARAMS = pltpu.CompilerParams(use_tc_tiling_on_sc=False)


def _per_tile_rows(sid, n, body_fn):
    b = (n // NS) // 8 * 8
    last = n - b * (NS - 1)

    @pl.when(sid < NS - 1)
    def _():
        body_fn(pl.multiple_of(sid * b, 8), b)

    @pl.when(sid == NS - 1)
    def _():
        body_fn((NS - 1) * b, last)


def _deg_partials(dst3, zeros_dw, ones_dw, n):
    ch = dst3.shape[1]

    @functools.partial(
        pl.kernel,
        out_type=jax.ShapeDtypeStruct((NC, n), jnp.float32),
        mesh=_mesh(),
        compiler_params=_SC_PARAMS,
        scratch_types=[
            pltpu.VMEM_SHARED((n,), jnp.float32),
            pltpu.VMEM((ch, K), jnp.int32),
            pltpu.VMEM((K,), jnp.float32),
            pltpu.SemaphoreType.DMA,
        ],
    )
    def deg_k(dst_hbm, zero_hbm, ones_hbm, out_hbm, acc, didx, ones_v, sem):
        cid = lax.axis_index("c")
        sid = lax.axis_index("s")
        wid = sid * NC + cid
        pltpu.sync_copy(dst_hbm.at[wid], didx)
        pltpu.sync_copy(ones_hbm, ones_v)
        _per_tile_rows(sid, n, lambda base, sz: pltpu.sync_copy(
            zero_hbm.at[pl.ds(base, sz)], acc.at[pl.ds(base, sz)]))
        plsc.subcore_barrier()

        @pl.loop(0, ch, step=8)
        def _(cj):
            for u in range(8):
                pltpu.async_copy(ones_v, acc.at[didx.at[cj + u]], sem, add=True)
            for u in range(8):
                pltpu.make_async_copy(ones_v, acc.at[didx.at[cj + u]], sem).wait()

        plsc.subcore_barrier()
        _per_tile_rows(sid, n, lambda base, sz: pltpu.sync_copy(
            acc.at[pl.ds(base, sz)], out_hbm.at[cid, pl.ds(base, sz)]))

    return deg_k(dst3, zeros_dw, ones_dw)


def _agg_partials(src3, dst3, hs, zeros_nd, n, d):
    ch = src3.shape[1]
    cb = 40 if ch % 40 == 0 else 16
    nb = ch // cb
    assert ch % cb == 0 and cb % 4 == 0

    @functools.partial(
        pl.kernel,
        out_type=jax.ShapeDtypeStruct((NC, n, d), jnp.float32),
        mesh=_mesh(),
        compiler_params=_SC_PARAMS,
        scratch_types=[
            pltpu.VMEM_SHARED((n, d), jnp.float32),
            pltpu.VMEM_SHARED((n, d), jnp.float32),
            pltpu.VMEM((cb, K), jnp.int32),
            pltpu.VMEM((cb, K), jnp.int32),
            pltpu.VMEM((K, d), jnp.float32),
            pltpu.VMEM((K, d), jnp.float32),
            pltpu.VMEM((K, d), jnp.float32),
            pltpu.VMEM((K, d), jnp.float32),
            pltpu.SemaphoreType.DMA,
            pltpu.SemaphoreType.DMA,
            pltpu.SemaphoreType.DMA,
            pltpu.SemaphoreType.DMA,
            pltpu.SemaphoreType.DMA,
            pltpu.SemaphoreType.DMA,
            pltpu.SemaphoreType.DMA,
            pltpu.SemaphoreType.DMA,
        ],
    )
    def agg_k(src_hbm, dst_hbm, hs_hbm, zero_hbm, out_hbm,
              acc, hs_sp, sidx, didx, r0, r1, r2, r3,
              sg0, sg1, sg2, sg3, ss0, ss1, ss2, ss3):
        cid = lax.axis_index("c")
        sid = lax.axis_index("s")
        wid = sid * NC + cid
        _per_tile_rows(sid, n, lambda base, sz: pltpu.sync_copy(
            zero_hbm.at[pl.ds(base, sz), :], acc.at[pl.ds(base, sz), :]))
        _per_tile_rows(sid, n, lambda base, sz: pltpu.sync_copy(
            hs_hbm.at[pl.ds(base, sz), :], hs_sp.at[pl.ds(base, sz), :]))

        plsc.subcore_barrier()

        rows = (r0, r1, r2, r3)
        sg = (sg0, sg1, sg2, sg3)
        ss = (ss0, ss1, ss2, ss3)

        @pl.loop(0, nb)
        def _(b):
            boff = pl.multiple_of(b * cb, 8)
            pltpu.sync_copy(src_hbm.at[wid, pl.ds(boff, cb)], sidx)
            pltpu.sync_copy(dst_hbm.at[wid, pl.ds(boff, cb)], didx)
            pltpu.async_copy(hs_sp.at[sidx.at[0]], r0, sg0)
            pltpu.async_copy(hs_sp.at[sidx.at[1]], r1, sg1)

            @pl.loop(0, cb, step=4)
            def _(cj):
                for u in range(4):
                    j = cj + u
                    ru, rn = rows[u], rows[(u + 2) % 4]
                    pltpu.make_async_copy(
                        hs_sp.at[sidx.at[j]], ru, sg[u]).wait()
                    pltpu.async_copy(ru, acc.at[didx.at[j]], ss[u], add=True)

                    @pl.when(j >= 2)
                    def _():
                        pltpu.make_async_copy(
                            rn, acc.at[didx.at[j - 2]], ss[(u + 2) % 4]).wait()

                    @pl.when(j + 2 < cb)
                    def _():
                        pltpu.async_copy(
                            hs_sp.at[sidx.at[j + 2]], rn, sg[(u + 2) % 4])

            pltpu.make_async_copy(r2, acc.at[didx.at[cb - 2]], ss2).wait()
            pltpu.make_async_copy(r3, acc.at[didx.at[cb - 1]], ss3).wait()

        plsc.subcore_barrier()
        _per_tile_rows(sid, n, lambda base, sz: pltpu.sync_copy(
            acc.at[pl.ds(base, sz), :], out_hbm.at[cid, pl.ds(base, sz), :]))

    return agg_k(src3, dst3, hs, zeros_nd)


def _dinv_col(deg_ref):
    deg = deg_ref[0, :] + deg_ref[1, :] + 1.0
    return lax.rsqrt(deg)[:, None]


def _tc_first(deg_p, x, w1):
    n = x.shape[0]
    dh = w1.shape[1]

    def body(deg_ref, x_ref, w_ref, o_ref):
        dinv = _dinv_col(deg_ref)
        h = jnp.dot(x_ref[...], w_ref[...], preferred_element_type=jnp.float32)
        o_ref[...] = h * dinv

    return pl.pallas_call(
        body, out_shape=jax.ShapeDtypeStruct((n, dh), jnp.float32)
    )(deg_p, x, w1)


def _tc_mid(deg_p, p1, h1s, b1):
    n = p1.shape[1]
    dh = p1.shape[2]

    def body(deg_ref, p_ref, hs_ref, b_ref, o_ref):
        dinv = _dinv_col(deg_ref)
        s = p_ref[0] + p_ref[1] + hs_ref[...]
        h = jnp.maximum(s * dinv + b_ref[...], 0.0)
        o_ref[...] = h * dinv

    return pl.pallas_call(
        body, out_shape=jax.ShapeDtypeStruct((n, dh), jnp.float32)
    )(deg_p, p1, h1s, b1)


def _tc_last(deg_p, p2, h2s, w2, b2):
    n = p2.shape[1]
    do = w2.shape[1]

    def body(deg_ref, p_ref, hs_ref, w_ref, b_ref, o_ref):
        dinv = _dinv_col(deg_ref)
        agg = (p_ref[0] + p_ref[1] + hs_ref[...]) * dinv
        o_ref[...] = jnp.dot(
            agg, w_ref[...], preferred_element_type=jnp.float32) + b_ref[...]

    return pl.pallas_call(
        body, out_shape=jax.ShapeDtypeStruct((n, do), jnp.float32)
    )(deg_p, p2, h2s, w2, b2)


def kernel(x, edge_index, W1, b1, W2, b2):
    n = x.shape[0]
    dh = W1.shape[1]
    do = W2.shape[1]
    e = edge_index.shape[1]

    nw = NC * NS
    ch = e // (nw * K)
    src3 = edge_index[0].reshape(nw, ch, K)
    dst3 = edge_index[1].reshape(nw, ch, K)

    zeros_dw = jnp.zeros((n,), jnp.float32)
    ones_dw = jnp.ones((K,), jnp.float32)
    zeros_h = jnp.zeros((n, dh), jnp.float32)

    deg_p = _deg_partials(dst3, zeros_dw, ones_dw, n)
    h1s = _tc_first(deg_p, x, W1)
    p1 = _agg_partials(src3, dst3, h1s, zeros_h, n, dh)
    h2s = _tc_mid(deg_p, p1, h1s, b1)
    p2 = _agg_partials(src3, dst3, h2s, zeros_h, n, dh)
    return _tc_last(deg_p, p2, h2s, W2, b2)

# --- scband reference (transcript-rebuilt; emitter-appended) ---
"""Pipeline reference for scband-two-layer-gcn-52484500357741 (READ-ONLY COPY).

The authoritative reference and input builder live on the scoring server;
editing this copy changes nothing except your own understanding.
"""

import jax, jax.numpy as jnp
import numpy as np

N = 10000
E = 320000
D_IN = 128
D_HID = 64
D_OUT = 128


def _gcn_conv(x, edge_index, W, b):
    # GCNConv with self-loops and symmetric normalization (PyG semantics)
    n = x.shape[0]
    loop = jnp.arange(n, dtype=edge_index.dtype)
    src = jnp.concatenate([edge_index[0], loop])
    dst = jnp.concatenate([edge_index[1], loop])
    deg = jnp.zeros((n,), dtype=x.dtype).at[dst].add(1.0)
    dinv = jnp.where(deg > 0, jax.lax.rsqrt(deg), 0.0)
    norm = dinv[src] * dinv[dst]
    h = x @ W
    msg = h[src] * norm[:, None]
    out = jnp.zeros((n, W.shape[1]), dtype=x.dtype).at[dst].add(msg)
    return out + b


def setup_inputs(seed: int = 0):
    key = jax.random.key(seed)
    ks = jax.random.split(key, 4)
    x = jax.random.normal(ks[0], (N, D_IN), dtype=jnp.float32)
    edge_index = jax.random.randint(ks[1], (2, E), 0, N, dtype=jnp.int32)
    W1 = jax.random.normal(ks[2], (D_IN, D_HID), dtype=jnp.float32) / np.sqrt(D_IN)
    b1 = jnp.zeros((D_HID,), dtype=jnp.float32)
    W2 = jax.random.normal(ks[3], (D_HID, D_OUT), dtype=jnp.float32) / np.sqrt(D_HID)
    b2 = jnp.zeros((D_OUT,), dtype=jnp.float32)
    return {"x": x, "edge_index": edge_index, "W1": W1, "b1": b1, "W2": W2, "b2": b2}


def reference(x, edge_index, W1, b1, W2, b2):
    # dropout_rate = 0.0 so dropout is identity
    h = jax.nn.relu(_gcn_conv(x, edge_index, W1, b1))
    return _gcn_conv(h, edge_index, W2, b2)

if __name__ == "__main__":
    import jax
    _d = setup_inputs()
    print(jax.jit(kernel)(*tuple(_d.values())))

</pallas_src>

<mosaic_0001>
#map = affine_map<(d0, d1) -> (0, 0, 0)>
#map1 = affine_map<(d0, d1) -> (0, 0)>
module attributes {stable_mosaic.version = 14 : i64} {
  func.func @agg_k(%arg0: i32, %arg1: i32, %arg2: memref<32x80x125xi32, #tpu.memory_space<hbm>>, %arg3: memref<32x80x125xi32, #tpu.memory_space<hbm>>, %arg4: memref<10000x64xf32, #tpu.memory_space<hbm>>, %arg5: memref<10000x64xf32, #tpu.memory_space<hbm>>, %arg6: memref<2x10000x64xf32, #tpu.memory_space<hbm>>, %arg7: memref<10000x64xf32, #tpu.memory_space<vmem_shared>>, %arg8: memref<10000x64xf32, #tpu.memory_space<vmem_shared>>, %arg9: memref<40x125xi32, #tpu.memory_space<vmem>>, %arg10: memref<40x125xi32, #tpu.memory_space<vmem>>, %arg11: memref<125x64xf32, #tpu.memory_space<vmem>>, %arg12: memref<125x64xf32, #tpu.memory_space<vmem>>, %arg13: memref<125x64xf32, #tpu.memory_space<vmem>>, %arg14: memref<125x64xf32, #tpu.memory_space<vmem>>, %arg15: memref<!tpu.dma_semaphore, #tpu.memory_space<semaphore_mem>>, %arg16: memref<!tpu.dma_semaphore, #tpu.memory_space<semaphore_mem>>, %arg17: memref<!tpu.dma_semaphore, #tpu.memory_space<semaphore_mem>>, %arg18: memref<!tpu.dma_semaphore, #tpu.memory_space<semaphore_mem>>, %arg19: memref<!tpu.dma_semaphore, #tpu.memory_space<semaphore_mem>>, %arg20: memref<!tpu.dma_semaphore, #tpu.memory_space<semaphore_mem>>, %arg21: memref<!tpu.dma_semaphore, #tpu.memory_space<semaphore_mem>>, %arg22: memref<!tpu.dma_semaphore, #tpu.memory_space<semaphore_mem>>) attributes {dimension_semantics = [#tpu.dimension_semantics<core_parallel>, #tpu.dimension_semantics<subcore_parallel>], iteration_bounds = array<i64: 2, 16>, scalar_prefetch = 0 : i64, scratch_operands = 16 : i64, tpu.core_type = #tpu.core_type<sc_vector_subcore>, window_params = [{transform_indices = #map}, {transform_indices = #map}, {transform_indices = #map1}, {transform_indices = #map1}, {transform_indices = #map}]} {
    %mul3A = arith.constant 2 : i32
    %mul3A_0 = arith.muli %arg1, %mul3A : i32
    %add3A = arith.addi %mul3A_0, %arg0 : i32
    %lt3A = arith.constant 15 : i32
    %lt3A_1 = arith.cmpi slt, %arg1, %lt3A : i32
    %convert_element_type3A = arith.extui %lt3A_1 : i1 to i32
    %cond3A = arith.constant 0 : i32
    %cond3A_2 = arith.cmpi ne, %convert_element_type3A, %cond3A : i32
    scf.if %cond3A_2 {
      %mul3A_32 = arith.constant 624 : i32
      %mul3A_33 = arith.muli %arg1, %mul3A_32 : i32
      %multiple_of3A = tpu.assume_multiple %mul3A_33, 8 : i32
      "tpu.region"() ({
        %run_scoped3A = tpu.sem_alloc : memref<!tpu.dma_semaphore, #tpu.memory_space<semaphore_mem>>
        %dma_start3A = arith.constant 0 : i32
        %dma_start3A_34 = tpu.memref_slice %arg7[%multiple_of3A, %dma_start3A] : memref<10000x64xf32, #tpu.memory_space<vmem_shared>> -> memref<624x64xf32, #tpu.memory_space<vmem_shared>>
        %dma_start3A_35 = arith.constant 0 : i32
        %dma_start3A_36 = tpu.memref_slice %arg5[%multiple_of3A, %dma_start3A_35] : memref<10000x64xf32, #tpu.memory_space<hbm>> -> memref<624x64xf32, #tpu.memory_space<hbm>>
        tpu.enqueue_dma source(%dma_start3A_36 : memref<624x64xf32, #tpu.memory_space<hbm>>) target(%dma_start3A_34 : memref<624x64xf32, #tpu.memory_space<vmem_shared>>) target_semaphore(%run_scoped3A : memref<!tpu.dma_semaphore, #tpu.memory_space<semaphore_mem>>)
        %dma_wait3A = arith.constant 0 : i32
        %dma_wait3A_37 = tpu.memref_slice %arg7[%multiple_of3A, %dma_wait3A] : memref<10000x64xf32, #tpu.memory_space<vmem_shared>> -> memref<624x64xf32, #tpu.memory_space<vmem_shared>>
        %dma_wait3A_38 = arith.constant 0 : i32
        %dma_wait3A_39 = tpu.memref_slice %arg5[%multiple_of3A, %dma_wait3A_38] : memref<10000x64xf32, #tpu.memory_space<hbm>> -> memref<624x64xf32, #tpu.memory_space<hbm>>
        tpu.wait_dma2 semaphore(%run_scoped3A : memref<!tpu.dma_semaphore, #tpu.memory_space<semaphore_mem>>) src(%dma_wait3A_39 : memref<624x64xf32, #tpu.memory_space<hbm>>) dst(%dma_wait3A_37 : memref<624x64xf32, #tpu.memory_space<vmem_shared>>)
        tpu.yield
      }) : () -> ()
    } else {
    }
    %eq3A = arith.constant 15 : i32
    %eq3A_3 = arith.cmpi eq, %arg1, %eq3A : i32
    %convert_element_type3A_4 = arith.extui %eq3A_3 : i1 to i32
    %cond3A_5 = arith.constant 0 : i32
    %cond3A_6 = arith.cmpi ne, %convert_element_type3A_4, %cond3A_5 : i32
    scf.if %cond3A_6 {
      "tpu.region"() ({
        %run_scoped3A = tpu.sem_alloc : memref<!tpu.dma_semaphore, #tpu.memory_space<semaphore_mem>>
        %dma_start3A = arith.constant 9360 : i32
        %dma_start3A_32 = arith.constant 0 : i32
        %dma_start3A_33 = tpu.memref_slice %arg7[%dma_start3A, %dma_start3A_32] : memref<10000x64xf32, #tpu.memory_space<vmem_shared>> -> memref<640x64xf32, #tpu.memory_space<vmem_shared>>
        %dma_start3A_34 = arith.constant 9360 : i32
        %dma_start3A_35 = arith.constant 0 : i32
        %dma_start3A_36 = tpu.memref_slice %arg5[%dma_start3A_34, %dma_start3A_35] : memref<10000x64xf32, #tpu.memory_space<hbm>> -> memref<640x64xf32, #tpu.memory_space<hbm>>
        tpu.enqueue_dma source(%dma_start3A_36 : memref<640x64xf32, #tpu.memory_space<hbm>>) target(%dma_start3A_33 : memref<640x64xf32, #tpu.memory_space<vmem_shared>>) target_semaphore(%run_scoped3A : memref<!tpu.dma_semaphore, #tpu.memory_space<semaphore_mem>>)
        %dma_wait3A = arith.constant 9360 : i32
        %dma_wait3A_37 = arith.constant 0 : i32
        %dma_wait3A_38 = tpu.memref_slice %arg7[%dma_wait3A, %dma_wait3A_37] : memref<10000x64xf32, #tpu.memory_space<vmem_shared>> -> memref<640x64xf32, #tpu.memory_space<vmem_shared>>
        %dma_wait3A_39 = arith.constant 9360 : i32
        %dma_wait3A_40 = arith.constant 0 : i32
        %dma_wait3A_41 = tpu.memref_slice %arg5[%dma_wait3A_39, %dma_wait3A_40] : memref<10000x64xf32, #tpu.memory_space<hbm>> -> memref<640x64xf32, #tpu.memory_space<hbm>>
        tpu.wait_dma2 semaphore(%run_scoped3A : memref<!tpu.dma_semaphore, #tpu.memory_space<semaphore_mem>>) src(%dma_wait3A_41 : memref<640x64xf32, #tpu.memory_space<hbm>>) dst(%dma_wait3A_38 : memref<640x64xf32, #tpu.memory_space<vmem_shared>>)
        tpu.yield
      }) : () -> ()
    } else {
    }
    %lt3A_7 = arith.constant 15 : i32
    %lt3A_8 = arith.cmpi slt, %arg1, %lt3A_7 : i32
    %convert_element_type3A_9 = arith.extui %lt3A_8 : i1 to i32
    %cond3A_10 = arith.constant 0 : i32
    %cond3A_11 = arith.cmpi ne, %convert_element_type3A_9, %cond3A_10 : i32
    scf.if %cond3A_11 {
      %mul3A_32 = arith.constant 624 : i32
      %mul3A_33 = arith.muli %arg1, %mul3A_32 : i32
      %multiple_of3A = tpu.assume_multiple %mul3A_33, 8 : i32
      "tpu.region"() ({
        %run_scoped3A = tpu.sem_alloc : memref<!tpu.dma_semaphore, #tpu.memory_space<semaphore_mem>>
        %dma_start3A = arith.constant 0 : i32
        %dma_start3A_34 = tpu.memref_slice %arg8[%multiple_of3A, %dma_start3A] : memref<10000x64xf32, #tpu.memory_space<vmem_shared>> -> memref<624x64xf32, #tpu.memory_space<vmem_shared>>
        %dma_start3A_35 = arith.constant 0 : i32
        %dma_start3A_36 = tpu.memref_slice %arg4[%multiple_of3A, %dma_start3A_35] : memref<10000x64xf32, #tpu.memory_space<hbm>> -> memref<624x64xf32, #tpu.memory_space<hbm>>
        tpu.enqueue_dma source(%dma_start3A_36 : memref<624x64xf32, #tpu.memory_space<hbm>>) target(%dma_start3A_34 : memref<624x64xf32, #tpu.memory_space<vmem_shared>>) target_semaphore(%run_scoped3A : memref<!tpu.dma_semaphore, #tpu.memory_space<semaphore_mem>>)
        %dma_wait3A = arith.constant 0 : i32
        %dma_wait3A_37 = tpu.memref_slice %arg8[%multiple_of3A, %dma_wait3A] : memref<10000x64xf32, #tpu.memory_space<vmem_shared>> -> memref<624x64xf32, #tpu.memory_space<vmem_shared>>
        %dma_wait3A_38 = arith.constant 0 : i32
        %dma_wait3A_39 = tpu.memref_slice %arg4[%multiple_of3A, %dma_wait3A_38] : memref<10000x64xf32, #tpu.memory_space<hbm>> -> memref<624x64xf32, #tpu.memory_space<hbm>>
        tpu.wait_dma2 semaphore(%run_scoped3A : memref<!tpu.dma_semaphore, #tpu.memory_space<semaphore_mem>>) src(%dma_wait3A_39 : memref<624x64xf32, #tpu.memory_space<hbm>>) dst(%dma_wait3A_37 : memref<624x64xf32, #tpu.memory_space<vmem_shared>>)
        tpu.yield
      }) : () -> ()
    } else {
    }
    %eq3A_12 = arith.constant 15 : i32
    %eq3A_13 = arith.cmpi eq, %arg1, %eq3A_12 : i32
    %convert_element_type3A_14 = arith.extui %eq3A_13 : i1 to i32
    %cond3A_15 = arith.constant 0 : i32
    %cond3A_16 = arith.cmpi ne, %convert_element_type3A_14, %cond3A_15 : i32
    scf.if %cond3A_16 {
      "tpu.region"() ({
        %run_scoped3A = tpu.sem_alloc : memref<!tpu.dma_semaphore, #tpu.memory_space<semaphore_mem>>
        %dma_start3A = arith.constant 9360 : i32
        %dma_start3A_32 = arith.constant 0 : i32
        %dma_start3A_33 = tpu.memref_slice %arg8[%dma_start3A, %dma_start3A_32] : memref<10000x64xf32, #tpu.memory_space<vmem_shared>> -> memref<640x64xf32, #tpu.memory_space<vmem_shared>>
        %dma_start3A_34 = arith.constant 9360 : i32
        %dma_start3A_35 = arith.constant 0 : i32
        %dma_start3A_36 = tpu.memref_slice %arg4[%dma_start3A_34, %dma_start3A_35] : memref<10000x64xf32, #tpu.memory_space<hbm>> -> memref<640x64xf32, #tpu.memory_space<hbm>>
        tpu.enqueue_dma source(%dma_start3A_36 : memref<640x64xf32, #tpu.memory_space<hbm>>) target(%dma_start3A_33 : memref<640x64xf32, #tpu.memory_space<vmem_shared>>) target_semaphore(%run_scoped3A : memref<!tpu.dma_semaphore, #tpu.memory_space<semaphore_mem>>)
        %dma_wait3A = arith.constant 9360 : i32
        %dma_wait3A_37 = arith.constant 0 : i32
        %dma_wait3A_38 = tpu.memref_slice %arg8[%dma_wait3A, %dma_wait3A_37] : memref<10000x64xf32, #tpu.memory_space<vmem_shared>> -> memref<640x64xf32, #tpu.memory_space<vmem_shared>>
        %dma_wait3A_39 = arith.constant 9360 : i32
        %dma_wait3A_40 = arith.constant 0 : i32
        %dma_wait3A_41 = tpu.memref_slice %arg4[%dma_wait3A_39, %dma_wait3A_40] : memref<10000x64xf32, #tpu.memory_space<hbm>> -> memref<640x64xf32, #tpu.memory_space<hbm>>
        tpu.wait_dma2 semaphore(%run_scoped3A : memref<!tpu.dma_semaphore, #tpu.memory_space<semaphore_mem>>) src(%dma_wait3A_41 : memref<640x64xf32, #tpu.memory_space<hbm>>) dst(%dma_wait3A_38 : memref<640x64xf32, #tpu.memory_space<vmem_shared>>)
        tpu.yield
      }) : () -> ()
    } else {
    }
    %barrier3A = arith.constant 0 : index
    tpu.barrier barrier_id(%barrier3A)
    %scan3A = arith.constant 0 : i32
    %scan3A_17 = arith.constant 2 : i32
    %scan3A_18 = arith.addi %scan3A, %scan3A_17 : i32
    %scan3A_19 = arith.constant 1 : i32
    scf.for %scan3A_32 = %scan3A to %scan3A_18 step %scan3A_19  : i32 {
      %mul3A_33 = arith.constant 1 : i32
      %mul3A_34 = arith.muli %scan3A_32, %mul3A_33 : i32
      %add3A_35 = arith.constant 0 : i32
      %add3A_36 = arith.addi %add3A_35, %mul3A_34 : i32
      %mul3A_37 = arith.constant 40 : i32
      %mul3A_38 = arith.muli %add3A_36, %mul3A_37 : i32
      %multiple_of3A = tpu.assume_multiple %mul3A_38, 8 : i32
      "tpu.region"() ({
        %run_scoped3A = tpu.sem_alloc : memref<!tpu.dma_semaphore, #tpu.memory_space<semaphore_mem>>
        %dma_start3A_70 = arith.constant 0 : i32
        %dma_start3A_71 = tpu.memref_slice %arg2[%add3A, %multiple_of3A, %dma_start3A_70] : memref<32x80x125xi32, #tpu.memory_space<hbm>> -> memref<1x40x125xi32, #tpu.memory_space<hbm>>
        %dma_start3A_72 = tpu.memref_squeeze %dma_start3A_71 : memref<1x40x125xi32, #tpu.memory_space<hbm>> -> memref<40x125xi32, #tpu.memory_space<hbm>>
        %dma_start3A_73 = arith.constant 0 : i32
        %dma_start3A_74 = tpu.memref_slice %arg2[%add3A, %multiple_of3A, %dma_start3A_73] : memref<32x80x125xi32, #tpu.memory_space<hbm>> -> memref<1x40x125xi32, #tpu.memory_space<hbm>>
        %dma_start3A_75 = tpu.memref_squeeze %dma_start3A_74 : memref<1x40x125xi32, #tpu.memory_space<hbm>> -> memref<40x125xi32, #tpu.memory_space<hbm>>
        tpu.enqueue_dma source(%dma_start3A_75 : memref<40x125xi32, #tpu.memory_space<hbm>>) target(%arg9 : memref<40x125xi32, #tpu.memory_space<vmem>>) target_semaphore(%run_scoped3A : memref<!tpu.dma_semaphore, #tpu.memory_space<semaphore_mem>>)
        %dma_wait3A_76 = arith.constant 0 : i32
        %dma_wait3A_77 = tpu.memref_slice %arg2[%add3A, %multiple_of3A, %dma_wait3A_76] : memref<32x80x125xi32, #tpu.memory_space<hbm>> -> memref<1x40x125xi32, #tpu.memory_space<hbm>>
        %dma_wait3A_78 = tpu.memref_squeeze %dma_wait3A_77 : memref<1x40x125xi32, #tpu.memory_space<hbm>> -> memref<40x125xi32, #tpu.memory_space<hbm>>
        %dma_wait3A_79 = arith.constant 0 : i32
        %dma_wait3A_80 = tpu.memref_slice %arg2[%add3A, %multiple_of3A, %dma_wait3A_79] : memref<32x80x125xi32, #tpu.memory_space<hbm>> -> memref<1x40x125xi32, #tpu.memory_space<hbm>>
        %dma_wait3A_81 = tpu.memref_squeeze %dma_wait3A_80 : memref<1x40x125xi32, #tpu.memory_space<hbm>> -> memref<40x125xi32, #tpu.memory_space<hbm>>
        tpu.wait_dma2 semaphore(%run_scoped3A : memref<!tpu.dma_semaphore, #tpu.memory_space<semaphore_mem>>) src(%dma_wait3A_81 : memref<40x125xi32, #tpu.memory_space<hbm>>) dst(%arg9 : memref<40x125xi32, #tpu.memory_space<vmem>>)
        tpu.yield
      }) : () -> ()
      "tpu.region"() ({
        %run_scoped3A = tpu.sem_alloc : memref<!tpu.dma_semaphore, #tpu.memory_space<semaphore_mem>>
        %dma_start3A_70 = arith.constant 0 : i32
        %dma_start3A_71 = tpu.memref_slice %arg3[%add3A, %multiple_of3A, %dma_start3A_70] : memref<32x80x125xi32, #tpu.memory_space<hbm>> -> memref<1x40x125xi32, #tpu.memory_space<hbm>>
        %dma_start3A_72 = tpu.memref_squeeze %dma_start3A_71 : memref<1x40x125xi32, #tpu.memory_space<hbm>> -> memref<40x125xi32, #tpu.memory_space<hbm>>
        %dma_start3A_73 = arith.constant 0 : i32
        %dma_start3A_74 = tpu.memref_slice %arg3[%add3A, %multiple_of3A, %dma_start3A_73] : memref<32x80x125xi32, #tpu.memory_space<hbm>> -> memref<1x40x125xi32, #tpu.memory_space<hbm>>
        %dma_start3A_75 = tpu.memref_squeeze %dma_start3A_74 : memref<1x40x125xi32, #tpu.memory_space<hbm>> -> memref<40x125xi32, #tpu.memory_space<hbm>>
        tpu.enqueue_dma source(%dma_start3A_75 : memref<40x125xi32, #tpu.memory_space<hbm>>) target(%arg10 : memref<40x125xi32, #tpu.memory_space<vmem>>) target_semaphore(%run_scoped3A : memref<!tpu.dma_semaphore, #tpu.memory_space<semaphore_mem>>)
        %dma_wait3A_76 = arith.constant 0 : i32
        %dma_wait3A_77 = tpu.memref_slice %arg3[%add3A, %multiple_of3A, %dma_wait3A_76] : memref<32x80x125xi32, #tpu.memory_space<hbm>> -> memref<1x40x125xi32, #tpu.memory_space<hbm>>
        %dma_wait3A_78 = tpu.memref_squeeze %dma_wait3A_77 : memref<1x40x125xi32, #tpu.memory_space<hbm>> -> memref<40x125xi32, #tpu.memory_space<hbm>>
        %dma_wait3A_79 = arith.constant 0 : i32
        %dma_wait3A_80 = tpu.memref_slice %arg3[%add3A, %multiple_of3A, %dma_wait3A_79] : memref<32x80x125xi32, #tpu.memory_space<hbm>> -> memref<1x40x125xi32, #tpu.memory_space<hbm>>
        %dma_wait3A_81 = tpu.memref_squeeze %dma_wait3A_80 : memref<1x40x125xi32, #tpu.memory_space<hbm>> -> memref<40x125xi32, #tpu.memory_space<hbm>>
        tpu.wait_dma2 semaphore(%run_scoped3A : memref<!tpu.dma_semaphore, #tpu.memory_space<semaphore_mem>>) src(%dma_wait3A_81 : memref<40x125xi32, #tpu.memory_space<hbm>>) dst(%arg10 : memref<40x125xi32, #tpu.memory_space<vmem>>)
        tpu.yield
      }) : () -> ()
      %dma_start3A = arith.constant 0 : i32
      %dma_start3A_39 = arith.constant 0 : i32
      %dma_start3A_40 = tpu.memref_slice %arg9[%dma_start3A, %dma_start3A_39] : memref<40x125xi32, #tpu.memory_space<vmem>> -> memref<1x125xi32, #tpu.memory_space<vmem>>
      %dma_start3A_41 = tpu.memref_squeeze %dma_start3A_40 : memref<1x125xi32, #tpu.memory_space<vmem>> -> memref<125xi32, #tpu.memory_space<vmem>>
      %dma_start3A_42 = arith.constant 0 : i32
      %dma_start3A_43 = arith.constant 0 : i32
      %dma_start3A_44 = tpu.memref_slice %arg8[%dma_start3A_42, %dma_start3A_43] : memref<10000x64xf32, #tpu.memory_space<vmem_shared>> -> memref<10000x64xf32, #tpu.memory_space<vmem_shared>>
      tpu.enqueue_indirect_dma source(%dma_start3A_44 : memref<10000x64xf32, #tpu.memory_space<vmem_shared>>) target(%arg11 : memref<125x64xf32, #tpu.memory_space<vmem>>) offsets(%dma_start3A_41 : memref<125xi32, #tpu.memory_space<vmem>>) semaphore(%arg15 : memref<!tpu.dma_semaphore, #tpu.memory_space<semaphore_mem>>)
      %dma_start3A_45 = arith.constant 1 : i32
      %dma_start3A_46 = arith.constant 0 : i32
      %dma_start3A_47 = tpu.memref_slice %arg9[%dma_start3A_45, %dma_start3A_46] : memref<40x125xi32, #tpu.memory_space<vmem>> -> memref<1x125xi32, #tpu.memory_space<vmem>>
      %dma_start3A_48 = tpu.memref_squeeze %dma_start3A_47 : memref<1x125xi32, #tpu.memory_space<vmem>> -> memref<125xi32, #tpu.memory_space<vmem>>
      %dma_start3A_49 = arith.constant 0 : i32
      %dma_start3A_50 = arith.constant 0 : i32
      %dma_start3A_51 = tpu.memref_slice %arg8[%dma_start3A_49, %dma_start3A_50] : memref<10000x64xf32, #tpu.memory_space<vmem_shared>> -> memref<10000x64xf32, #tpu.memory_space<vmem_shared>>
      tpu.enqueue_indirect_dma source(%dma_start3A_51 : memref<10000x64xf32, #tpu.memory_space<vmem_shared>>) target(%arg12 : memref<125x64xf32, #tpu.memory_space<vmem>>) offsets(%dma_start3A_48 : memref<125xi32, #tpu.memory_space<vmem>>) semaphore(%arg16 : memref<!tpu.dma_semaphore, #tpu.memory_space<semaphore_mem>>)
      %scan3A_52 = arith.constant 0 : i32
      %scan3A_53 = arith.constant 10 : i32
      %scan3A_54 = arith.addi %scan3A_52, %scan3A_53 : i32
      %scan3A_55 = arith.constant 1 : i32
      scf.for %scan3A_70 = %scan3A_52 to %scan3A_54 step %scan3A_55  : i32 {
        %mul3A_71 = arith.constant 4 : i32
        %mul3A_72 = arith.muli %scan3A_70, %mul3A_71 : i32
        %add3A_73 = arith.constant 0 : i32
        %add3A_74 = arith.addi %add3A_73, %mul3A_72 : i32
        %add3A_75 = arith.constant 0 : i32
        %add3A_76 = arith.addi %add3A_74, %add3A_75 : i32
        %dma_wait3A_77 = arith.constant 0 : i32
        %dma_wait3A_78 = tpu.memref_slice %arg9[%add3A_76, %dma_wait3A_77] : memref<40x125xi32, #tpu.memory_space<vmem>> -> memref<1x125xi32, #tpu.memory_space<vmem>>
        %dma_wait3A_79 = tpu.memref_squeeze %dma_wait3A_78 : memref<1x125xi32, #tpu.memory_space<vmem>> -> memref<125xi32, #tpu.memory_space<vmem>>
        %dma_wait3A_80 = arith.constant 0 : i32
        %dma_wait3A_81 = arith.constant 0 : i32
        %dma_wait3A_82 = tpu.memref_slice %arg8[%dma_wait3A_80, %dma_wait3A_81] : memref<10000x64xf32, #tpu.memory_space<vmem_shared>> -> memref<10000x64xf32, #tpu.memory_space<vmem_shared>>
        tpu.wait_indirect_dma semaphore(%arg15 : memref<!tpu.dma_semaphore, #tpu.memory_space<semaphore_mem>>) src(%dma_wait3A_82 : memref<10000x64xf32, #tpu.memory_space<vmem_shared>>) dst(%arg11 : memref<125x64xf32, #tpu.memory_space<vmem>>)
        %dma_start3A_83 = arith.constant 0 : i32
        %dma_start3A_84 = tpu.memref_slice %arg10[%add3A_76, %dma_start3A_83] : memref<40x125xi32, #tpu.memory_space<vmem>> -> memref<1x125xi32, #tpu.memory_space<vmem>>
        %dma_start3A_85 = tpu.memref_squeeze %dma_start3A_84 : memref<1x125xi32, #tpu.memory_space<vmem>> -> memref<125xi32, #tpu.memory_space<vmem>>
        %dma_start3A_86 = arith.constant 0 : i32
        %dma_start3A_87 = arith.constant 0 : i32
        %dma_start3A_88 = tpu.memref_slice %arg7[%dma_start3A_86, %dma_start3A_87] : memref<10000x64xf32, #tpu.memory_space<vmem_shared>> -> memref<10000x64xf32, #tpu.memory_space<vmem_shared>>
        tpu.enqueue_indirect_dma source(%arg11 : memref<125x64xf32, #tpu.memory_space<vmem>>) target(%dma_start3A_88 : memref<10000x64xf32, #tpu.memory_space<vmem_shared>>) offsets(%dma_start3A_85 : memref<125xi32, #tpu.memory_space<vmem>>) semaphore(%arg19 : memref<!tpu.dma_semaphore, #tpu.memory_space<semaphore_mem>>) {add = true}
        %ge3A = arith.constant 2 : i32
        %ge3A_89 = arith.cmpi sge, %add3A_76, %ge3A : i32
        %convert_element_type3A_90 = arith.extui %ge3A_89 : i1 to i32
        %cond3A_91 = arith.constant 0 : i32
        %cond3A_92 = arith.cmpi ne, %convert_element_type3A_90, %cond3A_91 : i32
        scf.if %cond3A_92 {
          %sub3A = arith.constant 2 : i32
          %sub3A_178 = arith.subi %add3A_76, %sub3A : i32
          %dma_wait3A_179 = arith.constant 0 : i32
          %dma_wait3A_180 = tpu.memref_slice %arg10[%sub3A_178, %dma_wait3A_179] : memref<40x125xi32, #tpu.memory_space<vmem>> -> memref<1x125xi32, #tpu.memory_space<vmem>>
          %dma_wait3A_181 = tpu.memref_squeeze %dma_wait3A_180 : memref<1x125xi32, #tpu.memory_space<vmem>> -> memref<125xi32, #tpu.memory_space<vmem>>
          %dma_wait3A_182 = arith.constant 0 : i32
          %dma_wait3A_183 = arith.constant 0 : i32
          %dma_wait3A_184 = tpu.memref_slice %arg7[%dma_wait3A_182, %dma_wait3A_183] : memref<10000x64xf32, #tpu.memory_space<vmem_shared>> -> memref<10000x64xf32, #tpu.memory_space<vmem_shared>>
          tpu.wait_indirect_dma semaphore(%arg21 : memref<!tpu.dma_semaphore, #tpu.memory_space<semaphore_mem>>) src(%arg13 : memref<125x64xf32, #tpu.memory_space<vmem>>) dst(%dma_wait3A_184 : memref<10000x64xf32, #tpu.memory_space<vmem_shared>>)
        } else {
        }
        %add3A_93 = arith.constant 2 : i32
        %add3A_94 = arith.addi %add3A_76, %add3A_93 : i32
        %lt3A_95 = arith.constant 40 : i32
        %lt3A_96 = arith.cmpi slt, %add3A_94, %lt3A_95 : i32
        %convert_element_type3A_97 = arith.extui %lt3A_96 : i1 to i32
        %cond3A_98 = arith.constant 0 : i32
        %cond3A_99 = arith.cmpi ne, %convert_element_type3A_97, %cond3A_98 : i32
        scf.if %cond3A_99 {
          %add3A_178 = arith.constant 2 : i32
          %add3A_179 = arith.addi %add3A_76, %add3A_178 : i32
          %dma_start3A_180 = arith.constant 0 : i32
          %dma_start3A_181 = tpu.memref_slice %arg9[%add3A_179, %dma_start3A_180] : memref<40x125xi32, #tpu.memory_space<vmem>> -> memref<1x125xi32, #tpu.memory_space<vmem>>
          %dma_start3A_182 = tpu.memref_squeeze %dma_start3A_181 : memref<1x125xi32, #tpu.memory_space<vmem>> -> memref<125xi32, #tpu.memory_space<vmem>>
          %dma_start3A_183 = arith.constant 0 : i32
          %dma_start3A_184 = arith.constant 0 : i32
          %dma_start3A_185 = tpu.memref_slice %arg8[%dma_start3A_183, %dma_start3A_184] : memref<10000x64xf32, #tpu.memory_space<vmem_shared>> -> memref<10000x64xf32, #tpu.memory_space<vmem_shared>>
          tpu.enqueue_indirect_dma source(%dma_start3A_185 : memref<10000x64xf32, #tpu.memory_space<vmem_shared>>) target(%arg13 : memref<125x64xf32, #tpu.memory_space<vmem>>) offsets(%dma_start3A_182 : memref<125xi32, #tpu.memory_space<vmem>>) semaphore(%arg17 : memref<!tpu.dma_semaphore, #tpu.memory_space<semaphore_mem>>)
        } else {
        }
        %add3A_100 = arith.constant 1 : i32
        %add3A_101 = arith.addi %add3A_74, %add3A_100 : i32
        %dma_wait3A_102 = arith.constant 0 : i32
        %dma_wait3A_103 = tpu.memref_slice %arg9[%add3A_101, %dma_wait3A_102] : memref<40x125xi32, #tpu.memory_space<vmem>> -> memref<1x125xi32, #tpu.memory_space<vmem>>
        %dma_wait3A_104 = tpu.memref_squeeze %dma_wait3A_103 : memref<1x125xi32, #tpu.memory_space<vmem>> -> memref<125xi32, #tpu.memory_space<vmem>>
        %dma_wait3A_105 = arith.constant 0 : i32
        %dma_wait3A_106 = arith.constant 0 : i32
        %dma_wait3A_107 = tpu.memref_slice %arg8[%dma_wait3A_105, %dma_wait3A_106] : memref<10000x64xf32, #tpu.memory_space<vmem_shared>> -> memref<10000x64xf32, #tpu.memory_space<vmem_shared>>
        tpu.wait_indirect_dma semaphore(%arg16 : memref<!tpu.dma_semaphore, #tpu.memory_space<semaphore_mem>>) src(%dma_wait3A_107 : memref<10000x64xf32, #tpu.memory_space<vmem_shared>>) dst(%arg12 : memref<125x64xf32, #tpu.memory_space<vmem>>)
        %dma_start3A_108 = arith.constant 0 : i32
        %dma_start3A_109 = tpu.memref_slice %arg10[%add3A_101, %dma_start3A_108] : memref<40x125xi32, #tpu.memory_space<vmem>> -> memref<1x125xi32, #tpu.memory_space<vmem>>
        %dma_start3A_110 = tpu.memref_squeeze %dma_start3A_109 : memref<1x125xi32, #tpu.memory_space<vmem>> -> memref<125xi32, #tpu.memory_space<vmem>>
        %dma_start3A_111 = arith.constant 0 : i32
        %dma_start3A_112 = arith.constant 0 : i32
        %dma_start3A_113 = tpu.memref_slice %arg7[%dma_start3A_111, %dma_start3A_112] : memref<10000x64xf32, #tpu.memory_space<vmem_shared>> -> memref<10000x64xf32, #tpu.memory_space<vmem_shared>>
        tpu.enqueue_indirect_dma source(%arg12 : memref<125x64xf32, #tpu.memory_space<vmem>>) target(%dma_start3A_113 : memref<10000x64xf32, #tpu.memory_space<vmem_shared>>) offsets(%dma_start3A_110 : memref<125xi32, #tpu.memory_space<vmem>>) semaphore(%arg20 : memref<!tpu.dma_semaphore, #tpu.memory_space<semaphore_mem>>) {add = true}
        %ge3A_114 = arith.constant 2 : i32
        %ge3A_115 = arith.cmpi sge, %add3A_101, %ge3A_114 : i32
        %convert_element_type3A_116 = arith.extui %ge3A_115 : i1 to i32
        %cond3A_117 = arith.constant 0 : i32
        %cond3A_118 = arith.cmpi ne, %convert_element_type3A_116, %cond3A_117 : i32
        scf.if %cond3A_118 {
          %sub3A = arith.constant 2 : i32
          %sub3A_178 = arith.subi %add3A_101, %sub3A : i32
          %dma_wait3A_179 = arith.constant 0 : i32
          %dma_wait3A_180 = tpu.memref_slice %arg10[%sub3A_178, %dma_wait3A_179] : memref<40x125xi32, #tpu.memory_space<vmem>> -> memref<1x125xi32, #tpu.memory_space<vmem>>
          %dma_wait3A_181 = tpu.memref_squeeze %dma_wait3A_180 : memref<1x125xi32, #tpu.memory_space<vmem>> -> memref<125xi32, #tpu.memory_space<vmem>>
          %dma_wait3A_182 = arith.constant 0 : i32
          %dma_wait3A_183 = arith.constant 0 : i32
          %dma_wait3A_184 = tpu.memref_slice %arg7[%dma_wait3A_182, %dma_wait3A_183] : memref<10000x64xf32, #tpu.memory_space<vmem_shared>> -> memref<10000x64xf32, #tpu.memory_space<vmem_shared>>
          tpu.wait_indirect_dma semaphore(%arg22 : memref<!tpu.dma_semaphore, #tpu.memory_space<semaphore_mem>>) src(%arg14 : memref<125x64xf32, #tpu.memory_space<vmem>>) dst(%dma_wait3A_184 : memref<10000x64xf32, #tpu.memory_space<vmem_shared>>)
        } else {
        }
        %add3A_119 = arith.constant 2 : i32
        %add3A_120 = arith.addi %add3A_101, %add3A_119 : i32
        %lt3A_121 = arith.constant 40 : i32
        %lt3A_122 = arith.cmpi slt, %add3A_120, %lt3A_121 : i32
        %convert_element_type3A_123 = arith.extui %lt3A_122 : i1 to i32
        %cond3A_124 = arith.constant 0 : i32
        %cond3A_125 = arith.cmpi ne, %convert_element_type3A_123, %cond3A_124 : i32
        scf.if %cond3A_125 {
          %add3A_178 = arith.constant 2 : i32
          %add3A_179 = arith.addi %add3A_101, %add3A_178 : i32
          %dma_start3A_180 = arith.constant 0 : i32
          %dma_start3A_181 = tpu.memref_slice %arg9[%add3A_179, %dma_start3A_180] : memref<40x125xi32, #tpu.memory_space<vmem>> -> memref<1x125xi32, #tpu.memory_space<vmem>>
          %dma_start3A_182 = tpu.memref_squeeze %dma_start3A_181 : memref<1x125xi32, #tpu.memory_space<vmem>> -> memref<125xi32, #tpu.memory_space<vmem>>
          %dma_start3A_183 = arith.constant 0 : i32
          %dma_start3A_184 = arith.constant 0 : i32
          %dma_start3A_185 = tpu.memref_slice %arg8[%dma_start3A_183, %dma_start3A_184] : memref<10000x64xf32, #tpu.memory_space<vmem_shared>> -> memref<10000x64xf32, #tpu.memory_space<vmem_shared>>
          tpu.enqueue_indirect_dma source(%dma_start3A_185 : memref<10000x64xf32, #tpu.memory_space<vmem_shared>>) target(%arg14 : memref<125x64xf32, #tpu.memory_space<vmem>>) offsets(%dma_start3A_182 : memref<125xi32, #tpu.memory_space<vmem>>) semaphore(%arg18 : memref<!tpu.dma_semaphore, #tpu.memory_space<semaphore_mem>>)
        } else {
        }
        %add3A_126 = arith.constant 2 : i32
        %add3A_127 = arith.addi %add3A_74, %add3A_126 : i32
        %dma_wait3A_128 = arith.constant 0 : i32
        %dma_wait3A_129 = tpu.memref_slice %arg9[%add3A_127, %dma_wait3A_128] : memref<40x125xi32, #tpu.memory_space<vmem>> -> memref<1x125xi32, #tpu.memory_space<vmem>>
        %dma_wait3A_130 = tpu.memref_squeeze %dma_wait3A_129 : memref<1x125xi32, #tpu.memory_space<vmem>> -> memref<125xi32, #tpu.memory_space<vmem>>
        %dma_wait3A_131 = arith.constant 0 : i32
        %dma_wait3A_132 = arith.constant 0 : i32
        %dma_wait3A_133 = tpu.memref_slice %arg8[%dma_wait3A_131, %dma_wait3A_132] : memref<10000x64xf32, #tpu.memory_space<vmem_shared>> -> memref<10000x64xf32, #tpu.memory_space<vmem_shared>>
        tpu.wait_indirect_dma semaphore(%arg17 : memref<!tpu.dma_semaphore, #tpu.memory_space<semaphore_mem>>) src(%dma_wait3A_133 : memref<10000x64xf32, #tpu.memory_space<vmem_shared>>) dst(%arg13 : memref<125x64xf32, #tpu.memory_space<vmem>>)
        %dma_start3A_134 = arith.constant 0 : i32
        %dma_start3A_135 = tpu.memref_slice %arg10[%add3A_127, %dma_start3A_134] : memref<40x125xi32, #tpu.memory_space<vmem>> -> memref<1x125xi32, #tpu.memory_space<vmem>>
        %dma_start3A_136 = tpu.memref_squeeze %dma_start3A_135 : memref<1x125xi32, #tpu.memory_space<vmem>> -> memref<125xi32, #tpu.memory_space<vmem>>
        %dma_start3A_137 = arith.constant 0 : i32
        %dma_start3A_138 = arith.constant 0 : i32
        %dma_start3A_139 = tpu.memref_slice %arg7[%dma_start3A_137, %dma_start3A_138] : memref<10000x64xf32, #tpu.memory_space<vmem_shared>> -> memref<10000x64xf32, #tpu.memory_space<vmem_shared>>
        tpu.enqueue_indirect_dma source(%arg13 : memref<125x64xf32, #tpu.memory_space<vmem>>) target(%dma_start3A_139 : memref<10000x64xf32, #tpu.memory_space<vmem_shared>>) offsets(%dma_start3A_136 : memref<125xi32, #tpu.memory_space<vmem>>) semaphore(%arg21 : memref<!tpu.dma_semaphore, #tpu.memory_space<semaphore_mem>>) {add = true}
        %ge3A_140 = arith.constant 2 : i32
        %ge3A_141 = arith.cmpi sge, %add3A_127, %ge3A_140 : i32
        %convert_element_type3A_142 = arith.extui %ge3A_141 : i1 to i32
        %cond3A_143 = arith.constant 0 : i32
        %cond3A_144 = arith.cmpi ne, %convert_element_type3A_142, %cond3A_143 : i32
        scf.if %cond3A_144 {
          %sub3A = arith.constant 2 : i32
          %sub3A_178 = arith.subi %add3A_127, %sub3A : i32
          %dma_wait3A_179 = arith.constant 0 : i32
          %dma_wait3A_180 = tpu.memref_slice %arg10[%sub3A_178, %dma_wait3A_179] : memref<40x125xi32, #tpu.memory_space<vmem>> -> memref<1x125xi32, #tpu.memory_space<vmem>>
          %dma_wait3A_181 = tpu.memref_squeeze %dma_wait3A_180 : memref<1x125xi32, #tpu.memory_space<vmem>> -> memref<125xi32, #tpu.memory_space<vmem>>
          %dma_wait3A_182 = arith.constant 0 : i32
          %dma_wait3A_183 = arith.constant 0 : i32
          %dma_wait3A_184 = tpu.memref_slice %arg7[%dma_wait3A_182, %dma_wait3A_183] : memref<10000x64xf32, #tpu.memory_space<vmem_shared>> -> memref<10000x64xf32, #tpu.memory_space<vmem_shared>>
          tpu.wait_indirect_dma semaphore(%arg19 : memref<!tpu.dma_semaphore, #tpu.memory_space<semaphore_mem>>) src(%arg11 : memref<125x64xf32, #tpu.memory_space<vmem>>) dst(%dma_wait3A_184 : memref<10000x64xf32, #tpu.memory_space<vmem_shared>>)
        } else {
        }
        %add3A_145 = arith.constant 2 : i32
        %add3A_146 = arith.addi %add3A_127, %add3A_145 : i32
        %lt3A_147 = arith.constant 40 : i32
        %lt3A_148 = arith.cmpi slt, %add3A_146, %lt3A_147 : i32
        %convert_element_type3A_149 = arith.extui %lt3A_148 : i1 to i32
        %cond3A_150 = arith.constant 0 : i32
        %cond3A_151 = arith.cmpi ne, %convert_element_type3A_149, %cond3A_150 : i32
        scf.if %cond3A_151 {
          %add3A_178 = arith.constant 2 : i32
          %add3A_179 = arith.addi %add3A_127, %add3A_178 : i32
          %dma_start3A_180 = arith.constant 0 : i32
          %dma_start3A_181 = tpu.memref_slice %arg9[%add3A_179, %dma_start3A_180] : memref<40x125xi32, #tpu.memory_space<vmem>> -> memref<1x125xi32, #tpu.memory_space<vmem>>
          %dma_start3A_182 = tpu.memref_squeeze %dma_start3A_181 : memref<1x125xi32, #tpu.memory_space<vmem>> -> memref<125xi32, #tpu.memory_space<vmem>>
          %dma_start3A_183 = arith.constant 0 : i32
          %dma_start3A_184 = arith.constant 0 : i32
          %dma_start3A_185 = tpu.memref_slice %arg8[%dma_start3A_183, %dma_start3A_184] : memref<10000x64xf32, #tpu.memory_space<vmem_shared>> -> memref<10000x64xf32, #tpu.memory_space<vmem_shared>>
          tpu.enqueue_indirect_dma source(%dma_start3A_185 : memref<10000x64xf32, #tpu.memory_space<vmem_shared>>) target(%arg11 : memref<125x64xf32, #tpu.memory_space<vmem>>) offsets(%dma_start3A_182 : memref<125xi32, #tpu.memory_space<vmem>>) semaphore(%arg15 : memref<!tpu.dma_semaphore, #tpu.memory_space<semaphore_mem>>)
        } else {
        }
        %add3A_152 = arith.constant 3 : i32
        %add3A_153 = arith.addi %add3A_74, %add3A_152 : i32
        %dma_wait3A_154 = arith.constant 0 : i32
        %dma_wait3A_155 = tpu.memref_slice %arg9[%add3A_153, %dma_wait3A_154] : memref<40x125xi32, #tpu.memory_space<vmem>> -> memref<1x125xi32, #tpu.memory_space<vmem>>
        %dma_wait3A_156 = tpu.memref_squeeze %dma_wait3A_155 : memref<1x125xi32, #tpu.memory_space<vmem>> -> memref<125xi32, #tpu.memory_space<vmem>>
        %dma_wait3A_157 = arith.constant 0 : i32
        %dma_wait3A_158 = arith.constant 0 : i32
        %dma_wait3A_159 = tpu.memref_slice %arg8[%dma_wait3A_157, %dma_wait3A_158] : memref<10000x64xf32, #tpu.memory_space<vmem_shared>> -> memref<10000x64xf32, #tpu.memory_space<vmem_shared>>
        tpu.wait_indirect_dma semaphore(%arg18 : memref<!tpu.dma_semaphore, #tpu.memory_space<semaphore_mem>>) src(%dma_wait3A_159 : memref<10000x64xf32, #tpu.memory_space<vmem_shared>>) dst(%arg14 : memref<125x64xf32, #tpu.memory_space<vmem>>)
        %dma_start3A_160 = arith.constant 0 : i32
        %dma_start3A_161 = tpu.memref_slice %arg10[%add3A_153, %dma_start3A_160] : memref<40x125xi32, #tpu.memory_space<vmem>> -> memref<1x125xi32, #tpu.memory_space<vmem>>
        %dma_start3A_162 = tpu.memref_squeeze %dma_start3A_161 : memref<1x125xi32, #tpu.memory_space<vmem>> -> memref<125xi32, #tpu.memory_space<vmem>>
        %dma_start3A_163 = arith.constant 0 : i32
        %dma_start3A_164 = arith.constant 0 : i32
        %dma_start3A_165 = tpu.memref_slice %arg7[%dma_start3A_163, %dma_start3A_164] : memref<10000x64xf32, #tpu.memory_space<vmem_shared>> -> memref<10000x64xf32, #tpu.memory_space<vmem_shared>>
        tpu.enqueue_indirect_dma source(%arg14 : memref<125x64xf32, #tpu.memory_space<vmem>>) target(%dma_start3A_165 : memref<10000x64xf32, #tpu.memory_space<vmem_shared>>) offsets(%dma_start3A_162 : memref<125xi32, #tpu.memory_space<vmem>>) semaphore(%arg22 : memref<!tpu.dma_semaphore, #tpu.memory_space<semaphore_mem>>) {add = true}
        %ge3A_166 = arith.constant 2 : i32
        %ge3A_167 = arith.cmpi sge, %add3A_153, %ge3A_166 : i32
        %convert_element_type3A_168 = arith.extui %ge3A_167 : i1 to i32
        %cond3A_169 = arith.constant 0 : i32
        %cond3A_170 = arith.cmpi ne, %convert_element_type3A_168, %cond3A_169 : i32
        scf.if %cond3A_170 {
          %sub3A = arith.constant 2 : i32
          %sub3A_178 = arith.subi %add3A_153, %sub3A : i32
          %dma_wait3A_179 = arith.constant 0 : i32
          %dma_wait3A_180 = tpu.memref_slice %arg10[%sub3A_178, %dma_wait3A_179] : memref<40x125xi32, #tpu.memory_space<vmem>> -> memref<1x125xi32, #tpu.memory_space<vmem>>
          %dma_wait3A_181 = tpu.memref_squeeze %dma_wait3A_180 : memref<1x125xi32, #tpu.memory_space<vmem>> -> memref<125xi32, #tpu.memory_space<vmem>>
          %dma_wait3A_182 = arith.constant 0 : i32
          %dma_wait3A_183 = arith.constant 0 : i32
          %dma_wait3A_184 = tpu.memref_slice %arg7[%dma_wait3A_182, %dma_wait3A_183] : memref<10000x64xf32, #tpu.memory_space<vmem_shared>> -> memref<10000x64xf32, #tpu.memory_space<vmem_shared>>
          tpu.wait_indirect_dma semaphore(%arg20 : memref<!tpu.dma_semaphore, #tpu.memory_space<semaphore_mem>>) src(%arg12 : memref<125x64xf32, #tpu.memory_space<vmem>>) dst(%dma_wait3A_184 : memref<10000x64xf32, #tpu.memory_space<vmem_shared>>)
        } else {
        }
        %add3A_171 = arith.constant 2 : i32
        %add3A_172 = arith.addi %add3A_153, %add3A_171 : i32
        %lt3A_173 = arith.constant 40 : i32
        %lt3A_174 = arith.cmpi slt, %add3A_172, %lt3A_173 : i32
        %convert_element_type3A_175 = arith.extui %lt3A_174 : i1 to i32
        %cond3A_176 = arith.constant 0 : i32
        %cond3A_177 = arith.cmpi ne, %convert_element_type3A_175, %cond3A_176 : i32
        scf.if %cond3A_177 {
          %add3A_178 = arith.constant 2 : i32
          %add3A_179 = arith.addi %add3A_153, %add3A_178 : i32
          %dma_start3A_180 = arith.constant 0 : i32
          %dma_start3A_181 = tpu.memref_slice %arg9[%add3A_179, %dma_start3A_180] : memref<40x125xi32, #tpu.memory_space<vmem>> -> memref<1x125xi32, #tpu.memory_space<vmem>>
          %dma_start3A_182 = tpu.memref_squeeze %dma_start3A_181 : memref<1x125xi32, #tpu.memory_space<vmem>> -> memref<125xi32, #tpu.memory_space<vmem>>
          %dma_start3A_183 = arith.constant 0 : i32
          %dma_start3A_184 = arith.constant 0 : i32
          %dma_start3A_185 = tpu.memref_slice %arg8[%dma_start3A_183, %dma_start3A_184] : memref<10000x64xf32, #tpu.memory_space<vmem_shared>> -> memref<10000x64xf32, #tpu.memory_space<vmem_shared>>
          tpu.enqueue_indirect_dma source(%dma_start3A_185 : memref<10000x64xf32, #tpu.memory_space<vmem_shared>>) target(%arg12 : memref<125x64xf32, #tpu.memory_space<vmem>>) offsets(%dma_start3A_182 : memref<125xi32, #tpu.memory_space<vmem>>) semaphore(%arg16 : memref<!tpu.dma_semaphore, #tpu.memory_space<semaphore_mem>>)
        } else {
        }
      }
      %scan3A_56 = arith.constant 10 : i32
      %dma_wait3A = arith.constant 38 : i32
      %dma_wait3A_57 = arith.constant 0 : i32
      %dma_wait3A_58 = tpu.memref_slice %arg10[%dma_wait3A, %dma_wait3A_57] : memref<40x125xi32, #tpu.memory_space<vmem>> -> memref<1x125xi32, #tpu.memory_space<vmem>>
      %dma_wait3A_59 = tpu.memref_squeeze %dma_wait3A_58 : memref<1x125xi32, #tpu.memory_space<vmem>> -> memref<125xi32, #tpu.memory_space<vmem>>
      %dma_wait3A_60 = arith.constant 0 : i32
      %dma_wait3A_61 = arith.constant 0 : i32
      %dma_wait3A_62 = tpu.memref_slice %arg7[%dma_wait3A_60, %dma_wait3A_61] : memref<10000x64xf32, #tpu.memory_space<vmem_shared>> -> memref<10000x64xf32, #tpu.memory_space<vmem_shared>>
      tpu.wait_indirect_dma semaphore(%arg21 : memref<!tpu.dma_semaphore, #tpu.memory_space<semaphore_mem>>) src(%arg13 : memref<125x64xf32, #tpu.memory_space<vmem>>) dst(%dma_wait3A_62 : memref<10000x64xf32, #tpu.memory_space<vmem_shared>>)
      %dma_wait3A_63 = arith.constant 39 : i32
      %dma_wait3A_64 = arith.constant 0 : i32
      %dma_wait3A_65 = tpu.memref_slice %arg10[%dma_wait3A_63, %dma_wait3A_64] : memref<40x125xi32, #tpu.memory_space<vmem>> -> memref<1x125xi32, #tpu.memory_space<vmem>>
      %dma_wait3A_66 = tpu.memref_squeeze %dma_wait3A_65 : memref<1x125xi32, #tpu.memory_space<vmem>> -> memref<125xi32, #tpu.memory_space<vmem>>
      %dma_wait3A_67 = arith.constant 0 : i32
      %dma_wait3A_68 = arith.constant 0 : i32
      %dma_wait3A_69 = tpu.memref_slice %arg7[%dma_wait3A_67, %dma_wait3A_68] : memref<10000x64xf32, #tpu.memory_space<vmem_shared>> -> memref<10000x64xf32, #tpu.memory_space<vmem_shared>>
      tpu.wait_indirect_dma semaphore(%arg22 : memref<!tpu.dma_semaphore, #tpu.memory_space<semaphore_mem>>) src(%arg14 : memref<125x64xf32, #tpu.memory_space<vmem>>) dst(%dma_wait3A_69 : memref<10000x64xf32, #tpu.memory_space<vmem_shared>>)
    }
    %scan3A_20 = arith.constant 2 : i32
    %barrier3A_21 = arith.constant 0 : index
    tpu.barrier barrier_id(%barrier3A_21)
    %lt3A_22 = arith.constant 15 : i32
    %lt3A_23 = arith.cmpi slt, %arg1, %lt3A_22 : i32
    %convert_element_type3A_24 = arith.extui %lt3A_23 : i1 to i32
    %cond3A_25 = arith.constant 0 : i32
    %cond3A_26 = arith.cmpi ne, %convert_element_type3A_24, %cond3A_25 : i32
    scf.if %cond3A_26 {
      %mul3A_32 = arith.constant 624 : i32
      %mul3A_33 = arith.muli %arg1, %mul3A_32 : i32
      %multiple_of3A = tpu.assume_multiple %mul3A_33, 8 : i32
      "tpu.region"() ({
        %run_scoped3A = tpu.sem_alloc : memref<!tpu.dma_semaphore, #tpu.memory_space<semaphore_mem>>
        %dma_start3A = arith.constant 0 : i32
        %dma_start3A_34 = tpu.memref_slice %arg6[%arg0, %multiple_of3A, %dma_start3A] : memref<2x10000x64xf32, #tpu.memory_space<hbm>> -> memref<1x624x64xf32, #tpu.memory_space<hbm>>
        %dma_start3A_35 = tpu.memref_squeeze %dma_start3A_34 : memref<1x624x64xf32, #tpu.memory_space<hbm>> -> memref<624x64xf32, #tpu.memory_space<hbm>>
        %dma_start3A_36 = arith.constant 0 : i32
        %dma_start3A_37 = tpu.memref_slice %arg7[%multiple_of3A, %dma_start3A_36] : memref<10000x64xf32, #tpu.memory_space<vmem_shared>> -> memref<624x64xf32, #tpu.memory_space<vmem_shared>>
        tpu.enqueue_dma source(%dma_start3A_37 : memref<624x64xf32, #tpu.memory_space<vmem_shared>>) target(%dma_start3A_35 : memref<624x64xf32, #tpu.memory_space<hbm>>) target_semaphore(%run_scoped3A : memref<!tpu.dma_semaphore, #tpu.memory_space<semaphore_mem>>)
        %dma_wait3A = arith.constant 0 : i32
        %dma_wait3A_38 = tpu.memref_slice %arg6[%arg0, %multiple_of3A, %dma_wait3A] : memref<2x10000x64xf32, #tpu.memory_space<hbm>> -> memref<1x624x64xf32, #tpu.memory_space<hbm>>
        %dma_wait3A_39 = tpu.memref_squeeze %dma_wait3A_38 : memref<1x624x64xf32, #tpu.memory_space<hbm>> -> memref<624x64xf32, #tpu.memory_space<hbm>>
        %dma_wait3A_40 = arith.constant 0 : i32
        %dma_wait3A_41 = tpu.memref_slice %arg7[%multiple_of3A, %dma_wait3A_40] : memref<10000x64xf32, #tpu.memory_space<vmem_shared>> -> memref<624x64xf32, #tpu.memory_space<vmem_shared>>
        tpu.wait_dma2 semaphore(%run_scoped3A : memref<!tpu.dma_semaphore, #tpu.memory_space<semaphore_mem>>) src(%dma_wait3A_41 : memref<624x64xf32, #tpu.memory_space<vmem_shared>>) dst(%dma_wait3A_39 : memref<624x64xf32, #tpu.memory_space<hbm>>)
        tpu.yield
      }) : () -> ()
    } else {
    }
    %eq3A_27 = arith.constant 15 : i32
    %eq3A_28 = arith.cmpi eq, %arg1, %eq3A_27 : i32
    %convert_element_type3A_29 = arith.extui %eq3A_28 : i1 to i32
    %cond3A_30 = arith.constant 0 : i32
    %cond3A_31 = arith.cmpi ne, %convert_element_type3A_29, %cond3A_30 : i32
    scf.if %cond3A_31 {
      "tpu.region"() ({
        %run_scoped3A = tpu.sem_alloc : memref<!tpu.dma_semaphore, #tpu.memory_space<semaphore_mem>>
        %dma_start3A = arith.constant 9360 : i32
        %dma_start3A_32 = arith.constant 0 : i32
        %dma_start3A_33 = tpu.memref_slice %arg6[%arg0, %dma_start3A, %dma_start3A_32] : memref<2x10000x64xf32, #tpu.memory_space<hbm>> -> memref<1x640x64xf32, #tpu.memory_space<hbm>>
        %dma_start3A_34 = tpu.memref_squeeze %dma_start3A_33 : memref<1x640x64xf32, #tpu.memory_space<hbm>> -> memref<640x64xf32, #tpu.memory_space<hbm>>
        %dma_start3A_35 = arith.constant 9360 : i32
        %dma_start3A_36 = arith.constant 0 : i32
        %dma_start3A_37 = tpu.memref_slice %arg7[%dma_start3A_35, %dma_start3A_36] : memref<10000x64xf32, #tpu.memory_space<vmem_shared>> -> memref<640x64xf32, #tpu.memory_space<vmem_shared>>
        tpu.enqueue_dma source(%dma_start3A_37 : memref<640x64xf32, #tpu.memory_space<vmem_shared>>) target(%dma_start3A_34 : memref<640x64xf32, #tpu.memory_space<hbm>>) target_semaphore(%run_scoped3A : memref<!tpu.dma_semaphore, #tpu.memory_space<semaphore_mem>>)
        %dma_wait3A = arith.constant 9360 : i32
        %dma_wait3A_38 = arith.constant 0 : i32
        %dma_wait3A_39 = tpu.memref_slice %arg6[%arg0, %dma_wait3A, %dma_wait3A_38] : memref<2x10000x64xf32, #tpu.memory_space<hbm>> -> memref<1x640x64xf32, #tpu.memory_space<hbm>>
        %dma_wait3A_40 = tpu.memref_squeeze %dma_wait3A_39 : memref<1x640x64xf32, #tpu.memory_space<hbm>> -> memref<640x64xf32, #tpu.memory_space<hbm>>
        %dma_wait3A_41 = arith.constant 9360 : i32
        %dma_wait3A_42 = arith.constant 0 : i32
        %dma_wait3A_43 = tpu.memref_slice %arg7[%dma_wait3A_41, %dma_wait3A_42] : memref<10000x64xf32, #tpu.memory_space<vmem_shared>> -> memref<640x64xf32, #tpu.memory_space<vmem_shared>>
        tpu.wait_dma2 semaphore(%run_scoped3A : memref<!tpu.dma_semaphore, #tpu.memory_space<semaphore_mem>>) src(%dma_wait3A_43 : memref<640x64xf32, #tpu.memory_space<vmem_shared>>) dst(%dma_wait3A_40 : memref<640x64xf32, #tpu.memory_space<hbm>>)
        tpu.yield
      }) : () -> ()
    } else {
    }
    return
  }
}

#map = affine_map<(d0, d1) -> (0, 0, 0)>
#map1 = affine_map<(d0, d1) -> (0)>
#map2 = affine_map<(d0, d1) -> (0, 0)>
module attributes {stable_mosaic.version = 14 : i64} {
  func.func @deg_k(%arg0: i32, %arg1: i32, %arg2: memref<32x80x125xi32, #tpu.memory_space<hbm>>, %arg3: memref<10000xf32, #tpu.memory_space<hbm>>, %arg4: memref<125xf32, #tpu.memory_space<hbm>>, %arg5: memref<2x10000xf32, #tpu.memory_space<hbm>>, %arg6: memref<10000xf32, #tpu.memory_space<vmem_shared>>, %arg7: memref<80x125xi32, #tpu.memory_space<vmem>>, %arg8: memref<125xf32, #tpu.memory_space<vmem>>, %arg9: memref<!tpu.dma_semaphore, #tpu.memory_space<semaphore_mem>>) attributes {dimension_semantics = [#tpu.dimension_semantics<core_parallel>, #tpu.dimension_semantics<subcore_parallel>], iteration_bounds = array<i64: 2, 16>, scalar_prefetch = 0 : i64, scratch_operands = 4 : i64, tpu.core_type = #tpu.core_type<sc_vector_subcore>, window_params = [{transform_indices = #map}, {transform_indices = #map1}, {transform_indices = #map1}, {transform_indices = #map2}]} {
    %mul3A = arith.constant 2 : i32
    %mul3A_0 = arith.muli %arg1, %mul3A : i32
    %add3A = arith.addi %mul3A_0, %arg0 : i32
    "tpu.region"() ({
      %run_scoped3A = tpu.sem_alloc : memref<!tpu.dma_semaphore, #tpu.memory_space<semaphore_mem>>
      %dma_start3A = arith.constant 0 : i32
      %dma_start3A_22 = arith.constant 0 : i32
      %dma_start3A_23 = tpu.memref_slice %arg2[%add3A, %dma_start3A, %dma_start3A_22] : memref<32x80x125xi32, #tpu.memory_space<hbm>> -> memref<1x80x125xi32, #tpu.memory_space<hbm>>
      %dma_start3A_24 = tpu.memref_squeeze %dma_start3A_23 : memref<1x80x125xi32, #tpu.memory_space<hbm>> -> memref<80x125xi32, #tpu.memory_space<hbm>>
      %dma_start3A_25 = arith.constant 0 : i32
      %dma_start3A_26 = arith.constant 0 : i32
      %dma_start3A_27 = tpu.memref_slice %arg2[%add3A, %dma_start3A_25, %dma_start3A_26] : memref<32x80x125xi32, #tpu.memory_space<hbm>> -> memref<1x80x125xi32, #tpu.memory_space<hbm>>
      %dma_start3A_28 = tpu.memref_squeeze %dma_start3A_27 : memref<1x80x125xi32, #tpu.memory_space<hbm>> -> memref<80x125xi32, #tpu.memory_space<hbm>>
      tpu.enqueue_dma source(%dma_start3A_28 : memref<80x125xi32, #tpu.memory_space<hbm>>) target(%arg7 : memref<80x125xi32, #tpu.memory_space<vmem>>) target_semaphore(%run_scoped3A : memref<!tpu.dma_semaphore, #tpu.memory_space<semaphore_mem>>)
      %dma_wait3A = arith.constant 0 : i32
      %dma_wait3A_29 = arith.constant 0 : i32
      %dma_wait3A_30 = tpu.memref_slice %arg2[%add3A, %dma_wait3A, %dma_wait3A_29] : memref<32x80x125xi32, #tpu.memory_space<hbm>> -> memref<1x80x125xi32, #tpu.memory_space<hbm>>
      %dma_wait3A_31 = tpu.memref_squeeze %dma_wait3A_30 : memref<1x80x125xi32, #tpu.memory_space<hbm>> -> memref<80x125xi32, #tpu.memory_space<hbm>>
      %dma_wait3A_32 = arith.constant 0 : i32
      %dma_wait3A_33 = arith.constant 0 : i32
      %dma_wait3A_34 = tpu.memref_slice %arg2[%add3A, %dma_wait3A_32, %dma_wait3A_33] : memref<32x80x125xi32, #tpu.memory_space<hbm>> -> memref<1x80x125xi32, #tpu.memory_space<hbm>>
      %dma_wait3A_35 = tpu.memref_squeeze %dma_wait3A_34 : memref<1x80x125xi32, #tpu.memory_space<hbm>> -> memref<80x125xi32, #tpu.memory_space<hbm>>
      tpu.wait_dma2 semaphore(%run_scoped3A : memref<!tpu.dma_semaphore, #tpu.memory_space<semaphore_mem>>) src(%dma_wait3A_35 : memref<80x125xi32, #tpu.memory_space<hbm>>) dst(%arg7 : memref<80x125xi32, #tpu.memory_space<vmem>>)
      tpu.yield
    }) : () -> ()
    "tpu.region"() ({
      %run_scoped3A = tpu.sem_alloc : memref<!tpu.dma_semaphore, #tpu.memory_space<semaphore_mem>>
      tpu.enqueue_dma source(%arg4 : memref<125xf32, #tpu.memory_space<hbm>>) target(%arg8 : memref<125xf32, #tpu.memory_space<vmem>>) target_semaphore(%run_scoped3A : memref<!tpu.dma_semaphore, #tpu.memory_space<semaphore_mem>>)
      tpu.wait_dma2 semaphore(%run_scoped3A : memref<!tpu.dma_semaphore, #tpu.memory_space<semaphore_mem>>) src(%arg4 : memref<125xf32, #tpu.memory_space<hbm>>) dst(%arg8 : memref<125xf32, #tpu.memory_space<vmem>>)
      tpu.yield
    }) : () -> ()
    %lt3A = arith.constant 15 : i32
    %lt3A_1 = arith.cmpi slt, %arg1, %lt3A : i32
    %convert_element_type3A = arith.extui %lt3A_1 : i1 to i32
    %cond3A = arith.constant 0 : i32
    %cond3A_2 = arith.cmpi ne, %convert_element_type3A, %cond3A : i32
    scf.if %cond3A_2 {
      %mul3A_22 = arith.constant 624 : i32
      %mul3A_23 = arith.muli %arg1, %mul3A_22 : i32
      %multiple_of3A = tpu.assume_multiple %mul3A_23, 8 : i32
      "tpu.region"() ({
        %run_scoped3A = tpu.sem_alloc : memref<!tpu.dma_semaphore, #tpu.memory_space<semaphore_mem>>
        %dma_start3A = tpu.memref_slice %arg6[%multiple_of3A] : memref<10000xf32, #tpu.memory_space<vmem_shared>> -> memref<624xf32, #tpu.memory_space<vmem_shared>>
        %dma_start3A_24 = tpu.memref_slice %arg3[%multiple_of3A] : memref<10000xf32, #tpu.memory_space<hbm>> -> memref<624xf32, #tpu.memory_space<hbm>>
        tpu.enqueue_dma source(%dma_start3A_24 : memref<624xf32, #tpu.memory_space<hbm>>) target(%dma_start3A : memref<624xf32, #tpu.memory_space<vmem_shared>>) target_semaphore(%run_scoped3A : memref<!tpu.dma_semaphore, #tpu.memory_space<semaphore_mem>>)
        %dma_wait3A = tpu.memref_slice %arg6[%multiple_of3A] : memref<10000xf32, #tpu.memory_space<vmem_shared>> -> memref<624xf32, #tpu.memory_space<vmem_shared>>
        %dma_wait3A_25 = tpu.memref_slice %arg3[%multiple_of3A] : memref<10000xf32, #tpu.memory_space<hbm>> -> memref<624xf32, #tpu.memory_space<hbm>>
        tpu.wait_dma2 semaphore(%run_scoped3A : memref<!tpu.dma_semaphore, #tpu.memory_space<semaphore_mem>>) src(%dma_wait3A_25 : memref<624xf32, #tpu.memory_space<hbm>>) dst(%dma_wait3A : memref<624xf32, #tpu.memory_space<vmem_shared>>)
        tpu.yield
      }) : () -> ()
    } else {
    }
    %eq3A = arith.constant 15 : i32
    %eq3A_3 = arith.cmpi eq, %arg1, %eq3A : i32
    %convert_element_type3A_4 = arith.extui %eq3A_3 : i1 to i32
    %cond3A_5 = arith.constant 0 : i32
    %cond3A_6 = arith.cmpi ne, %convert_element_type3A_4, %cond3A_5 : i32
    scf.if %cond3A_6 {
      "tpu.region"() ({
        %run_scoped3A = tpu.sem_alloc : memref<!tpu.dma_semaphore, #tpu.memory_space<semaphore_mem>>
        %dma_start3A = arith.constant 9360 : i32
        %dma_start3A_22 = tpu.memref_slice %arg6[%dma_start3A] : memref<10000xf32, #tpu.memory_space<vmem_shared>> -> memref<640xf32, #tpu.memory_space<vmem_shared>>
        %dma_start3A_23 = arith.constant 9360 : i32
        %dma_start3A_24 = tpu.memref_slice %arg3[%dma_start3A_23] : memref<10000xf32, #tpu.memory_space<hbm>> -> memref<640xf32, #tpu.memory_space<hbm>>
        tpu.enqueue_dma source(%dma_start3A_24 : memref<640xf32, #tpu.memory_space<hbm>>) target(%dma_start3A_22 : memref<640xf32, #tpu.memory_space<vmem_shared>>) target_semaphore(%run_scoped3A : memref<!tpu.dma_semaphore, #tpu.memory_space<semaphore_mem>>)
        %dma_wait3A = arith.constant 9360 : i32
        %dma_wait3A_25 = tpu.memref_slice %arg6[%dma_wait3A] : memref<10000xf32, #tpu.memory_space<vmem_shared>> -> memref<640xf32, #tpu.memory_space<vmem_shared>>
        %dma_wait3A_26 = arith.constant 9360 : i32
        %dma_wait3A_27 = tpu.memref_slice %arg3[%dma_wait3A_26] : memref<10000xf32, #tpu.memory_space<hbm>> -> memref<640xf32, #tpu.memory_space<hbm>>
        tpu.wait_dma2 semaphore(%run_scoped3A : memref<!tpu.dma_semaphore, #tpu.memory_space<semaphore_mem>>) src(%dma_wait3A_27 : memref<640xf32, #tpu.memory_space<hbm>>) dst(%dma_wait3A_25 : memref<640xf32, #tpu.memory_space<vmem_shared>>)
        tpu.yield
      }) : () -> ()
    } else {
    }
    %barrier3A = arith.constant 0 : index
    tpu.barrier barrier_id(%barrier3A)
    %scan3A = arith.constant 0 : i32
    %scan3A_7 = arith.constant 10 : i32
    %scan3A_8 = arith.addi %scan3A, %scan3A_7 : i32
    %scan3A_9 = arith.constant 1 : i32
    scf.for %scan3A_22 = %scan3A to %scan3A_8 step %scan3A_9  : i32 {
      %mul3A_23 = arith.constant 8 : i32
      %mul3A_24 = arith.muli %scan3A_22, %mul3A_23 : i32
      %add3A_25 = arith.constant 0 : i32
      %add3A_26 = arith.addi %add3A_25, %mul3A_24 : i32
      %add3A_27 = arith.constant 0 : i32
      %add3A_28 = arith.addi %add3A_26, %add3A_27 : i32
      %dma_start3A = arith.constant 0 : i32
      %dma_start3A_29 = tpu.memref_slice %arg7[%add3A_28, %dma_start3A] : memref<80x125xi32, #tpu.memory_space<vmem>> -> memref<1x125xi32, #tpu.memory_space<vmem>>
      %dma_start3A_30 = tpu.memref_squeeze %dma_start3A_29 : memref<1x125xi32, #tpu.memory_space<vmem>> -> memref<125xi32, #tpu.memory_space<vmem>>
      %dma_start3A_31 = arith.constant 0 : i32
      %dma_start3A_32 = tpu.memref_slice %arg6[%dma_start3A_31] : memref<10000xf32, #tpu.memory_space<vmem_shared>> -> memref<10000xf32, #tpu.memory_space<vmem_shared>>
      tpu.enqueue_indirect_dma source(%arg8 : memref<125xf32, #tpu.memory_space<vmem>>) target(%dma_start3A_32 : memref<10000xf32, #tpu.memory_space<vmem_shared>>) offsets(%dma_start3A_30 : memref<125xi32, #tpu.memory_space<vmem>>) semaphore(%arg9 : memref<!tpu.dma_semaphore, #tpu.memory_space<semaphore_mem>>) {add = true}
      %add3A_33 = arith.constant 1 : i32
      %add3A_34 = arith.addi %add3A_26, %add3A_33 : i32
      %dma_start3A_35 = arith.constant 0 : i32
      %dma_start3A_36 = tpu.memref_slice %arg7[%add3A_34, %dma_start3A_35] : memref<80x125xi32, #tpu.memory_space<vmem>> -> memref<1x125xi32, #tpu.memory_space<vmem>>
      %dma_start3A_37 = tpu.memref_squeeze %dma_start3A_36 : memref<1x125xi32, #tpu.memory_space<vmem>> -> memref<125xi32, #tpu.memory_space<vmem>>
      %dma_start3A_38 = arith.constant 0 : i32
      %dma_start3A_39 = tpu.memref_slice %arg6[%dma_start3A_38] : memref<10000xf32, #tpu.memory_space<vmem_shared>> -> memref<10000xf32, #tpu.memory_space<vmem_shared>>
      tpu.enqueue_indirect_dma source(%arg8 : memref<125xf32, #tpu.memory_space<vmem>>) target(%dma_start3A_39 : memref<10000xf32, #tpu.memory_space<vmem_shared>>) offsets(%dma_start3A_37 : memref<125xi32, #tpu.memory_space<vmem>>) semaphore(%arg9 : memref<!tpu.dma_semaphore, #tpu.memory_space<semaphore_mem>>) {add = true}
      %add3A_40 = arith.constant 2 : i32
      %add3A_41 = arith.addi %add3A_26, %add3A_40 : i32
      %dma_start3A_42 = arith.constant 0 : i32
      %dma_start3A_43 = tpu.memref_slice %arg7[%add3A_41, %dma_start3A_42] : memref<80x125xi32, #tpu.memory_space<vmem>> -> memref<1x125xi32, #tpu.memory_space<vmem>>
      %dma_start3A_44 = tpu.memref_squeeze %dma_start3A_43 : memref<1x125xi32, #tpu.memory_space<vmem>> -> memref<125xi32, #tpu.memory_space<vmem>>
      %dma_start3A_45 = arith.constant 0 : i32
      %dma_start3A_46 = tpu.memref_slice %arg6[%dma_start3A_45] : memref<10000xf32, #tpu.memory_space<vmem_shared>> -> memref<10000xf32, #tpu.memory_space<vmem_shared>>
      tpu.enqueue_indirect_dma source(%arg8 : memref<125xf32, #tpu.memory_space<vmem>>) target(%dma_start3A_46 : memref<10000xf32, #tpu.memory_space<vmem_shared>>) offsets(%dma_start3A_44 : memref<125xi32, #tpu.memory_space<vmem>>) semaphore(%arg9 : memref<!tpu.dma_semaphore, #tpu.memory_space<semaphore_mem>>) {add = true}
      %add3A_47 = arith.constant 3 : i32
      %add3A_48 = arith.addi %add3A_26, %add3A_47 : i32
      %dma_start3A_49 = arith.constant 0 : i32
      %dma_start3A_50 = tpu.memref_slice %arg7[%add3A_48, %dma_start3A_49] : memref<80x125xi32, #tpu.memory_space<vmem>> -> memref<1x125xi32, #tpu.memory_space<vmem>>
      %dma_start3A_51 = tpu.memref_squeeze %dma_start3A_50 : memref<1x125xi32, #tpu.memory_space<vmem>> -> memref<125xi32, #tpu.memory_space<vmem>>
      %dma_start3A_52 = arith.constant 0 : i32
      %dma_start3A_53 = tpu.memref_slice %arg6[%dma_start3A_52] : memref<10000xf32, #tpu.memory_space<vmem_shared>> -> memref<10000xf32, #tpu.memory_space<vmem_shared>>
      tpu.enqueue_indirect_dma source(%arg8 : memref<125xf32, #tpu.memory_space<vmem>>) target(%dma_start3A_53 : memref<10000xf32, #tpu.memory_space<vmem_shared>>) offsets(%dma_start3A_51 : memref<125xi32, #tpu.memory_space<vmem>>) semaphore(%arg9 : memref<!tpu.dma_semaphore, #tpu.memory_space<semaphore_mem>>) {add = true}
      %add3A_54 = arith.constant 4 : i32
      %add3A_55 = arith.addi %add3A_26, %add3A_54 : i32
      %dma_start3A_56 = arith.constant 0 : i32
      %dma_start3A_57 = tpu.memref_slice %arg7[%add3A_55, %dma_start3A_56] : memref<80x125xi32, #tpu.memory_space<vmem>> -> memref<1x125xi32, #tpu.memory_space<vmem>>
      %dma_start3A_58 = tpu.memref_squeeze %dma_start3A_57 : memref<1x125xi32, #tpu.memory_space<vmem>> -> memref<125xi32, #tpu.memory_space<vmem>>
      %dma_start3A_59 = arith.constant 0 : i32
      %dma_start3A_60 = tpu.memref_slice %arg6[%dma_start3A_59] : memref<10000xf32, #tpu.memory_space<vmem_shared>> -> memref<10000xf32, #tpu.memory_space<vmem_shared>>
      tpu.enqueue_indirect_dma source(%arg8 : memref<125xf32, #tpu.memory_space<vmem>>) target(%dma_start3A_60 : memref<10000xf32, #tpu.memory_space<vmem_shared>>) offsets(%dma_start3A_58 : memref<125xi32, #tpu.memory_space<vmem>>) semaphore(%arg9 : memref<!tpu.dma_semaphore, #tpu.memory_space<semaphore_mem>>) {add = true}
      %add3A_61 = arith.constant 5 : i32
      %add3A_62 = arith.addi %add3A_26, %add3A_61 : i32
      %dma_start3A_63 = arith.constant 0 : i32
      %dma_start3A_64 = tpu.memref_slice %arg7[%add3A_62, %dma_start3A_63] : memref<80x125xi32, #tpu.memory_space<vmem>> -> memref<1x125xi32, #tpu.memory_space<vmem>>
      %dma_start3A_65 = tpu.memref_squeeze %dma_start3A_64 : memref<1x125xi32, #tpu.memory_space<vmem>> -> memref<125xi32, #tpu.memory_space<vmem>>
      %dma_start3A_66 = arith.constant 0 : i32
      %dma_start3A_67 = tpu.memref_slice %arg6[%dma_start3A_66] : memref<10000xf32, #tpu.memory_space<vmem_shared>> -> memref<10000xf32, #tpu.memory_space<vmem_shared>>
      tpu.enqueue_indirect_dma source(%arg8 : memref<125xf32, #tpu.memory_space<vmem>>) target(%dma_start3A_67 : memref<10000xf32, #tpu.memory_space<vmem_shared>>) offsets(%dma_start3A_65 : memref<125xi32, #tpu.memory_space<vmem>>) semaphore(%arg9 : memref<!tpu.dma_semaphore, #tpu.memory_space<semaphore_mem>>) {add = true}
      %add3A_68 = arith.constant 6 : i32
      %add3A_69 = arith.addi %add3A_26, %add3A_68 : i32
      %dma_start3A_70 = arith.constant 0 : i32
      %dma_start3A_71 = tpu.memref_slice %arg7[%add3A_69, %dma_start3A_70] : memref<80x125xi32, #tpu.memory_space<vmem>> -> memref<1x125xi32, #tpu.memory_space<vmem>>
      %dma_start3A_72 = tpu.memref_squeeze %dma_start3A_71 : memref<1x125xi32, #tpu.memory_space<vmem>> -> memref<125xi32, #tpu.memory_space<vmem>>
      %dma_start3A_73 = arith.constant 0 : i32
      %dma_start3A_74 = tpu.memref_slice %arg6[%dma_start3A_73] : memref<10000xf32, #tpu.memory_space<vmem_shared>> -> memref<10000xf32, #tpu.memory_space<vmem_shared>>
      tpu.enqueue_indirect_dma source(%arg8 : memref<125xf32, #tpu.memory_space<vmem>>) target(%dma_start3A_74 : memref<10000xf32, #tpu.memory_space<vmem_shared>>) offsets(%dma_start3A_72 : memref<125xi32, #tpu.memory_space<vmem>>) semaphore(%arg9 : memref<!tpu.dma_semaphore, #tpu.memory_space<semaphore_mem>>) {add = true}
      %add3A_75 = arith.constant 7 : i32
      %add3A_76 = arith.addi %add3A_26, %add3A_75 : i32
      %dma_start3A_77 = arith.constant 0 : i32
      %dma_start3A_78 = tpu.memref_slice %arg7[%add3A_76, %dma_start3A_77] : memref<80x125xi32, #tpu.memory_space<vmem>> -> memref<1x125xi32, #tpu.memory_space<vmem>>
      %dma_start3A_79 = tpu.memref_squeeze %dma_start3A_78 : memref<1x125xi32, #tpu.memory_space<vmem>> -> memref<125xi32, #tpu.memory_space<vmem>>
      %dma_start3A_80 = arith.constant 0 : i32
      %dma_start3A_81 = tpu.memref_slice %arg6[%dma_start3A_80] : memref<10000xf32, #tpu.memory_space<vmem_shared>> -> memref<10000xf32, #tpu.memory_space<vmem_shared>>
      tpu.enqueue_indirect_dma source(%arg8 : memref<125xf32, #tpu.memory_space<vmem>>) target(%dma_start3A_81 : memref<10000xf32, #tpu.memory_space<vmem_shared>>) offsets(%dma_start3A_79 : memref<125xi32, #tpu.memory_space<vmem>>) semaphore(%arg9 : memref<!tpu.dma_semaphore, #tpu.memory_space<semaphore_mem>>) {add = true}
      %add3A_82 = arith.constant 0 : i32
      %add3A_83 = arith.addi %add3A_26, %add3A_82 : i32
      %dma_wait3A = arith.constant 0 : i32
      %dma_wait3A_84 = tpu.memref_slice %arg7[%add3A_83, %dma_wait3A] : memref<80x125xi32, #tpu.memory_space<vmem>> -> memref<1x125xi32, #tpu.memory_space<vmem>>
      %dma_wait3A_85 = tpu.memref_squeeze %dma_wait3A_84 : memref<1x125xi32, #tpu.memory_space<vmem>> -> memref<125xi32, #tpu.memory_space<vmem>>
      %dma_wait3A_86 = arith.constant 0 : i32
      %dma_wait3A_87 = tpu.memref_slice %arg6[%dma_wait3A_86] : memref<10000xf32, #tpu.memory_space<vmem_shared>> -> memref<10000xf32, #tpu.memory_space<vmem_shared>>
      tpu.wait_indirect_dma semaphore(%arg9 : memref<!tpu.dma_semaphore, #tpu.memory_space<semaphore_mem>>) src(%arg8 : memref<125xf32, #tpu.memory_space<vmem>>) dst(%dma_wait3A_87 : memref<10000xf32, #tpu.memory_space<vmem_shared>>)
      %add3A_88 = arith.constant 1 : i32
      %add3A_89 = arith.addi %add3A_26, %add3A_88 : i32
      %dma_wait3A_90 = arith.constant 0 : i32
      %dma_wait3A_91 = tpu.memref_slice %arg7[%add3A_89, %dma_wait3A_90] : memref<80x125xi32, #tpu.memory_space<vmem>> -> memref<1x125xi32, #tpu.memory_space<vmem>>
      %dma_wait3A_92 = tpu.memref_squeeze %dma_wait3A_91 : memref<1x125xi32, #tpu.memory_space<vmem>> -> memref<125xi32, #tpu.memory_space<vmem>>
      %dma_wait3A_93 = arith.constant 0 : i32
      %dma_wait3A_94 = tpu.memref_slice %arg6[%dma_wait3A_93] : memref<10000xf32, #tpu.memory_space<vmem_shared>> -> memref<10000xf32, #tpu.memory_space<vmem_shared>>
      tpu.wait_indirect_dma semaphore(%arg9 : memref<!tpu.dma_semaphore, #tpu.memory_space<semaphore_mem>>) src(%arg8 : memref<125xf32, #tpu.memory_space<vmem>>) dst(%dma_wait3A_94 : memref<10000xf32, #tpu.memory_space<vmem_shared>>)
      %add3A_95 = arith.constant 2 : i32
      %add3A_96 = arith.addi %add3A_26, %add3A_95 : i32
      %dma_wait3A_97 = arith.constant 0 : i32
      %dma_wait3A_98 = tpu.memref_slice %arg7[%add3A_96, %dma_wait3A_97] : memref<80x125xi32, #tpu.memory_space<vmem>> -> memref<1x125xi32, #tpu.memory_space<vmem>>
      %dma_wait3A_99 = tpu.memref_squeeze %dma_wait3A_98 : memref<1x125xi32, #tpu.memory_space<vmem>> -> memref<125xi32, #tpu.memory_space<vmem>>
      %dma_wait3A_100 = arith.constant 0 : i32
      %dma_wait3A_101 = tpu.memref_slice %arg6[%dma_wait3A_100] : memref<10000xf32, #tpu.memory_space<vmem_shared>> -> memref<10000xf32, #tpu.memory_space<vmem_shared>>
      tpu.wait_indirect_dma semaphore(%arg9 : memref<!tpu.dma_semaphore, #tpu.memory_space<semaphore_mem>>) src(%arg8 : memref<125xf32, #tpu.memory_space<vmem>>) dst(%dma_wait3A_101 : memref<10000xf32, #tpu.memory_space<vmem_shared>>)
      %add3A_102 = arith.constant 3 : i32
      %add3A_103 = arith.addi %add3A_26, %add3A_102 : i32
      %dma_wait3A_104 = arith.constant 0 : i32
      %dma_wait3A_105 = tpu.memref_slice %arg7[%add3A_103, %dma_wait3A_104] : memref<80x125xi32, #tpu.memory_space<vmem>> -> memref<1x125xi32, #tpu.memory_space<vmem>>
      %dma_wait3A_106 = tpu.memref_squeeze %dma_wait3A_105 : memref<1x125xi32, #tpu.memory_space<vmem>> -> memref<125xi32, #tpu.memory_space<vmem>>
      %dma_wait3A_107 = arith.constant 0 : i32
      %dma_wait3A_108 = tpu.memref_slice %arg6[%dma_wait3A_107] : memref<10000xf32, #tpu.memory_space<vmem_shared>> -> memref<10000xf32, #tpu.memory_space<vmem_shared>>
      tpu.wait_indirect_dma semaphore(%arg9 : memref<!tpu.dma_semaphore, #tpu.memory_space<semaphore_mem>>) src(%arg8 : memref<125xf32, #tpu.memory_space<vmem>>) dst(%dma_wait3A_108 : memref<10000xf32, #tpu.memory_space<vmem_shared>>)
      %add3A_109 = arith.constant 4 : i32
      %add3A_110 = arith.addi %add3A_26, %add3A_109 : i32
      %dma_wait3A_111 = arith.constant 0 : i32
      %dma_wait3A_112 = tpu.memref_slice %arg7[%add3A_110, %dma_wait3A_111] : memref<80x125xi32, #tpu.memory_space<vmem>> -> memref<1x125xi32, #tpu.memory_space<vmem>>
      %dma_wait3A_113 = tpu.memref_squeeze %dma_wait3A_112 : memref<1x125xi32, #tpu.memory_space<vmem>> -> memref<125xi32, #tpu.memory_space<vmem>>
      %dma_wait3A_114 = arith.constant 0 : i32
      %dma_wait3A_115 = tpu.memref_slice %arg6[%dma_wait3A_114] : memref<10000xf32, #tpu.memory_space<vmem_shared>> -> memref<10000xf32, #tpu.memory_space<vmem_shared>>
      tpu.wait_indirect_dma semaphore(%arg9 : memref<!tpu.dma_semaphore, #tpu.memory_space<semaphore_mem>>) src(%arg8 : memref<125xf32, #tpu.memory_space<vmem>>) dst(%dma_wait3A_115 : memref<10000xf32, #tpu.memory_space<vmem_shared>>)
      %add3A_116 = arith.constant 5 : i32
      %add3A_117 = arith.addi %add3A_26, %add3A_116 : i32
      %dma_wait3A_118 = arith.constant 0 : i32
      %dma_wait3A_119 = tpu.memref_slice %arg7[%add3A_117, %dma_wait3A_118] : memref<80x125xi32, #tpu.memory_space<vmem>> -> memref<1x125xi32, #tpu.memory_space<vmem>>
      %dma_wait3A_120 = tpu.memref_squeeze %dma_wait3A_119 : memref<1x125xi32, #tpu.memory_space<vmem>> -> memref<125xi32, #tpu.memory_space<vmem>>
      %dma_wait3A_121 = arith.constant 0 : i32
      %dma_wait3A_122 = tpu.memref_slice %arg6[%dma_wait3A_121] : memref<10000xf32, #tpu.memory_space<vmem_shared>> -> memref<10000xf32, #tpu.memory_space<vmem_shared>>
      tpu.wait_indirect_dma semaphore(%arg9 : memref<!tpu.dma_semaphore, #tpu.memory_space<semaphore_mem>>) src(%arg8 : memref<125xf32, #tpu.memory_space<vmem>>) dst(%dma_wait3A_122 : memref<10000xf32, #tpu.memory_space<vmem_shared>>)
      %add3A_123 = arith.constant 6 : i32
      %add3A_124 = arith.addi %add3A_26, %add3A_123 : i32
      %dma_wait3A_125 = arith.constant 0 : i32
      %dma_wait3A_126 = tpu.memref_slice %arg7[%add3A_124, %dma_wait3A_125] : memref<80x125xi32, #tpu.memory_space<vmem>> -> memref<1x125xi32, #tpu.memory_space<vmem>>
      %dma_wait3A_127 = tpu.memref_squeeze %dma_wait3A_126 : memref<1x125xi32, #tpu.memory_space<vmem>> -> memref<125xi32, #tpu.memory_space<vmem>>
      %dma_wait3A_128 = arith.constant 0 : i32
      %dma_wait3A_129 = tpu.memref_slice %arg6[%dma_wait3A_128] : memref<10000xf32, #tpu.memory_space<vmem_shared>> -> memref<10000xf32, #tpu.memory_space<vmem_shared>>
      tpu.wait_indirect_dma semaphore(%arg9 : memref<!tpu.dma_semaphore, #tpu.memory_space<semaphore_mem>>) src(%arg8 : memref<125xf32, #tpu.memory_space<vmem>>) dst(%dma_wait3A_129 : memref<10000xf32, #tpu.memory_space<vmem_shared>>)
      %add3A_130 = arith.constant 7 : i32
      %add3A_131 = arith.addi %add3A_26, %add3A_130 : i32
      %dma_wait3A_132 = arith.constant 0 : i32
      %dma_wait3A_133 = tpu.memref_slice %arg7[%add3A_131, %dma_wait3A_132] : memref<80x125xi32, #tpu.memory_space<vmem>> -> memref<1x125xi32, #tpu.memory_space<vmem>>
      %dma_wait3A_134 = tpu.memref_squeeze %dma_wait3A_133 : memref<1x125xi32, #tpu.memory_space<vmem>> -> memref<125xi32, #tpu.memory_space<vmem>>
      %dma_wait3A_135 = arith.constant 0 : i32
      %dma_wait3A_136 = tpu.memref_slice %arg6[%dma_wait3A_135] : memref<10000xf32, #tpu.memory_space<vmem_shared>> -> memref<10000xf32, #tpu.memory_space<vmem_shared>>
      tpu.wait_indirect_dma semaphore(%arg9 : memref<!tpu.dma_semaphore, #tpu.memory_space<semaphore_mem>>) src(%arg8 : memref<125xf32, #tpu.memory_space<vmem>>) dst(%dma_wait3A_136 : memref<10000xf32, #tpu.memory_space<vmem_shared>>)
    }
    %scan3A_10 = arith.constant 10 : i32
    %barrier3A_11 = arith.constant 0 : index
    tpu.barrier barrier_id(%barrier3A_11)
    %lt3A_12 = arith.constant 15 : i32
    %lt3A_13 = arith.cmpi slt, %arg1, %lt3A_12 : i32
    %convert_element_type3A_14 = arith.extui %lt3A_13 : i1 to i32
    %cond3A_15 = arith.constant 0 : i32
    %cond3A_16 = arith.cmpi ne, %convert_element_type3A_14, %cond3A_15 : i32
    scf.if %cond3A_16 {
      %mul3A_22 = arith.constant 624 : i32
      %mul3A_23 = arith.muli %arg1, %mul3A_22 : i32
      %multiple_of3A = tpu.assume_multiple %mul3A_23, 8 : i32
      "tpu.region"() ({
        %run_scoped3A = tpu.sem_alloc : memref<!tpu.dma_semaphore, #tpu.memory_space<semaphore_mem>>
        %dma_start3A = tpu.memref_slice %arg5[%arg0, %multiple_of3A] : memref<2x10000xf32, #tpu.memory_space<hbm>> -> memref<1x624xf32, #tpu.memory_space<hbm>>
        %dma_start3A_24 = tpu.memref_squeeze %dma_start3A : memref<1x624xf32, #tpu.memory_space<hbm>> -> memref<624xf32, #tpu.memory_space<hbm>>
        %dma_start3A_25 = tpu.memref_slice %arg6[%multiple_of3A] : memref<10000xf32, #tpu.memory_space<vmem_shared>> -> memref<624xf32, #tpu.memory_space<vmem_shared>>
        tpu.enqueue_dma source(%dma_start3A_25 : memref<624xf32, #tpu.memory_space<vmem_shared>>) target(%dma_start3A_24 : memref<624xf32, #tpu.memory_space<hbm>>) target_semaphore(%run_scoped3A : memref<!tpu.dma_semaphore, #tpu.memory_space<semaphore_mem>>)
        %dma_wait3A = tpu.memref_slice %arg5[%arg0, %multiple_of3A] : memref<2x10000xf32, #tpu.memory_space<hbm>> -> memref<1x624xf32, #tpu.memory_space<hbm>>
        %dma_wait3A_26 = tpu.memref_squeeze %dma_wait3A : memref<1x624xf32, #tpu.memory_space<hbm>> -> memref<624xf32, #tpu.memory_space<hbm>>
        %dma_wait3A_27 = tpu.memref_slice %arg6[%multiple_of3A] : memref<10000xf32, #tpu.memory_space<vmem_shared>> -> memref<624xf32, #tpu.memory_space<vmem_shared>>
        tpu.wait_dma2 semaphore(%run_scoped3A : memref<!tpu.dma_semaphore, #tpu.memory_space<semaphore_mem>>) src(%dma_wait3A_27 : memref<624xf32, #tpu.memory_space<vmem_shared>>) dst(%dma_wait3A_26 : memref<624xf32, #tpu.memory_space<hbm>>)
        tpu.yield
      }) : () -> ()
    } else {
    }
    %eq3A_17 = arith.constant 15 : i32
    %eq3A_18 = arith.cmpi eq, %arg1, %eq3A_17 : i32
    %convert_element_type3A_19 = arith.extui %eq3A_18 : i1 to i32
    %cond3A_20 = arith.constant 0 : i32
    %cond3A_21 = arith.cmpi ne, %convert_element_type3A_19, %cond3A_20 : i32
    scf.if %cond3A_21 {
      "tpu.region"() ({
        %run_scoped3A = tpu.sem_alloc : memref<!tpu.dma_semaphore, #tpu.memory_space<semaphore_mem>>
        %dma_start3A = arith.constant 9360 : i32
        %dma_start3A_22 = tpu.memref_slice %arg5[%arg0, %dma_start3A] : memref<2x10000xf32, #tpu.memory_space<hbm>> -> memref<1x640xf32, #tpu.memory_space<hbm>>
        %dma_start3A_23 = tpu.memref_squeeze %dma_start3A_22 : memref<1x640xf32, #tpu.memory_space<hbm>> -> memref<640xf32, #tpu.memory_space<hbm>>
        %dma_start3A_24 = arith.constant 9360 : i32
        %dma_start3A_25 = tpu.memref_slice %arg6[%dma_start3A_24] : memref<10000xf32, #tpu.memory_space<vmem_shared>> -> memref<640xf32, #tpu.memory_space<vmem_shared>>
        tpu.enqueue_dma source(%dma_start3A_25 : memref<640xf32, #tpu.memory_space<vmem_shared>>) target(%dma_start3A_23 : memref<640xf32, #tpu.memory_space<hbm>>) target_semaphore(%run_scoped3A : memref<!tpu.dma_semaphore, #tpu.memory_space<semaphore_mem>>)
        %dma_wait3A = arith.constant 9360 : i32
        %dma_wait3A_26 = tpu.memref_slice %arg5[%arg0, %dma_wait3A] : memref<2x10000xf32, #tpu.memory_space<hbm>> -> memref<1x640xf32, #tpu.memory_space<hbm>>
        %dma_wait3A_27 = tpu.memref_squeeze %dma_wait3A_26 : memref<1x640xf32, #tpu.memory_space<hbm>> -> memref<640xf32, #tpu.memory_space<hbm>>
        %dma_wait3A_28 = arith.constant 9360 : i32
        %dma_wait3A_29 = tpu.memref_slice %arg6[%dma_wait3A_28] : memref<10000xf32, #tpu.memory_space<vmem_shared>> -> memref<640xf32, #tpu.memory_space<vmem_shared>>
        tpu.wait_dma2 semaphore(%run_scoped3A : memref<!tpu.dma_semaphore, #tpu.memory_space<semaphore_mem>>) src(%dma_wait3A_29 : memref<640xf32, #tpu.memory_space<vmem_shared>>) dst(%dma_wait3A_27 : memref<640xf32, #tpu.memory_space<hbm>>)
        tpu.yield
      }) : () -> ()
    } else {
    }
    return
  }
}

#map = affine_map<(d0, d1) -> (0, 0, 0)>
#map1 = affine_map<(d0, d1) -> (0, 0)>
module attributes {stable_mosaic.version = 14 : i64} {
  func.func @agg_k(%arg0: i32, %arg1: i32, %arg2: memref<32x80x125xi32, #tpu.memory_space<hbm>>, %arg3: memref<32x80x125xi32, #tpu.memory_space<hbm>>, %arg4: memref<10000x64xf32, #tpu.memory_space<hbm>>, %arg5: memref<10000x64xf32, #tpu.memory_space<hbm>>, %arg6: memref<2x10000x64xf32, #tpu.memory_space<hbm>>, %arg7: memref<10000x64xf32, #tpu.memory_space<vmem_shared>>, %arg8: memref<10000x64xf32, #tpu.memory_space<vmem_shared>>, %arg9: memref<40x125xi32, #tpu.memory_space<vmem>>, %arg10: memref<40x125xi32, #tpu.memory_space<vmem>>, %arg11: memref<125x64xf32, #tpu.memory_space<vmem>>, %arg12: memref<125x64xf32, #tpu.memory_space<vmem>>, %arg13: memref<125x64xf32, #tpu.memory_space<vmem>>, %arg14: memref<125x64xf32, #tpu.memory_space<vmem>>, %arg15: memref<!tpu.dma_semaphore, #tpu.memory_space<semaphore_mem>>, %arg16: memref<!tpu.dma_semaphore, #tpu.memory_space<semaphore_mem>>, %arg17: memref<!tpu.dma_semaphore, #tpu.memory_space<semaphore_mem>>, %arg18: memref<!tpu.dma_semaphore, #tpu.memory_space<semaphore_mem>>, %arg19: memref<!tpu.dma_semaphore, #tpu.memory_space<semaphore_mem>>, %arg20: memref<!tpu.dma_semaphore, #tpu.memory_space<semaphore_mem>>, %arg21: memref<!tpu.dma_semaphore, #tpu.memory_space<semaphore_mem>>, %arg22: memref<!tpu.dma_semaphore, #tpu.memory_space<semaphore_mem>>) attributes {dimension_semantics = [#tpu.dimension_semantics<core_parallel>, #tpu.dimension_semantics<subcore_parallel>], iteration_bounds = array<i64: 2, 16>, scalar_prefetch = 0 : i64, scratch_operands = 16 : i64, tpu.core_type = #tpu.core_type<sc_vector_subcore>, window_params = [{transform_indices = #map}, {transform_indices = #map}, {transform_indices = #map1}, {transform_indices = #map1}, {transform_indices = #map}]} {
    %mul3A = arith.constant 2 : i32
    %mul3A_0 = arith.muli %arg1, %mul3A : i32
    %add3A = arith.addi %mul3A_0, %arg0 : i32
    %lt3A = arith.constant 15 : i32
    %lt3A_1 = arith.cmpi slt, %arg1, %lt3A : i32
    %convert_element_type3A = arith.extui %lt3A_1 : i1 to i32
    %cond3A = arith.constant 0 : i32
    %cond3A_2 = arith.cmpi ne, %convert_element_type3A, %cond3A : i32
    scf.if %cond3A_2 {
      %mul3A_32 = arith.constant 624 : i32
      %mul3A_33 = arith.muli %arg1, %mul3A_32 : i32
      %multiple_of3A = tpu.assume_multiple %mul3A_33, 8 : i32
      "tpu.region"() ({
        %run_scoped3A = tpu.sem_alloc : memref<!tpu.dma_semaphore, #tpu.memory_space<semaphore_mem>>
        %dma_start3A = arith.constant 0 : i32
        %dma_start3A_34 = tpu.memref_slice %arg7[%multiple_of3A, %dma_start3A] : memref<10000x64xf32, #tpu.memory_space<vmem_shared>> -> memref<624x64xf32, #tpu.memory_space<vmem_shared>>
        %dma_start3A_35 = arith.constant 0 : i32
        %dma_start3A_36 = tpu.memref_slice %arg5[%multiple_of3A, %dma_start3A_35] : memref<10000x64xf32, #tpu.memory_space<hbm>> -> memref<624x64xf32, #tpu.memory_space<hbm>>
        tpu.enqueue_dma source(%dma_start3A_36 : memref<624x64xf32, #tpu.memory_space<hbm>>) target(%dma_start3A_34 : memref<624x64xf32, #tpu.memory_space<vmem_shared>>) target_semaphore(%run_scoped3A : memref<!tpu.dma_semaphore, #tpu.memory_space<semaphore_mem>>)
        %dma_wait3A = arith.constant 0 : i32
        %dma_wait3A_37 = tpu.memref_slice %arg7[%multiple_of3A, %dma_wait3A] : memref<10000x64xf32, #tpu.memory_space<vmem_shared>> -> memref<624x64xf32, #tpu.memory_space<vmem_shared>>
        %dma_wait3A_38 = arith.constant 0 : i32
        %dma_wait3A_39 = tpu.memref_slice %arg5[%multiple_of3A, %dma_wait3A_38] : memref<10000x64xf32, #tpu.memory_space<hbm>> -> memref<624x64xf32, #tpu.memory_space<hbm>>
        tpu.wait_dma2 semaphore(%run_scoped3A : memref<!tpu.dma_semaphore, #tpu.memory_space<semaphore_mem>>) src(%dma_wait3A_39 : memref<624x64xf32, #tpu.memory_space<hbm>>) dst(%dma_wait3A_37 : memref<624x64xf32, #tpu.memory_space<vmem_shared>>)
        tpu.yield
      }) : () -> ()
    } else {
    }
    %eq3A = arith.constant 15 : i32
    %eq3A_3 = arith.cmpi eq, %arg1, %eq3A : i32
    %convert_element_type3A_4 = arith.extui %eq3A_3 : i1 to i32
    %cond3A_5 = arith.constant 0 : i32
    %cond3A_6 = arith.cmpi ne, %convert_element_type3A_4, %cond3A_5 : i32
    scf.if %cond3A_6 {
      "tpu.region"() ({
        %run_scoped3A = tpu.sem_alloc : memref<!tpu.dma_semaphore, #tpu.memory_space<semaphore_mem>>
        %dma_start3A = arith.constant 9360 : i32
        %dma_start3A_32 = arith.constant 0 : i32
        %dma_start3A_33 = tpu.memref_slice %arg7[%dma_start3A, %dma_start3A_32] : memref<10000x64xf32, #tpu.memory_space<vmem_shared>> -> memref<640x64xf32, #tpu.memory_space<vmem_shared>>
        %dma_start3A_34 = arith.constant 9360 : i32
        %dma_start3A_35 = arith.constant 0 : i32
        %dma_start3A_36 = tpu.memref_slice %arg5[%dma_start3A_34, %dma_start3A_35] : memref<10000x64xf32, #tpu.memory_space<hbm>> -> memref<640x64xf32, #tpu.memory_space<hbm>>
        tpu.enqueue_dma source(%dma_start3A_36 : memref<640x64xf32, #tpu.memory_space<hbm>>) target(%dma_start3A_33 : memref<640x64xf32, #tpu.memory_space<vmem_shared>>) target_semaphore(%run_scoped3A : memref<!tpu.dma_semaphore, #tpu.memory_space<semaphore_mem>>)
        %dma_wait3A = arith.constant 9360 : i32
        %dma_wait3A_37 = arith.constant 0 : i32
        %dma_wait3A_38 = tpu.memref_slice %arg7[%dma_wait3A, %dma_wait3A_37] : memref<10000x64xf32, #tpu.memory_space<vmem_shared>> -> memref<640x64xf32, #tpu.memory_space<vmem_shared>>
        %dma_wait3A_39 = arith.constant 9360 : i32
        %dma_wait3A_40 = arith.constant 0 : i32
        %dma_wait3A_41 = tpu.memref_slice %arg5[%dma_wait3A_39, %dma_wait3A_40] : memref<10000x64xf32, #tpu.memory_space<hbm>> -> memref<640x64xf32, #tpu.memory_space<hbm>>
        tpu.wait_dma2 semaphore(%run_scoped3A : memref<!tpu.dma_semaphore, #tpu.memory_space<semaphore_mem>>) src(%dma_wait3A_41 : memref<640x64xf32, #tpu.memory_space<hbm>>) dst(%dma_wait3A_38 : memref<640x64xf32, #tpu.memory_space<vmem_shared>>)
        tpu.yield
      }) : () -> ()
    } else {
    }
    %lt3A_7 = arith.constant 15 : i32
    %lt3A_8 = arith.cmpi slt, %arg1, %lt3A_7 : i32
    %convert_element_type3A_9 = arith.extui %lt3A_8 : i1 to i32
    %cond3A_10 = arith.constant 0 : i32
    %cond3A_11 = arith.cmpi ne, %convert_element_type3A_9, %cond3A_10 : i32
    scf.if %cond3A_11 {
      %mul3A_32 = arith.constant 624 : i32
      %mul3A_33 = arith.muli %arg1, %mul3A_32 : i32
      %multiple_of3A = tpu.assume_multiple %mul3A_33, 8 : i32
      "tpu.region"() ({
        %run_scoped3A = tpu.sem_alloc : memref<!tpu.dma_semaphore, #tpu.memory_space<semaphore_mem>>
        %dma_start3A = arith.constant 0 : i32
        %dma_start3A_34 = tpu.memref_slice %arg8[%multiple_of3A, %dma_start3A] : memref<10000x64xf32, #tpu.memory_space<vmem_shared>> -> memref<624x64xf32, #tpu.memory_space<vmem_shared>>
        %dma_start3A_35 = arith.constant 0 : i32
        %dma_start3A_36 = tpu.memref_slice %arg4[%multiple_of3A, %dma_start3A_35] : memref<10000x64xf32, #tpu.memory_space<hbm>> -> memref<624x64xf32, #tpu.memory_space<hbm>>
        tpu.enqueue_dma source(%dma_start3A_36 : memref<624x64xf32, #tpu.memory_space<hbm>>) target(%dma_start3A_34 : memref<624x64xf32, #tpu.memory_space<vmem_shared>>) target_semaphore(%run_scoped3A : memref<!tpu.dma_semaphore, #tpu.memory_space<semaphore_mem>>)
        %dma_wait3A = arith.constant 0 : i32
        %dma_wait3A_37 = tpu.memref_slice %arg8[%multiple_of3A, %dma_wait3A] : memref<10000x64xf32, #tpu.memory_space<vmem_shared>> -> memref<624x64xf32, #tpu.memory_space<vmem_shared>>
        %dma_wait3A_38 = arith.constant 0 : i32
        %dma_wait3A_39 = tpu.memref_slice %arg4[%multiple_of3A, %dma_wait3A_38] : memref<10000x64xf32, #tpu.memory_space<hbm>> -> memref<624x64xf32, #tpu.memory_space<hbm>>
        tpu.wait_dma2 semaphore(%run_scoped3A : memref<!tpu.dma_semaphore, #tpu.memory_space<semaphore_mem>>) src(%dma_wait3A_39 : memref<624x64xf32, #tpu.memory_space<hbm>>) dst(%dma_wait3A_37 : memref<624x64xf32, #tpu.memory_space<vmem_shared>>)
        tpu.yield
      }) : () -> ()
    } else {
    }
    %eq3A_12 = arith.constant 15 : i32
    %eq3A_13 = arith.cmpi eq, %arg1, %eq3A_12 : i32
    %convert_element_type3A_14 = arith.extui %eq3A_13 : i1 to i32
    %cond3A_15 = arith.constant 0 : i32
    %cond3A_16 = arith.cmpi ne, %convert_element_type3A_14, %cond3A_15 : i32
    scf.if %cond3A_16 {
      "tpu.region"() ({
        %run_scoped3A = tpu.sem_alloc : memref<!tpu.dma_semaphore, #tpu.memory_space<semaphore_mem>>
        %dma_start3A = arith.constant 9360 : i32
        %dma_start3A_32 = arith.constant 0 : i32
        %dma_start3A_33 = tpu.memref_slice %arg8[%dma_start3A, %dma_start3A_32] : memref<10000x64xf32, #tpu.memory_space<vmem_shared>> -> memref<640x64xf32, #tpu.memory_space<vmem_shared>>
        %dma_start3A_34 = arith.constant 9360 : i32
        %dma_start3A_35 = arith.constant 0 : i32
        %dma_start3A_36 = tpu.memref_slice %arg4[%dma_start3A_34, %dma_start3A_35] : memref<10000x64xf32, #tpu.memory_space<hbm>> -> memref<640x64xf32, #tpu.memory_space<hbm>>
        tpu.enqueue_dma source(%dma_start3A_36 : memref<640x64xf32, #tpu.memory_space<hbm>>) target(%dma_start3A_33 : memref<640x64xf32, #tpu.memory_space<vmem_shared>>) target_semaphore(%run_scoped3A : memref<!tpu.dma_semaphore, #tpu.memory_space<semaphore_mem>>)
        %dma_wait3A = arith.constant 9360 : i32
        %dma_wait3A_37 = arith.constant 0 : i32
        %dma_wait3A_38 = tpu.memref_slice %arg8[%dma_wait3A, %dma_wait3A_37] : memref<10000x64xf32, #tpu.memory_space<vmem_shared>> -> memref<640x64xf32, #tpu.memory_space<vmem_shared>>
        %dma_wait3A_39 = arith.constant 9360 : i32
        %dma_wait3A_40 = arith.constant 0 : i32
        %dma_wait3A_41 = tpu.memref_slice %arg4[%dma_wait3A_39, %dma_wait3A_40] : memref<10000x64xf32, #tpu.memory_space<hbm>> -> memref<640x64xf32, #tpu.memory_space<hbm>>
        tpu.wait_dma2 semaphore(%run_scoped3A : memref<!tpu.dma_semaphore, #tpu.memory_space<semaphore_mem>>) src(%dma_wait3A_41 : memref<640x64xf32, #tpu.memory_space<hbm>>) dst(%dma_wait3A_38 : memref<640x64xf32, #tpu.memory_space<vmem_shared>>)
        tpu.yield
      }) : () -> ()
    } else {
    }
    %barrier3A = arith.constant 0 : index
    tpu.barrier barrier_id(%barrier3A)
    %scan3A = arith.constant 0 : i32
    %scan3A_17 = arith.constant 2 : i32
    %scan3A_18 = arith.addi %scan3A, %scan3A_17 : i32
    %scan3A_19 = arith.constant 1 : i32
    scf.for %scan3A_32 = %scan3A to %scan3A_18 step %scan3A_19  : i32 {
      %mul3A_33 = arith.constant 1 : i32
      %mul3A_34 = arith.muli %scan3A_32, %mul3A_33 : i32
      %add3A_35 = arith.constant 0 : i32
      %add3A_36 = arith.addi %add3A_35, %mul3A_34 : i32
      %mul3A_37 = arith.constant 40 : i32
      %mul3A_38 = arith.muli %add3A_36, %mul3A_37 : i32
      %multiple_of3A = tpu.assume_multiple %mul3A_38, 8 : i32
      "tpu.region"() ({
        %run_scoped3A = tpu.sem_alloc : memref<!tpu.dma_semaphore, #tpu.memory_space<semaphore_mem>>
        %dma_start3A_70 = arith.constant 0 : i32
        %dma_start3A_71 = tpu.memref_slice %arg2[%add3A, %multiple_of3A, %dma_start3A_70] : memref<32x80x125xi32, #tpu.memory_space<hbm>> -> memref<1x40x125xi32, #tpu.memory_space<hbm>>
        %dma_start3A_72 = tpu.memref_squeeze %dma_start3A_71 : memref<1x40x125xi32, #tpu.memory_space<hbm>> -> memref<40x125xi32, #tpu.memory_space<hbm>>
        %dma_start3A_73 = arith.constant 0 : i32
        %dma_start3A_74 = tpu.memref_slice %arg2[%add3A, %multiple_of3A, %dma_start3A_73] : memref<32x80x125xi32, #tpu.memory_space<hbm>> -> memref<1x40x125xi32, #tpu.memory_space<hbm>>
        %dma_start3A_75 = tpu.memref_squeeze %dma_start3A_74 : memref<1x40x125xi32, #tpu.memory_space<hbm>> -> memref<40x125xi32, #tpu.memory_space<hbm>>
        tpu.enqueue_dma source(%dma_start3A_75 : memref<40x125xi32, #tpu.memory_space<hbm>>) target(%arg9 : memref<40x125xi32, #tpu.memory_space<vmem>>) target_semaphore(%run_scoped3A : memref<!tpu.dma_semaphore, #tpu.memory_space<semaphore_mem>>)
        %dma_wait3A_76 = arith.constant 0 : i32
        %dma_wait3A_77 = tpu.memref_slice %arg2[%add3A, %multiple_of3A, %dma_wait3A_76] : memref<32x80x125xi32, #tpu.memory_space<hbm>> -> memref<1x40x125xi32, #tpu.memory_space<hbm>>
        %dma_wait3A_78 = tpu.memref_squeeze %dma_wait3A_77 : memref<1x40x125xi32, #tpu.memory_space<hbm>> -> memref<40x125xi32, #tpu.memory_space<hbm>>
        %dma_wait3A_79 = arith.constant 0 : i32
        %dma_wait3A_80 = tpu.memref_slice %arg2[%add3A, %multiple_of3A, %dma_wait3A_79] : memref<32x80x125xi32, #tpu.memory_space<hbm>> -> memref<1x40x125xi32, #tpu.memory_space<hbm>>
        %dma_wait3A_81 = tpu.memref_squeeze %dma_wait3A_80 : memref<1x40x125xi32, #tpu.memory_space<hbm>> -> memref<40x125xi32, #tpu.memory_space<hbm>>
        tpu.wait_dma2 semaphore(%run_scoped3A : memref<!tpu.dma_semaphore, #tpu.memory_space<semaphore_mem>>) src(%dma_wait3A_81 : memref<40x125xi32, #tpu.memory_space<hbm>>) dst(%arg9 : memref<40x125xi32, #tpu.memory_space<vmem>>)
        tpu.yield
      }) : () -> ()
      "tpu.region"() ({
        %run_scoped3A = tpu.sem_alloc : memref<!tpu.dma_semaphore, #tpu.memory_space<semaphore_mem>>
        %dma_start3A_70 = arith.constant 0 : i32
        %dma_start3A_71 = tpu.memref_slice %arg3[%add3A, %multiple_of3A, %dma_start3A_70] : memref<32x80x125xi32, #tpu.memory_space<hbm>> -> memref<1x40x125xi32, #tpu.memory_space<hbm>>
        %dma_start3A_72 = tpu.memref_squeeze %dma_start3A_71 : memref<1x40x125xi32, #tpu.memory_space<hbm>> -> memref<40x125xi32, #tpu.memory_space<hbm>>
        %dma_start3A_73 = arith.constant 0 : i32
        %dma_start3A_74 = tpu.memref_slice %arg3[%add3A, %multiple_of3A, %dma_start3A_73] : memref<32x80x125xi32, #tpu.memory_space<hbm>> -> memref<1x40x125xi32, #tpu.memory_space<hbm>>
        %dma_start3A_75 = tpu.memref_squeeze %dma_start3A_74 : memref<1x40x125xi32, #tpu.memory_space<hbm>> -> memref<40x125xi32, #tpu.memory_space<hbm>>
        tpu.enqueue_dma source(%dma_start3A_75 : memref<40x125xi32, #tpu.memory_space<hbm>>) target(%arg10 : memref<40x125xi32, #tpu.memory_space<vmem>>) target_semaphore(%run_scoped3A : memref<!tpu.dma_semaphore, #tpu.memory_space<semaphore_mem>>)
        %dma_wait3A_76 = arith.constant 0 : i32
        %dma_wait3A_77 = tpu.memref_slice %arg3[%add3A, %multiple_of3A, %dma_wait3A_76] : memref<32x80x125xi32, #tpu.memory_space<hbm>> -> memref<1x40x125xi32, #tpu.memory_space<hbm>>
        %dma_wait3A_78 = tpu.memref_squeeze %dma_wait3A_77 : memref<1x40x125xi32, #tpu.memory_space<hbm>> -> memref<40x125xi32, #tpu.memory_space<hbm>>
        %dma_wait3A_79 = arith.constant 0 : i32
        %dma_wait3A_80 = tpu.memref_slice %arg3[%add3A, %multiple_of3A, %dma_wait3A_79] : memref<32x80x125xi32, #tpu.memory_space<hbm>> -> memref<1x40x125xi32, #tpu.memory_space<hbm>>
        %dma_wait3A_81 = tpu.memref_squeeze %dma_wait3A_80 : memref<1x40x125xi32, #tpu.memory_space<hbm>> -> memref<40x125xi32, #tpu.memory_space<hbm>>
        tpu.wait_dma2 semaphore(%run_scoped3A : memref<!tpu.dma_semaphore, #tpu.memory_space<semaphore_mem>>) src(%dma_wait3A_81 : memref<40x125xi32, #tpu.memory_space<hbm>>) dst(%arg10 : memref<40x125xi32, #tpu.memory_space<vmem>>)
        tpu.yield
      }) : () -> ()
      %dma_start3A = arith.constant 0 : i32
      %dma_start3A_39 = arith.constant 0 : i32
      %dma_start3A_40 = tpu.memref_slice %arg9[%dma_start3A, %dma_start3A_39] : memref<40x125xi32, #tpu.memory_space<vmem>> -> memref<1x125xi32, #tpu.memory_space<vmem>>
      %dma_start3A_41 = tpu.memref_squeeze %dma_start3A_40 : memref<1x125xi32, #tpu.memory_space<vmem>> -> memref<125xi32, #tpu.memory_space<vmem>>
      %dma_start3A_42 = arith.constant 0 : i32
      %dma_start3A_43 = arith.constant 0 : i32
      %dma_start3A_44 = tpu.memref_slice %arg8[%dma_start3A_42, %dma_start3A_43] : memref<10000x64xf32, #tpu.memory_space<vmem_shared>> -> memref<10000x64xf32, #tpu.memory_space<vmem_shared>>
      tpu.enqueue_indirect_dma source(%dma_start3A_44 : memref<10000x64xf32, #tpu.memory_space<vmem_shared>>) target(%arg11 : memref<125x64xf32, #tpu.memory_space<vmem>>) offsets(%dma_start3A_41 : memref<125xi32, #tpu.memory_space<vmem>>) semaphore(%arg15 : memref<!tpu.dma_semaphore, #tpu.memory_space<semaphore_mem>>)
      %dma_start3A_45 = arith.constant 1 : i32
      %dma_start3A_46 = arith.constant 0 : i32
      %dma_start3A_47 = tpu.memref_slice %arg9[%dma_start3A_45, %dma_start3A_46] : memref<40x125xi32, #tpu.memory_space<vmem>> -> memref<1x125xi32, #tpu.memory_space<vmem>>
      %dma_start3A_48 = tpu.memref_squeeze %dma_start3A_47 : memref<1x125xi32, #tpu.memory_space<vmem>> -> memref<125xi32, #tpu.memory_space<vmem>>
      %dma_start3A_49 = arith.constant 0 : i32
      %dma_start3A_50 = arith.constant 0 : i32
      %dma_start3A_51 = tpu.memref_slice %arg8[%dma_start3A_49, %dma_start3A_50] : memref<10000x64xf32, #tpu.memory_space<vmem_shared>> -> memref<10000x64xf32, #tpu.memory_space<vmem_shared>>
      tpu.enqueue_indirect_dma source(%dma_start3A_51 : memref<10000x64xf32, #tpu.memory_space<vmem_shared>>) target(%arg12 : memref<125x64xf32, #tpu.memory_space<vmem>>) offsets(%dma_start3A_48 : memref<125xi32, #tpu.memory_space<vmem>>) semaphore(%arg16 : memref<!tpu.dma_semaphore, #tpu.memory_space<semaphore_mem>>)
      %scan3A_52 = arith.constant 0 : i32
      %scan3A_53 = arith.constant 10 : i32
      %scan3A_54 = arith.addi %scan3A_52, %scan3A_53 : i32
      %scan3A_55 = arith.constant 1 : i32
      scf.for %scan3A_70 = %scan3A_52 to %scan3A_54 step %scan3A_55  : i32 {
        %mul3A_71 = arith.constant 4 : i32
        %mul3A_72 = arith.muli %scan3A_70, %mul3A_71 : i32
        %add3A_73 = arith.constant 0 : i32
        %add3A_74 = arith.addi %add3A_73, %mul3A_72 : i32
        %add3A_75 = arith.constant 0 : i32
        %add3A_76 = arith.addi %add3A_74, %add3A_75 : i32
        %dma_wait3A_77 = arith.constant 0 : i32
        %dma_wait3A_78 = tpu.memref_slice %arg9[%add3A_76, %dma_wait3A_77] : memref<40x125xi32, #tpu.memory_space<vmem>> -> memref<1x125xi32, #tpu.memory_space<vmem>>
        %dma_wait3A_79 = tpu.memref_squeeze %dma_wait3A_78 : memref<1x125xi32, #tpu.memory_space<vmem>> -> memref<125xi32, #tpu.memory_space<vmem>>
        %dma_wait3A_80 = arith.constant 0 : i32
        %dma_wait3A_81 = arith.constant 0 : i32
        %dma_wait3A_82 = tpu.memref_slice %arg8[%dma_wait3A_80, %dma_wait3A_81] : memref<10000x64xf32, #tpu.memory_space<vmem_shared>> -> memref<10000x64xf32, #tpu.memory_space<vmem_shared>>
        tpu.wait_indirect_dma semaphore(%arg15 : memref<!tpu.dma_semaphore, #tpu.memory_space<semaphore_mem>>) src(%dma_wait3A_82 : memref<10000x64xf32, #tpu.memory_space<vmem_shared>>) dst(%arg11 : memref<125x64xf32, #tpu.memory_space<vmem>>)
        %dma_start3A_83 = arith.constant 0 : i32
        %dma_start3A_84 = tpu.memref_slice %arg10[%add3A_76, %dma_start3A_83] : memref<40x125xi32, #tpu.memory_space<vmem>> -> memref<1x125xi32, #tpu.memory_space<vmem>>
        %dma_start3A_85 = tpu.memref_squeeze %dma_start3A_84 : memref<1x125xi32, #tpu.memory_space<vmem>> -> memref<125xi32, #tpu.memory_space<vmem>>
        %dma_start3A_86 = arith.constant 0 : i32
        %dma_start3A_87 = arith.constant 0 : i32
        %dma_start3A_88 = tpu.memref_slice %arg7[%dma_start3A_86, %dma_start3A_87] : memref<10000x64xf32, #tpu.memory_space<vmem_shared>> -> memref<10000x64xf32, #tpu.memory_space<vmem_shared>>
        tpu.enqueue_indirect_dma source(%arg11 : memref<125x64xf32, #tpu.memory_space<vmem>>) target(%dma_start3A_88 : memref<10000x64xf32, #tpu.memory_space<vmem_shared>>) offsets(%dma_start3A_85 : memref<125xi32, #tpu.memory_space<vmem>>) semaphore(%arg19 : memref<!tpu.dma_semaphore, #tpu.memory_space<semaphore_mem>>) {add = true}
        %ge3A = arith.constant 2 : i32
        %ge3A_89 = arith.cmpi sge, %add3A_76, %ge3A : i32
        %convert_element_type3A_90 = arith.extui %ge3A_89 : i1 to i32
        %cond3A_91 = arith.constant 0 : i32
        %cond3A_92 = arith.cmpi ne, %convert_element_type3A_90, %cond3A_91 : i32
        scf.if %cond3A_92 {
          %sub3A = arith.constant 2 : i32
          %sub3A_178 = arith.subi %add3A_76, %sub3A : i32
          %dma_wait3A_179 = arith.constant 0 : i32
          %dma_wait3A_180 = tpu.memref_slice %arg10[%sub3A_178, %dma_wait3A_179] : memref<40x125xi32, #tpu.memory_space<vmem>> -> memref<1x125xi32, #tpu.memory_space<vmem>>
          %dma_wait3A_181 = tpu.memref_squeeze %dma_wait3A_180 : memref<1x125xi32, #tpu.memory_space<vmem>> -> memref<125xi32, #tpu.memory_space<vmem>>
          %dma_wait3A_182 = arith.constant 0 : i32
          %dma_wait3A_183 = arith.constant 0 : i32
          %dma_wait3A_184 = tpu.memref_slice %arg7[%dma_wait3A_182, %dma_wait3A_183] : memref<10000x64xf32, #tpu.memory_space<vmem_shared>> -> memref<10000x64xf32, #tpu.memory_space<vmem_shared>>
          tpu.wait_indirect_dma semaphore(%arg21 : memref<!tpu.dma_semaphore, #tpu.memory_space<semaphore_mem>>) src(%arg13 : memref<125x64xf32, #tpu.memory_space<vmem>>) dst(%dma_wait3A_184 : memref<10000x64xf32, #tpu.memory_space<vmem_shared>>)
        } else {
        }
        %add3A_93 = arith.constant 2 : i32
        %add3A_94 = arith.addi %add3A_76, %add3A_93 : i32
        %lt3A_95 = arith.constant 40 : i32
        %lt3A_96 = arith.cmpi slt, %add3A_94, %lt3A_95 : i32
        %convert_element_type3A_97 = arith.extui %lt3A_96 : i1 to i32
        %cond3A_98 = arith.constant 0 : i32
        %cond3A_99 = arith.cmpi ne, %convert_element_type3A_97, %cond3A_98 : i32
        scf.if %cond3A_99 {
          %add3A_178 = arith.constant 2 : i32
          %add3A_179 = arith.addi %add3A_76, %add3A_178 : i32
          %dma_start3A_180 = arith.constant 0 : i32
          %dma_start3A_181 = tpu.memref_slice %arg9[%add3A_179, %dma_start3A_180] : memref<40x125xi32, #tpu.memory_space<vmem>> -> memref<1x125xi32, #tpu.memory_space<vmem>>
          %dma_start3A_182 = tpu.memref_squeeze %dma_start3A_181 : memref<1x125xi32, #tpu.memory_space<vmem>> -> memref<125xi32, #tpu.memory_space<vmem>>
          %dma_start3A_183 = arith.constant 0 : i32
          %dma_start3A_184 = arith.constant 0 : i32
          %dma_start3A_185 = tpu.memref_slice %arg8[%dma_start3A_183, %dma_start3A_184] : memref<10000x64xf32, #tpu.memory_space<vmem_shared>> -> memref<10000x64xf32, #tpu.memory_space<vmem_shared>>
          tpu.enqueue_indirect_dma source(%dma_start3A_185 : memref<10000x64xf32, #tpu.memory_space<vmem_shared>>) target(%arg13 : memref<125x64xf32, #tpu.memory_space<vmem>>) offsets(%dma_start3A_182 : memref<125xi32, #tpu.memory_space<vmem>>) semaphore(%arg17 : memref<!tpu.dma_semaphore, #tpu.memory_space<semaphore_mem>>)
        } else {
        }
        %add3A_100 = arith.constant 1 : i32
        %add3A_101 = arith.addi %add3A_74, %add3A_100 : i32
        %dma_wait3A_102 = arith.constant 0 : i32
        %dma_wait3A_103 = tpu.memref_slice %arg9[%add3A_101, %dma_wait3A_102] : memref<40x125xi32, #tpu.memory_space<vmem>> -> memref<1x125xi32, #tpu.memory_space<vmem>>
        %dma_wait3A_104 = tpu.memref_squeeze %dma_wait3A_103 : memref<1x125xi32, #tpu.memory_space<vmem>> -> memref<125xi32, #tpu.memory_space<vmem>>
        %dma_wait3A_105 = arith.constant 0 : i32
        %dma_wait3A_106 = arith.constant 0 : i32
        %dma_wait3A_107 = tpu.memref_slice %arg8[%dma_wait3A_105, %dma_wait3A_106] : memref<10000x64xf32, #tpu.memory_space<vmem_shared>> -> memref<10000x64xf32, #tpu.memory_space<vmem_shared>>
        tpu.wait_indirect_dma semaphore(%arg16 : memref<!tpu.dma_semaphore, #tpu.memory_space<semaphore_mem>>) src(%dma_wait3A_107 : memref<10000x64xf32, #tpu.memory_space<vmem_shared>>) dst(%arg12 : memref<125x64xf32, #tpu.memory_space<vmem>>)
        %dma_start3A_108 = arith.constant 0 : i32
        %dma_start3A_109 = tpu.memref_slice %arg10[%add3A_101, %dma_start3A_108] : memref<40x125xi32, #tpu.memory_space<vmem>> -> memref<1x125xi32, #tpu.memory_space<vmem>>
        %dma_start3A_110 = tpu.memref_squeeze %dma_start3A_109 : memref<1x125xi32, #tpu.memory_space<vmem>> -> memref<125xi32, #tpu.memory_space<vmem>>
        %dma_start3A_111 = arith.constant 0 : i32
        %dma_start3A_112 = arith.constant 0 : i32
        %dma_start3A_113 = tpu.memref_slice %arg7[%dma_start3A_111, %dma_start3A_112] : memref<10000x64xf32, #tpu.memory_space<vmem_shared>> -> memref<10000x64xf32, #tpu.memory_space<vmem_shared>>
        tpu.enqueue_indirect_dma source(%arg12 : memref<125x64xf32, #tpu.memory_space<vmem>>) target(%dma_start3A_113 : memref<10000x64xf32, #tpu.memory_space<vmem_shared>>) offsets(%dma_start3A_110 : memref<125xi32, #tpu.memory_space<vmem>>) semaphore(%arg20 : memref<!tpu.dma_semaphore, #tpu.memory_space<semaphore_mem>>) {add = true}
        %ge3A_114 = arith.constant 2 : i32
        %ge3A_115 = arith.cmpi sge, %add3A_101, %ge3A_114 : i32
        %convert_element_type3A_116 = arith.extui %ge3A_115 : i1 to i32
        %cond3A_117 = arith.constant 0 : i32
        %cond3A_118 = arith.cmpi ne, %convert_element_type3A_116, %cond3A_117 : i32
        scf.if %cond3A_118 {
          %sub3A = arith.constant 2 : i32
          %sub3A_178 = arith.subi %add3A_101, %sub3A : i32
          %dma_wait3A_179 = arith.constant 0 : i32
          %dma_wait3A_180 = tpu.memref_slice %arg10[%sub3A_178, %dma_wait3A_179] : memref<40x125xi32, #tpu.memory_space<vmem>> -> memref<1x125xi32, #tpu.memory_space<vmem>>
          %dma_wait3A_181 = tpu.memref_squeeze %dma_wait3A_180 : memref<1x125xi32, #tpu.memory_space<vmem>> -> memref<125xi32, #tpu.memory_space<vmem>>
          %dma_wait3A_182 = arith.constant 0 : i32
          %dma_wait3A_183 = arith.constant 0 : i32
          %dma_wait3A_184 = tpu.memref_slice %arg7[%dma_wait3A_182, %dma_wait3A_183] : memref<10000x64xf32, #tpu.memory_space<vmem_shared>> -> memref<10000x64xf32, #tpu.memory_space<vmem_shared>>
          tpu.wait_indirect_dma semaphore(%arg22 : memref<!tpu.dma_semaphore, #tpu.memory_space<semaphore_mem>>) src(%arg14 : memref<125x64xf32, #tpu.memory_space<vmem>>) dst(%dma_wait3A_184 : memref<10000x64xf32, #tpu.memory_space<vmem_shared>>)
        } else {
        }
        %add3A_119 = arith.constant 2 : i32
        %add3A_120 = arith.addi %add3A_101, %add3A_119 : i32
        %lt3A_121 = arith.constant 40 : i32
        %lt3A_122 = arith.cmpi slt, %add3A_120, %lt3A_121 : i32
        %convert_element_type3A_123 = arith.extui %lt3A_122 : i1 to i32
        %cond3A_124 = arith.constant 0 : i32
        %cond3A_125 = arith.cmpi ne, %convert_element_type3A_123, %cond3A_124 : i32
        scf.if %cond3A_125 {
          %add3A_178 = arith.constant 2 : i32
          %add3A_179 = arith.addi %add3A_101, %add3A_178 : i32
          %dma_start3A_180 = arith.constant 0 : i32
          %dma_start3A_181 = tpu.memref_slice %arg9[%add3A_179, %dma_start3A_180] : memref<40x125xi32, #tpu.memory_space<vmem>> -> memref<1x125xi32, #tpu.memory_space<vmem>>
          %dma_start3A_182 = tpu.memref_squeeze %dma_start3A_181 : memref<1x125xi32, #tpu.memory_space<vmem>> -> memref<125xi32, #tpu.memory_space<vmem>>
          %dma_start3A_183 = arith.constant 0 : i32
          %dma_start3A_184 = arith.constant 0 : i32
          %dma_start3A_185 = tpu.memref_slice %arg8[%dma_start3A_183, %dma_start3A_184] : memref<10000x64xf32, #tpu.memory_space<vmem_shared>> -> memref<10000x64xf32, #tpu.memory_space<vmem_shared>>
          tpu.enqueue_indirect_dma source(%dma_start3A_185 : memref<10000x64xf32, #tpu.memory_space<vmem_shared>>) target(%arg14 : memref<125x64xf32, #tpu.memory_space<vmem>>) offsets(%dma_start3A_182 : memref<125xi32, #tpu.memory_space<vmem>>) semaphore(%arg18 : memref<!tpu.dma_semaphore, #tpu.memory_space<semaphore_mem>>)
        } else {
        }
        %add3A_126 = arith.constant 2 : i32
        %add3A_127 = arith.addi %add3A_74, %add3A_126 : i32
        %dma_wait3A_128 = arith.constant 0 : i32
        %dma_wait3A_129 = tpu.memref_slice %arg9[%add3A_127, %dma_wait3A_128] : memref<40x125xi32, #tpu.memory_space<vmem>> -> memref<1x125xi32, #tpu.memory_space<vmem>>
        %dma_wait3A_130 = tpu.memref_squeeze %dma_wait3A_129 : memref<1x125xi32, #tpu.memory_space<vmem>> -> memref<125xi32, #tpu.memory_space<vmem>>
        %dma_wait3A_131 = arith.constant 0 : i32
        %dma_wait3A_132 = arith.constant 0 : i32
        %dma_wait3A_133 = tpu.memref_slice %arg8[%dma_wait3A_131, %dma_wait3A_132] : memref<10000x64xf32, #tpu.memory_space<vmem_shared>> -> memref<10000x64xf32, #tpu.memory_space<vmem_shared>>
        tpu.wait_indirect_dma semaphore(%arg17 : memref<!tpu.dma_semaphore, #tpu.memory_space<semaphore_mem>>) src(%dma_wait3A_133 : memref<10000x64xf32, #tpu.memory_space<vmem_shared>>) dst(%arg13 : memref<125x64xf32, #tpu.memory_space<vmem>>)
        %dma_start3A_134 = arith.constant 0 : i32
        %dma_start3A_135 = tpu.memref_slice %arg10[%add3A_127, %dma_start3A_134] : memref<40x125xi32, #tpu.memory_space<vmem>> -> memref<1x125xi32, #tpu.memory_space<vmem>>
        %dma_start3A_136 = tpu.memref_squeeze %dma_start3A_135 : memref<1x125xi32, #tpu.memory_space<vmem>> -> memref<125xi32, #tpu.memory_space<vmem>>
        %dma_start3A_137 = arith.constant 0 : i32
        %dma_start3A_138 = arith.constant 0 : i32
        %dma_start3A_139 = tpu.memref_slice %arg7[%dma_start3A_137, %dma_start3A_138] : memref<10000x64xf32, #tpu.memory_space<vmem_shared>> -> memref<10000x64xf32, #tpu.memory_space<vmem_shared>>
        tpu.enqueue_indirect_dma source(%arg13 : memref<125x64xf32, #tpu.memory_space<vmem>>) target(%dma_start3A_139 : memref<10000x64xf32, #tpu.memory_space<vmem_shared>>) offsets(%dma_start3A_136 : memref<125xi32, #tpu.memory_space<vmem>>) semaphore(%arg21 : memref<!tpu.dma_semaphore, #tpu.memory_space<semaphore_mem>>) {add = true}
        %ge3A_140 = arith.constant 2 : i32
        %ge3A_141 = arith.cmpi sge, %add3A_127, %ge3A_140 : i32
        %convert_element_type3A_142 = arith.extui %ge3A_141 : i1 to i32
        %cond3A_143 = arith.constant 0 : i32
        %cond3A_144 = arith.cmpi ne, %convert_element_type3A_142, %cond3A_143 : i32
        scf.if %cond3A_144 {
          %sub3A = arith.constant 2 : i32
          %sub3A_178 = arith.subi %add3A_127, %sub3A : i32
          %dma_wait3A_179 = arith.constant 0 : i32
          %dma_wait3A_180 = tpu.memref_slice %arg10[%sub3A_178, %dma_wait3A_179] : memref<40x125xi32, #tpu.memory_space<vmem>> -> memref<1x125xi32, #tpu.memory_space<vmem>>
          %dma_wait3A_181 = tpu.memref_squeeze %dma_wait3A_180 : memref<1x125xi32, #tpu.memory_space<vmem>> -> memref<125xi32, #tpu.memory_space<vmem>>
          %dma_wait3A_182 = arith.constant 0 : i32
          %dma_wait3A_183 = arith.constant 0 : i32
          %dma_wait3A_184 = tpu.memref_slice %arg7[%dma_wait3A_182, %dma_wait3A_183] : memref<10000x64xf32, #tpu.memory_space<vmem_shared>> -> memref<10000x64xf32, #tpu.memory_space<vmem_shared>>
          tpu.wait_indirect_dma semaphore(%arg19 : memref<!tpu.dma_semaphore, #tpu.memory_space<semaphore_mem>>) src(%arg11 : memref<125x64xf32, #tpu.memory_space<vmem>>) dst(%dma_wait3A_184 : memref<10000x64xf32, #tpu.memory_space<vmem_shared>>)
        } else {
        }
        %add3A_145 = arith.constant 2 : i32
        %add3A_146 = arith.addi %add3A_127, %add3A_145 : i32
        %lt3A_147 = arith.constant 40 : i32
        %lt3A_148 = arith.cmpi slt, %add3A_146, %lt3A_147 : i32
        %convert_element_type3A_149 = arith.extui %lt3A_148 : i1 to i32
        %cond3A_150 = arith.constant 0 : i32
        %cond3A_151 = arith.cmpi ne, %convert_element_type3A_149, %cond3A_150 : i32
        scf.if %cond3A_151 {
          %add3A_178 = arith.constant 2 : i32
          %add3A_179 = arith.addi %add3A_127, %add3A_178 : i32
          %dma_start3A_180 = arith.constant 0 : i32
          %dma_start3A_181 = tpu.memref_slice %arg9[%add3A_179, %dma_start3A_180] : memref<40x125xi32, #tpu.memory_space<vmem>> -> memref<1x125xi32, #tpu.memory_space<vmem>>
          %dma_start3A_182 = tpu.memref_squeeze %dma_start3A_181 : memref<1x125xi32, #tpu.memory_space<vmem>> -> memref<125xi32, #tpu.memory_space<vmem>>
          %dma_start3A_183 = arith.constant 0 : i32
          %dma_start3A_184 = arith.constant 0 : i32
          %dma_start3A_185 = tpu.memref_slice %arg8[%dma_start3A_183, %dma_start3A_184] : memref<10000x64xf32, #tpu.memory_space<vmem_shared>> -> memref<10000x64xf32, #tpu.memory_space<vmem_shared>>
          tpu.enqueue_indirect_dma source(%dma_start3A_185 : memref<10000x64xf32, #tpu.memory_space<vmem_shared>>) target(%arg11 : memref<125x64xf32, #tpu.memory_space<vmem>>) offsets(%dma_start3A_182 : memref<125xi32, #tpu.memory_space<vmem>>) semaphore(%arg15 : memref<!tpu.dma_semaphore, #tpu.memory_space<semaphore_mem>>)
        } else {
        }
        %add3A_152 = arith.constant 3 : i32
        %add3A_153 = arith.addi %add3A_74, %add3A_152 : i32
        %dma_wait3A_154 = arith.constant 0 : i32
        %dma_wait3A_155 = tpu.memref_slice %arg9[%add3A_153, %dma_wait3A_154] : memref<40x125xi32, #tpu.memory_space<vmem>> -> memref<1x125xi32, #tpu.memory_space<vmem>>
        %dma_wait3A_156 = tpu.memref_squeeze %dma_wait3A_155 : memref<1x125xi32, #tpu.memory_space<vmem>> -> memref<125xi32, #tpu.memory_space<vmem>>
        %dma_wait3A_157 = arith.constant 0 : i32
        %dma_wait3A_158 = arith.constant 0 : i32
        %dma_wait3A_159 = tpu.memref_slice %arg8[%dma_wait3A_157, %dma_wait3A_158] : memref<10000x64xf32, #tpu.memory_space<vmem_shared>> -> memref<10000x64xf32, #tpu.memory_space<vmem_shared>>
        tpu.wait_indirect_dma semaphore(%arg18 : memref<!tpu.dma_semaphore, #tpu.memory_space<semaphore_mem>>) src(%dma_wait3A_159 : memref<10000x64xf32, #tpu.memory_space<vmem_shared>>) dst(%arg14 : memref<125x64xf32, #tpu.memory_space<vmem>>)
        %dma_start3A_160 = arith.constant 0 : i32
        %dma_start3A_161 = tpu.memref_slice %arg10[%add3A_153, %dma_start3A_160] : memref<40x125xi32, #tpu.memory_space<vmem>> -> memref<1x125xi32, #tpu.memory_space<vmem>>
        %dma_start3A_162 = tpu.memref_squeeze %dma_start3A_161 : memref<1x125xi32, #tpu.memory_space<vmem>> -> memref<125xi32, #tpu.memory_space<vmem>>
        %dma_start3A_163 = arith.constant 0 : i32
        %dma_start3A_164 = arith.constant 0 : i32
        %dma_start3A_165 = tpu.memref_slice %arg7[%dma_start3A_163, %dma_start3A_164] : memref<10000x64xf32, #tpu.memory_space<vmem_shared>> -> memref<10000x64xf32, #tpu.memory_space<vmem_shared>>
        tpu.enqueue_indirect_dma source(%arg14 : memref<125x64xf32, #tpu.memory_space<vmem>>) target(%dma_start3A_165 : memref<10000x64xf32, #tpu.memory_space<vmem_shared>>) offsets(%dma_start3A_162 : memref<125xi32, #tpu.memory_space<vmem>>) semaphore(%arg22 : memref<!tpu.dma_semaphore, #tpu.memory_space<semaphore_mem>>) {add = true}
        %ge3A_166 = arith.constant 2 : i32
        %ge3A_167 = arith.cmpi sge, %add3A_153, %ge3A_166 : i32
        %convert_element_type3A_168 = arith.extui %ge3A_167 : i1 to i32
        %cond3A_169 = arith.constant 0 : i32
        %cond3A_170 = arith.cmpi ne, %convert_element_type3A_168, %cond3A_169 : i32
        scf.if %cond3A_170 {
          %sub3A = arith.constant 2 : i32
          %sub3A_178 = arith.subi %add3A_153, %sub3A : i32
          %dma_wait3A_179 = arith.constant 0 : i32
          %dma_wait3A_180 = tpu.memref_slice %arg10[%sub3A_178, %dma_wait3A_179] : memref<40x125xi32, #tpu.memory_space<vmem>> -> memref<1x125xi32, #tpu.memory_space<vmem>>
          %dma_wait3A_181 = tpu.memref_squeeze %dma_wait3A_180 : memref<1x125xi32, #tpu.memory_space<vmem>> -> memref<125xi32, #tpu.memory_space<vmem>>
          %dma_wait3A_182 = arith.constant 0 : i32
          %dma_wait3A_183 = arith.constant 0 : i32
          %dma_wait3A_184 = tpu.memref_slice %arg7[%dma_wait3A_182, %dma_wait3A_183] : memref<10000x64xf32, #tpu.memory_space<vmem_shared>> -> memref<10000x64xf32, #tpu.memory_space<vmem_shared>>
          tpu.wait_indirect_dma semaphore(%arg20 : memref<!tpu.dma_semaphore, #tpu.memory_space<semaphore_mem>>) src(%arg12 : memref<125x64xf32, #tpu.memory_space<vmem>>) dst(%dma_wait3A_184 : memref<10000x64xf32, #tpu.memory_space<vmem_shared>>)
        } else {
        }
        %add3A_171 = arith.constant 2 : i32
        %add3A_172 = arith.addi %add3A_153, %add3A_171 : i32
        %lt3A_173 = arith.constant 40 : i32
        %lt3A_174 = arith.cmpi slt, %add3A_172, %lt3A_173 : i32
        %convert_element_type3A_175 = arith.extui %lt3A_174 : i1 to i32
        %cond3A_176 = arith.constant 0 : i32
        %cond3A_177 = arith.cmpi ne, %convert_element_type3A_175, %cond3A_176 : i32
        scf.if %cond3A_177 {
          %add3A_178 = arith.constant 2 : i32
          %add3A_179 = arith.addi %add3A_153, %add3A_178 : i32
          %dma_start3A_180 = arith.constant 0 : i32
          %dma_start3A_181 = tpu.memref_slice %arg9[%add3A_179, %dma_start3A_180] : memref<40x125xi32, #tpu.memory_space<vmem>> -> memref<1x125xi32, #tpu.memory_space<vmem>>
          %dma_start3A_182 = tpu.memref_squeeze %dma_start3A_181 : memref<1x125xi32, #tpu.memory_space<vmem>> -> memref<125xi32, #tpu.memory_space<vmem>>
          %dma_start3A_183 = arith.constant 0 : i32
          %dma_start3A_184 = arith.constant 0 : i32
          %dma_start3A_185 = tpu.memref_slice %arg8[%dma_start3A_183, %dma_start3A_184] : memref<10000x64xf32, #tpu.memory_space<vmem_shared>> -> memref<10000x64xf32, #tpu.memory_space<vmem_shared>>
          tpu.enqueue_indirect_dma source(%dma_start3A_185 : memref<10000x64xf32, #tpu.memory_space<vmem_shared>>) target(%arg12 : memref<125x64xf32, #tpu.memory_space<vmem>>) offsets(%dma_start3A_182 : memref<125xi32, #tpu.memory_space<vmem>>) semaphore(%arg16 : memref<!tpu.dma_semaphore, #tpu.memory_space<semaphore_mem>>)
        } else {
        }
      }
      %scan3A_56 = arith.constant 10 : i32
      %dma_wait3A = arith.constant 38 : i32
      %dma_wait3A_57 = arith.constant 0 : i32
      %dma_wait3A_58 = tpu.memref_slice %arg10[%dma_wait3A, %dma_wait3A_57] : memref<40x125xi32, #tpu.memory_space<vmem>> -> memref<1x125xi32, #tpu.memory_space<vmem>>
      %dma_wait3A_59 = tpu.memref_squeeze %dma_wait3A_58 : memref<1x125xi32, #tpu.memory_space<vmem>> -> memref<125xi32, #tpu.memory_space<vmem>>
      %dma_wait3A_60 = arith.constant 0 : i32
      %dma_wait3A_61 = arith.constant 0 : i32
      %dma_wait3A_62 = tpu.memref_slice %arg7[%dma_wait3A_60, %dma_wait3A_61] : memref<10000x64xf32, #tpu.memory_space<vmem_shared>> -> memref<10000x64xf32, #tpu.memory_space<vmem_shared>>
      tpu.wait_indirect_dma semaphore(%arg21 : memref<!tpu.dma_semaphore, #tpu.memory_space<semaphore_mem>>) src(%arg13 : memref<125x64xf32, #tpu.memory_space<vmem>>) dst(%dma_wait3A_62 : memref<10000x64xf32, #tpu.memory_space<vmem_shared>>)
      %dma_wait3A_63 = arith.constant 39 : i32
      %dma_wait3A_64 = arith.constant 0 : i32
      %dma_wait3A_65 = tpu.memref_slice %arg10[%dma_wait3A_63, %dma_wait3A_64] : memref<40x125xi32, #tpu.memory_space<vmem>> -> memref<1x125xi32, #tpu.memory_space<vmem>>
      %dma_wait3A_66 = tpu.memref_squeeze %dma_wait3A_65 : memref<1x125xi32, #tpu.memory_space<vmem>> -> memref<125xi32, #tpu.memory_space<vmem>>
      %dma_wait3A_67 = arith.constant 0 : i32
      %dma_wait3A_68 = arith.constant 0 : i32
      %dma_wait3A_69 = tpu.memref_slice %arg7[%dma_wait3A_67, %dma_wait3A_68] : memref<10000x64xf32, #tpu.memory_space<vmem_shared>> -> memref<10000x64xf32, #tpu.memory_space<vmem_shared>>
      tpu.wait_indirect_dma semaphore(%arg22 : memref<!tpu.dma_semaphore, #tpu.memory_space<semaphore_mem>>) src(%arg14 : memref<125x64xf32, #tpu.memory_space<vmem>>) dst(%dma_wait3A_69 : memref<10000x64xf32, #tpu.memory_space<vmem_shared>>)
    }
    %scan3A_20 = arith.constant 2 : i32
    %barrier3A_21 = arith.constant 0 : index
    tpu.barrier barrier_id(%barrier3A_21)
    %lt3A_22 = arith.constant 15 : i32
    %lt3A_23 = arith.cmpi slt, %arg1, %lt3A_22 : i32
    %convert_element_type3A_24 = arith.extui %lt3A_23 : i1 to i32
    %cond3A_25 = arith.constant 0 : i32
    %cond3A_26 = arith.cmpi ne, %convert_element_type3A_24, %cond3A_25 : i32
    scf.if %cond3A_26 {
      %mul3A_32 = arith.constant 624 : i32
      %mul3A_33 = arith.muli %arg1, %mul3A_32 : i32
      %multiple_of3A = tpu.assume_multiple %mul3A_33, 8 : i32
      "tpu.region"() ({
        %run_scoped3A = tpu.sem_alloc : memref<!tpu.dma_semaphore, #tpu.memory_space<semaphore_mem>>
        %dma_start3A = arith.constant 0 : i32
        %dma_start3A_34 = tpu.memref_slice %arg6[%arg0, %multiple_of3A, %dma_start3A] : memref<2x10000x64xf32, #tpu.memory_space<hbm>> -> memref<1x624x64xf32, #tpu.memory_space<hbm>>
        %dma_start3A_35 = tpu.memref_squeeze %dma_start3A_34 : memref<1x624x64xf32, #tpu.memory_space<hbm>> -> memref<624x64xf32, #tpu.memory_space<hbm>>
        %dma_start3A_36 = arith.constant 0 : i32
        %dma_start3A_37 = tpu.memref_slice %arg7[%multiple_of3A, %dma_start3A_36] : memref<10000x64xf32, #tpu.memory_space<vmem_shared>> -> memref<624x64xf32, #tpu.memory_space<vmem_shared>>
        tpu.enqueue_dma source(%dma_start3A_37 : memref<624x64xf32, #tpu.memory_space<vmem_shared>>) target(%dma_start3A_35 : memref<624x64xf32, #tpu.memory_space<hbm>>) target_semaphore(%run_scoped3A : memref<!tpu.dma_semaphore, #tpu.memory_space<semaphore_mem>>)
        %dma_wait3A = arith.constant 0 : i32
        %dma_wait3A_38 = tpu.memref_slice %arg6[%arg0, %multiple_of3A, %dma_wait3A] : memref<2x10000x64xf32, #tpu.memory_space<hbm>> -> memref<1x624x64xf32, #tpu.memory_space<hbm>>
        %dma_wait3A_39 = tpu.memref_squeeze %dma_wait3A_38 : memref<1x624x64xf32, #tpu.memory_space<hbm>> -> memref<624x64xf32, #tpu.memory_space<hbm>>
        %dma_wait3A_40 = arith.constant 0 : i32
        %dma_wait3A_41 = tpu.memref_slice %arg7[%multiple_of3A, %dma_wait3A_40] : memref<10000x64xf32, #tpu.memory_space<vmem_shared>> -> memref<624x64xf32, #tpu.memory_space<vmem_shared>>
        tpu.wait_dma2 semaphore(%run_scoped3A : memref<!tpu.dma_semaphore, #tpu.memory_space<semaphore_mem>>) src(%dma_wait3A_41 : memref<624x64xf32, #tpu.memory_space<vmem_shared>>) dst(%dma_wait3A_39 : memref<624x64xf32, #tpu.memory_space<hbm>>)
        tpu.yield
      }) : () -> ()
    } else {
    }
    %eq3A_27 = arith.constant 15 : i32
    %eq3A_28 = arith.cmpi eq, %arg1, %eq3A_27 : i32
    %convert_element_type3A_29 = arith.extui %eq3A_28 : i1 to i32
    %cond3A_30 = arith.constant 0 : i32
    %cond3A_31 = arith.cmpi ne, %convert_element_type3A_29, %cond3A_30 : i32
    scf.if %cond3A_31 {
      "tpu.region"() ({
        %run_scoped3A = tpu.sem_alloc : memref<!tpu.dma_semaphore, #tpu.memory_space<semaphore_mem>>
        %dma_start3A = arith.constant 9360 : i32
        %dma_start3A_32 = arith.constant 0 : i32
        %dma_start3A_33 = tpu.memref_slice %arg6[%arg0, %dma_start3A, %dma_start3A_32] : memref<2x10000x64xf32, #tpu.memory_space<hbm>> -> memref<1x640x64xf32, #tpu.memory_space<hbm>>
        %dma_start3A_34 = tpu.memref_squeeze %dma_start3A_33 : memref<1x640x64xf32, #tpu.memory_space<hbm>> -> memref<640x64xf32, #tpu.memory_space<hbm>>
        %dma_start3A_35 = arith.constant 9360 : i32
        %dma_start3A_36 = arith.constant 0 : i32
        %dma_start3A_37 = tpu.memref_slice %arg7[%dma_start3A_35, %dma_start3A_36] : memref<10000x64xf32, #tpu.memory_space<vmem_shared>> -> memref<640x64xf32, #tpu.memory_space<vmem_shared>>
        tpu.enqueue_dma source(%dma_start3A_37 : memref<640x64xf32, #tpu.memory_space<vmem_shared>>) target(%dma_start3A_34 : memref<640x64xf32, #tpu.memory_space<hbm>>) target_semaphore(%run_scoped3A : memref<!tpu.dma_semaphore, #tpu.memory_space<semaphore_mem>>)
        %dma_wait3A = arith.constant 9360 : i32
        %dma_wait3A_38 = arith.constant 0 : i32
        %dma_wait3A_39 = tpu.memref_slice %arg6[%arg0, %dma_wait3A, %dma_wait3A_38] : memref<2x10000x64xf32, #tpu.memory_space<hbm>> -> memref<1x640x64xf32, #tpu.memory_space<hbm>>
        %dma_wait3A_40 = tpu.memref_squeeze %dma_wait3A_39 : memref<1x640x64xf32, #tpu.memory_space<hbm>> -> memref<640x64xf32, #tpu.memory_space<hbm>>
        %dma_wait3A_41 = arith.constant 9360 : i32
        %dma_wait3A_42 = arith.constant 0 : i32
        %dma_wait3A_43 = tpu.memref_slice %arg7[%dma_wait3A_41, %dma_wait3A_42] : memref<10000x64xf32, #tpu.memory_space<vmem_shared>> -> memref<640x64xf32, #tpu.memory_space<vmem_shared>>
        tpu.wait_dma2 semaphore(%run_scoped3A : memref<!tpu.dma_semaphore, #tpu.memory_space<semaphore_mem>>) src(%dma_wait3A_43 : memref<640x64xf32, #tpu.memory_space<vmem_shared>>) dst(%dma_wait3A_40 : memref<640x64xf32, #tpu.memory_space<hbm>>)
        tpu.yield
      }) : () -> ()
    } else {
    }
    return
  }
}

module attributes {stable_mosaic.version = 14 : i64} {
  func.func @body(%arg0: memref<2x10000xf32, #tpu.memory_space<vmem>>, %arg1: memref<10000x128xf32, #tpu.memory_space<vmem>>, %arg2: memref<128x64xf32, #tpu.memory_space<vmem>>, %arg3: memref<10000x64xf32, #tpu.memory_space<vmem>>) attributes {dimension_semantics = [], scalar_prefetch = 0 : i64, scratch_operands = 0 : i64, tpu.core_type = #tpu.core_type<tc>} {
    %get3A = arith.constant 0 : index
    %get3A_0 = arith.constant 0 : index
    %get3A_1 = vector.load %arg0[%get3A, %get3A_0] : memref<2x10000xf32, #tpu.memory_space<vmem>>, vector<1x10000xf32>
    %get3A_2 = vector.shape_cast %get3A_1 : vector<1x10000xf32> to vector<10000xf32>
    %get3A_3 = arith.constant 1 : index
    %get3A_4 = arith.constant 0 : index
    %get3A_5 = vector.load %arg0[%get3A_3, %get3A_4] : memref<2x10000xf32, #tpu.memory_space<vmem>>, vector<1x10000xf32>
    %get3A_6 = vector.shape_cast %get3A_5 : vector<1x10000xf32> to vector<10000xf32>
    %add3A = arith.addf %get3A_2, %get3A_6 : vector<10000xf32>
    %add3A_7 = arith.constant 1.000000e+00 : f32
    %add3A_8 = vector.broadcast %add3A_7 : f32 to vector<10000xf32>
    %add3A_9 = arith.addf %add3A, %add3A_8 : vector<10000xf32>
    %rsqrt3A = math.rsqrt %add3A_9 : vector<10000xf32>
    %broadcast_in_dim3A = vector.shape_cast %rsqrt3A : vector<10000xf32> to vector<10000x1xf32>
    %get3A_10 = arith.constant 0 : index
    %get3A_11 = arith.constant 0 : index
    %get3A_12 = vector.load %arg1[%get3A_10, %get3A_11] : memref<10000x128xf32, #tpu.memory_space<vmem>>, vector<10000x128xf32>
    %get3A_13 = arith.constant 0 : index
    %get3A_14 = arith.constant 0 : index
    %get3A_15 = vector.load %arg2[%get3A_13, %get3A_14] : memref<128x64xf32, #tpu.memory_space<vmem>>, vector<128x64xf32>
    %dot_general3A = arith.constant dense<0.000000e+00> : vector<10000x64xf32>
    %dot_general3A_16 = tpu.matmul %get3A_12, %get3A_15, %dot_general3A {dimension_numbers = #tpu.dot_dimension_numbers<[1], [0], [0], [1], [0, 0, 1, 1], [], []>, transpose_lhs_hint = false} : vector<10000x128xf32>, vector<128x64xf32>, vector<10000x64xf32> -> vector<10000x64xf32>
    %mul3A = vector.broadcast %broadcast_in_dim3A : vector<10000x1xf32> to vector<10000x64xf32>
    %mul3A_17 = arith.mulf %dot_general3A_16, %mul3A : vector<10000x64xf32>
    %swap3A = arith.constant 0 : index
    %swap3A_18 = arith.constant 0 : index
    %swap3A_19 = vector.load %arg3[%swap3A, %swap3A_18] : memref<10000x64xf32, #tpu.memory_space<vmem>>, vector<10000x64xf32>
    tpu.vector_store %arg3[%swap3A, %swap3A_18], %mul3A_17 {strides = array<i32>} : memref<10000x64xf32, #tpu.memory_space<vmem>>, vector<10000x64xf32>,
    return
  }
}

module attributes {stable_mosaic.version = 14 : i64} {
  func.func @body(%arg0: memref<2x10000xf32, #tpu.memory_space<vmem>>, %arg1: memref<2x10000x64xf32, #tpu.memory_space<vmem>>, %arg2: memref<10000x64xf32, #tpu.memory_space<vmem>>, %arg3: memref<64xf32, #tpu.memory_space<vmem>>, %arg4: memref<10000x64xf32, #tpu.memory_space<vmem>>) attributes {dimension_semantics = [], scalar_prefetch = 0 : i64, scratch_operands = 0 : i64, tpu.core_type = #tpu.core_type<tc>} {
    %get3A = arith.constant 0 : index
    %get3A_0 = arith.constant 0 : index
    %get3A_1 = vector.load %arg0[%get3A, %get3A_0] : memref<2x10000xf32, #tpu.memory_space<vmem>>, vector<1x10000xf32>
    %get3A_2 = vector.shape_cast %get3A_1 : vector<1x10000xf32> to vector<10000xf32>
    %get3A_3 = arith.constant 1 : index
    %get3A_4 = arith.constant 0 : index
    %get3A_5 = vector.load %arg0[%get3A_3, %get3A_4] : memref<2x10000xf32, #tpu.memory_space<vmem>>, vector<1x10000xf32>
    %get3A_6 = vector.shape_cast %get3A_5 : vector<1x10000xf32> to vector<10000xf32>
    %add3A = arith.addf %get3A_2, %get3A_6 : vector<10000xf32>
    %add3A_7 = arith.constant 1.000000e+00 : f32
    %add3A_8 = vector.broadcast %add3A_7 : f32 to vector<10000xf32>
    %add3A_9 = arith.addf %add3A, %add3A_8 : vector<10000xf32>
    %rsqrt3A = math.rsqrt %add3A_9 : vector<10000xf32>
    %broadcast_in_dim3A = vector.shape_cast %rsqrt3A : vector<10000xf32> to vector<10000x1xf32>
    %get3A_10 = arith.constant 0 : index
    %get3A_11 = arith.constant 0 : index
    %get3A_12 = arith.constant 0 : index
    %get3A_13 = vector.load %arg1[%get3A_10, %get3A_11, %get3A_12] : memref<2x10000x64xf32, #tpu.memory_space<vmem>>, vector<1x10000x64xf32>
    %get3A_14 = vector.shape_cast %get3A_13 : vector<1x10000x64xf32> to vector<10000x64xf32>
    %get3A_15 = arith.constant 1 : index
    %get3A_16 = arith.constant 0 : index
    %get3A_17 = arith.constant 0 : index
    %get3A_18 = vector.load %arg1[%get3A_15, %get3A_16, %get3A_17] : memref<2x10000x64xf32, #tpu.memory_space<vmem>>, vector<1x10000x64xf32>
    %get3A_19 = vector.shape_cast %get3A_18 : vector<1x10000x64xf32> to vector<10000x64xf32>
    %add3A_20 = arith.addf %get3A_14, %get3A_19 : vector<10000x64xf32>
    %get3A_21 = arith.constant 0 : index
    %get3A_22 = arith.constant 0 : index
    %get3A_23 = vector.load %arg2[%get3A_21, %get3A_22] : memref<10000x64xf32, #tpu.memory_space<vmem>>, vector<10000x64xf32>
    %add3A_24 = arith.addf %add3A_20, %get3A_23 : vector<10000x64xf32>
    %mul3A = vector.broadcast %broadcast_in_dim3A : vector<10000x1xf32> to vector<10000x64xf32>
    %mul3A_25 = arith.mulf %add3A_24, %mul3A : vector<10000x64xf32>
    %get3A_26 = arith.constant 0 : index
    %get3A_27 = vector.load %arg3[%get3A_26] : memref<64xf32, #tpu.memory_space<vmem>>, vector<64xf32>
    %broadcast_in_dim3A_28 = vector.shape_cast %get3A_27 : vector<64xf32> to vector<1x64xf32>
    %add3A_29 = vector.broadcast %broadcast_in_dim3A_28 : vector<1x64xf32> to vector<10000x64xf32>
    %add3A_30 = arith.addf %mul3A_25, %add3A_29 : vector<10000x64xf32>
    %max3A = arith.constant 0.000000e+00 : f32
    %max3A_31 = vector.broadcast %max3A : f32 to vector<10000x64xf32>
    %max3A_32 = arith.maximumf %add3A_30, %max3A_31 : vector<10000x64xf32>
    %mul3A_33 = vector.broadcast %broadcast_in_dim3A : vector<10000x1xf32> to vector<10000x64xf32>
    %mul3A_34 = arith.mulf %max3A_32, %mul3A_33 : vector<10000x64xf32>
    %swap3A = arith.constant 0 : index
    %swap3A_35 = arith.constant 0 : index
    %swap3A_36 = vector.load %arg4[%swap3A, %swap3A_35] : memref<10000x64xf32, #tpu.memory_space<vmem>>, vector<10000x64xf32>
    tpu.vector_store %arg4[%swap3A, %swap3A_35], %mul3A_34 {strides = array<i32>} : memref<10000x64xf32, #tpu.memory_space<vmem>>, vector<10000x64xf32>,
    return
  }
}

module attributes {stable_mosaic.version = 14 : i64} {
  func.func @body(%arg0: memref<2x10000xf32, #tpu.memory_space<vmem>>, %arg1: memref<2x10000x64xf32, #tpu.memory_space<vmem>>, %arg2: memref<10000x64xf32, #tpu.memory_space<vmem>>, %arg3: memref<64x128xf32, #tpu.memory_space<vmem>>, %arg4: memref<128xf32, #tpu.memory_space<vmem>>, %arg5: memref<10000x128xf32, #tpu.memory_space<vmem>>) attributes {dimension_semantics = [], scalar_prefetch = 0 : i64, scratch_operands = 0 : i64, tpu.core_type = #tpu.core_type<tc>} {
    %get3A = arith.constant 0 : index
    %get3A_0 = arith.constant 0 : index
    %get3A_1 = vector.load %arg0[%get3A, %get3A_0] : memref<2x10000xf32, #tpu.memory_space<vmem>>, vector<1x10000xf32>
    %get3A_2 = vector.shape_cast %get3A_1 : vector<1x10000xf32> to vector<10000xf32>
    %get3A_3 = arith.constant 1 : index
    %get3A_4 = arith.constant 0 : index
    %get3A_5 = vector.load %arg0[%get3A_3, %get3A_4] : memref<2x10000xf32, #tpu.memory_space<vmem>>, vector<1x10000xf32>
    %get3A_6 = vector.shape_cast %get3A_5 : vector<1x10000xf32> to vector<10000xf32>
    %add3A = arith.addf %get3A_2, %get3A_6 : vector<10000xf32>
    %add3A_7 = arith.constant 1.000000e+00 : f32
    %add3A_8 = vector.broadcast %add3A_7 : f32 to vector<10000xf32>
    %add3A_9 = arith.addf %add3A, %add3A_8 : vector<10000xf32>
    %rsqrt3A = math.rsqrt %add3A_9 : vector<10000xf32>
    %broadcast_in_dim3A = vector.shape_cast %rsqrt3A : vector<10000xf32> to vector<10000x1xf32>
    %get3A_10 = arith.constant 0 : index
    %get3A_11 = arith.constant 0 : index
    %get3A_12 = arith.constant 0 : index
    %get3A_13 = vector.load %arg1[%get3A_10, %get3A_11, %get3A_12] : memref<2x10000x64xf32, #tpu.memory_space<vmem>>, vector<1x10000x64xf32>
    %get3A_14 = vector.shape_cast %get3A_13 : vector<1x10000x64xf32> to vector<10000x64xf32>
    %get3A_15 = arith.constant 1 : index
    %get3A_16 = arith.constant 0 : index
    %get3A_17 = arith.constant 0 : index
    %get3A_18 = vector.load %arg1[%get3A_15, %get3A_16, %get3A_17] : memref<2x10000x64xf32, #tpu.memory_space<vmem>>, vector<1x10000x64xf32>
    %get3A_19 = vector.shape_cast %get3A_18 : vector<1x10000x64xf32> to vector<10000x64xf32>
    %add3A_20 = arith.addf %get3A_14, %get3A_19 : vector<10000x64xf32>
    %get3A_21 = arith.constant 0 : index
    %get3A_22 = arith.constant 0 : index
    %get3A_23 = vector.load %arg2[%get3A_21, %get3A_22] : memref<10000x64xf32, #tpu.memory_space<vmem>>, vector<10000x64xf32>
    %add3A_24 = arith.addf %add3A_20, %get3A_23 : vector<10000x64xf32>
    %mul3A = vector.broadcast %broadcast_in_dim3A : vector<10000x1xf32> to vector<10000x64xf32>
    %mul3A_25 = arith.mulf %add3A_24, %mul3A : vector<10000x64xf32>
    %get3A_26 = arith.constant 0 : index
    %get3A_27 = arith.constant 0 : index
    %get3A_28 = vector.load %arg3[%get3A_26, %get3A_27] : memref<64x128xf32, #tpu.memory_space<vmem>>, vector<64x128xf32>
    %dot_general3A = arith.constant dense<0.000000e+00> : vector<10000x128xf32>
    %dot_general3A_29 = tpu.matmul %mul3A_25, %get3A_28, %dot_general3A {dimension_numbers = #tpu.dot_dimension_numbers<[1], [0], [0], [1], [0, 0, 1, 1], [], []>, transpose_lhs_hint = false} : vector<10000x64xf32>, vector<64x128xf32>, vector<10000x128xf32> -> vector<10000x128xf32>
    %get3A_30 = arith.constant 0 : index
    %get3A_31 = vector.load %arg4[%get3A_30] : memref<128xf32, #tpu.memory_space<vmem>>, vector<128xf32>
    %broadcast_in_dim3A_32 = vector.shape_cast %get3A_31 : vector<128xf32> to vector<1x128xf32>
    %add3A_33 = vector.broadcast %broadcast_in_dim3A_32 : vector<1x128xf32> to vector<10000x128xf32>
    %add3A_34 = arith.addf %dot_general3A_29, %add3A_33 : vector<10000x128xf32>
    %swap3A = arith.constant 0 : index
    %swap3A_35 = arith.constant 0 : index
    %swap3A_36 = vector.load %arg5[%swap3A, %swap3A_35] : memref<10000x128xf32, #tpu.memory_space<vmem>>, vector<10000x128xf32>
    tpu.vector_store %arg5[%swap3A, %swap3A_35], %add3A_34 {strides = array<i32>} : memref<10000x128xf32, #tpu.memory_space<vmem>>, vector<10000x128xf32>,
    return
  }
}

</mosaic_0001>

<sc_bundles>
// kernel: kernel.11.cloned.1.call-start
scs
__scs_entry_jumppad:
0x0: {  	(pc) =	sbr.rel $0x88, $3  }
0x1: {  	(tag) =	ssettag $0x0;
	lr =	simm.s32 $0x1  }
0x2: {  	[smem:$0x3F9B] =	sst lr;
	_ =	strace $0xD0000000  }
0x3: {  	_ = 	snop  }
0x4: {  	_ = 	snop  }
0x5: {  	_ = 	snop  }
0x6: {  	_ = 	snop  }
0x7: {  	_ = 	snop  }
__scs_overlays_trampoline_lowered:
0x8: {  	[smem:$0x3FAA] =	sst s0  }
0x9: {  	[smem:$0x3FAB] =	sst s1  }
0xa: {  	[smem:$0x3FAC] =	sst s2  }
0xb: {  	[smem:$0x3FAD] =	sst s3  }
0xc: {  	[smem:$0x3FAE] =	sst s4  }
0xd: {  	[smem:$0x3FAF] =	sst s5  }
0xe: {  	[smem:$0x3FB0] =	sst s6  }
0xf: {  	[smem:$0x3FB1] =	sst s7  }
0x10: {  	[smem:$0x3FB2] =	sst s8  }
0x11: {  	[smem:$0x3FB3] =	sst s9;
	s0 =	simm.s32 @!p0 $0x0  }
0x12: {  	s1 =	sld [smem:$0x3F99];
	s0 =	simm.s32 @p0 $0x1  }
0x13: {  	[smem:$0x3FB4] =	sst s0;
	s0 =	simm.s32 @!p1 $0x0  }
0x14: {  	s2 =	sld [smem:$0x3F98];
	s0 =	simm.s32 @p1 $0x1  }
0x15: {  	[smem:$0x3FB5] =	sst s0;
	s0 =	simm.s32 @!p2 $0x0  }
0x16: {  	s3 =	sld [smem:$0x3FDB];
	s0 =	simm.s32 @p2 $0x1  }
0x17: {  	s4 =	simm.s32 $0x1BF5;
	[smem:$0x3FB7] =	sst s0  }
0x18: {  	s0 =	sld [smem:$0x3F9A];
	_ =	swait.ge [sflag:s4], $0x0  }
0x19: {  	s7 =	sld [smem:$0x3F9B]  }
0x1a: {  	s8 =	sadd.s32 $0xFFFFE003, lr  }
0x1b: {  	s9 =	sadd.s32 $0xFFFFFEF7, lr;
	s5 =	simm.s32 $0xFFFFFFFF;
	p2 =	slt.u32 s8, $0xFFFFF086  }
0x1c: {  	p1 =	slt.u32 s9, $0xF7A;
	s5 =	simm.s32 @!p2 $0x0  }
0x1d: {  	s5 =	simm.s32 @p1 $0x1;
	p0 =	seq.s32 s7, s2  }
0x1e: {  	s7 =	smul.u32 @!p0 $0xF7A, s2;
	p2 =	seq.s32 @!p0 s5, $0x0  }
0x1f: {  	s9 =	smul.u32 $0xF7A, s1;
	s8 =	simm.s32 @!p0 $0x1BF5;
	p2 =	por !p2, p0  }
0x20: {  	[sflag:s8] =	ssyncset.s32 @!p0 $0xFFFFF086;
	s6 =	sadd.s32 @!p0 s3, s7;
	s7 =	simm.s32 @!p0 $0x108  }
0x21: {  	s3 =	sadd.s32 s3, s9;
	s6 =	sadd.s32 @!p0 $0x88, s6;
	s7 =	simm.s32 @p2 $0x1082  }
0x22: {  	[simem:s7], [sflag:s8] =	dma.local @!p0 [hbm:s6], $0xF7A  }
0x23: {  	s9 =	sor.u32 $0xD0000000, s2;
	s6 =	simm.s32 $0x108;
	_ =	swait.ge @!p0 [sflag:s8], $0x0  }
0x24: {  	s3 =	sadd.s32 $0x88, s3;
	s6 =	simm.s32 @!p1 $0x1082;
	[sflag:s4] =	ssyncset.s32 $0xFFFFF086  }
0x25: {  	[simem:s6], [sflag:s4] =	dma.local [hbm:s3], $0xF7A  }
0x26: {  	[smem:$0x3F9B] =	sst s1;
	(tag) =	ssettag s2;
	_ =	strace s9  }
0x27: {  	s1 =	sld [smem:$0x3FAB]  }
0x28: {  	s2 =	sld [smem:$0x3FAC]  }
0x29: {  	s4 =	sld [smem:$0x3FAE]  }
0x2a: {  	p0 =	seq.s32 s5, $0x0;
	s5 =	sld [smem:$0x3FAF]  }
0x2b: {  	s6 =	sld [smem:$0x3FB0]  }
0x2c: {  	s7 =	sld [smem:$0x3FB1]  }
0x2d: {  	s3 =	simm.s32 $0x108;
	s8 =	sld [smem:$0x3FB2]  }
0x2e: {  	s3 =	simm.s32 @!p0 $0x1082;
	s9 =	sld [smem:$0x3FB3]  }
0x2f: {  	lr =	sadd.s32 s0, s3;
	s0 =	sld [smem:$0x3FAA]  }
0x30: {  	s3 =	sld [smem:$0x3FAD]  }
0x31: {  	[smem:$0x3FB6] =	sst s10  }
0x32: {  	s10 =	sld [smem:$0x3FB4];
	_ =	sdelay $0x3  }
0x33: {  	p0 =	seq.s32 s10, $0x1;
	s10 =	sld [smem:$0x3FB6];
	_ =	sdelay $0x3  }
0x34: {  	[smem:$0x3FB6] =	sst s10  }
0x35: {  	s10 =	sld [smem:$0x3FB5];
	_ =	sdelay $0x3  }
0x36: {  	p1 =	seq.s32 s10, $0x1;
	s10 =	sld [smem:$0x3FB6];
	_ =	sdelay $0x3  }
0x37: {  	[smem:$0x3FB6] =	sst s10  }
0x38: {  	s10 =	sld [smem:$0x3FB7]  }
0x39: {  	_ = 	snop;
	(pc) =	sbr.ind lr, $3  }
0x3a: {  	_ = 	snop  }
0x3b: {  	_ = 	snop  }
0x3c: {  	p2 =	seq.s32 s10, $0x1;
	s10 =	sld [smem:$0x3FB6]  }
0x3d: {  	_ =	shalt  }
0x3e: {  	_ =	shalt  }
0x3f: {  	_ =	shalt  }
0x40: {  	_ =	shalt  }
0x41: {  	_ =	shalt  }
0x42: {  	_ =	shalt  }
0x43: {  	_ =	shalt  }
0x44: {  	_ =	shalt  }
0x45: {  	_ =	shalt  }
0x46: {  	_ =	shalt  }
0x47: {  	_ =	shalt  }
0x48: {  	_ =	shalt  }
0x49: {  	_ =	shalt  }
0x4a: {  	_ =	shalt  }
0x4b: {  	_ =	shalt  }
0x4c: {  	_ =	shalt  }
0x4d: {  	_ =	shalt  }
0x4e: {  	_ =	shalt  }
0x4f: {  	_ =	shalt  }
0x50: {  	_ =	shalt  }
0x51: {  	_ =	shalt  }
0x52: {  	_ =	shalt  }
0x53: {  	_ =	shalt  }
0x54: {  	_ =	shalt  }
0x55: {  	_ =	shalt  }
0x56: {  	_ =	shalt  }
0x57: {  	_ =	shalt  }
0x58: {  	_ =	shalt  }
0x59: {  	_ =	shalt  }
0x5a: {  	_ =	shalt  }
0x5b: {  	_ =	shalt  }
0x5c: {  	_ =	shalt  }
0x5d: {  	_ =	shalt  }
0x5e: {  	_ =	shalt  }
0x5f: {  	_ =	shalt  }
0x60: {  	_ =	shalt  }
0x61: {  	_ =	shalt  }
0x62: {  	_ =	shalt  }
0x63: {  	_ =	shalt  }
0x64: {  	_ =	shalt  }
0x65: {  	_ =	shalt  }
0x66: {  	_ =	shalt  }
0x67: {  	_ =	shalt  }
0x68: {  	_ =	shalt  }
0x69: {  	_ =	shalt  }
0x6a: {  	_ =	shalt  }
0x6b: {  	_ =	shalt  }
0x6c: {  	_ =	shalt  }
0x6d: {  	_ =	shalt  }
0x6e: {  	_ =	shalt  }
0x6f: {  	_ =	shalt  }
0x70: {  	_ =	shalt  }
0x71: {  	_ =	shalt  }
0x72: {  	_ =	shalt  }
0x73: {  	_ =	shalt  }
0x74: {  	_ =	shalt  }
0x75: {  	_ =	shalt  }
0x76: {  	_ =	shalt  }
0x77: {  	_ =	shalt  }
0x78: {  	_ =	shalt  }
0x79: {  	_ =	shalt  }
0x7a: {  	_ =	shalt  }
0x7b: {  	_ =	shalt  }
0x7c: {  	_ =	shalt  }
0x7d: {  	_ =	shalt  }
0x7e: {  	_ =	shalt  }
0x7f: {  	_ =	shalt  }
0x80: {  	_ =	shalt  }
0x81: {  	_ =	shalt  }
0x82: {  	_ =	shalt  }
0x83: {  	_ =	shalt  }
0x84: {  	_ =	shalt  }
0x85: {  	_ =	shalt  }
0x86: {  	_ =	shalt  }
0x87: {  	_ =	shalt  }
.Lfunc_end0:
.L_simem_size_0:
called_computation.1_lowered:
.L_overlay_start_0:
0x88: {  	s2 =	sld [smem:$0x3FD9]  }
0x89: {  	s3 =	sld [smem:$0x3FFE];
	_ =	sdelay $0x1  }
0x8a: {  	s1 =	srdreg.scid  }
0x8b: {  	s0 =	sand.u32 $0x1, s1  }
0x8c: {  	s17 =	sshll.u32 s0, $0xA;
	s2 =	sadd.s32 s3, s2  }
0x8d: {  	s2 =	sadd.s32 s2, s17  }
0x8e: {  	[smem:$0x3FC2] =	sst s2  }
0x8f: {  	_ = 	snop  }
0x90: {  	s2 =	sld [smem:$0x3FD0];
	(tm) =	ssettm $0x1  }
0x91: {  	s18 =	sld [smem:$0x3FFB];
	_ =	sdelay $0x3  }
0x92: {  	_ =	strace s18  }
0x93: {  	s3 =	sld [smem:$0x3FFC];
	_ =	sdelay $0x3  }
0x94: {  	_ =	strace s3  }
0x95: {  	s3 =	sld [smem:$0x3FFD];
	_ =	sdelay $0x3  }
0x96: {  	_ =	strace s3  }
0x97: {  	_ =	strace $0x8FFFFFFF  }
0x98: {  	s19 =	sld [smem:$0x3FDB];
	_ =	sdelay $0x1  }
0x99: {  	s4 =	simm.s32 $_scs_section_size  }
0x9a: {  	s5 =	simm.s32 $_size__tile_overlayer_lowered;
	s6 =	simm.s32 $_tile_overlayer_lowered  }
0x9b: {  	s22 =	simm.s32 $0x1BFF;
	s21 =	sshll.u32 s6, $0x1;
	s3 =	sadd.s32 s4, s19  }
0x9c: {  	s7 =	simm.s32 $0x0;
	s20 =	sshll.u32 s5, $0x1;
	s5 =	sadd.s32 s21, s3  }
0x9d: {  	[timem:s7], [sflag:s22] =	dma.local [hbm:s5], s20  }
0x9e: {  	_ =	swait.ge [sflag:s22], s20  }
0x9f: {  	s4 =	ssub.s32 $0x0, s20;
	[sflag:s22] =	ssyncset.done $0x0  }
0xa0: {  	[sflag:s22] =	ssyncadd.s32 s4;
	_ =	sdelay $0x1  }
0xa1: {  	s23 =	simm.s32 $0x1B8B  }
0xa2: {  	_ =	swait.ge [sflag:s23], $0x1  }
0xa3: {  	[sflag:s23] =	ssyncset.done $0x0  }
0xa4: {  	s25 =	simm.s32 $0x1B8E;
	s24 =	sld [smem:$0x3FFE];
	[sflag:s23] =	ssyncadd.s32 $0xFFFFFFFF  }
0xa5: {  	s26 =	simm.s32 $execute0_lowered;
	[smem:$0x3FD2] =	sst s25  }
0xa6: {  	s5 =	sshll.u32 s26, $0x1;
	_ =	strace $0x80000049;
	[dreg:$0x1] =	wrdreg $0xFFFFFFFF  }
0xa7: {  	s28 =	simm.s32 $_size_execute0_lowered;
	s3 =	sadd.s32 s3, s5;
	[dreg:$0x0] =	wrdreg $0x0  }
0xa8: {  	s5 =	sshll.u32 s28, $0x1;
	[dreg:$0x2] =	wrdreg s3  }
0xa9: {  	[dreg:$0x3] =	wrdreg s5  }
0xaa: {  	[dreg:$0x4] =	wrdreg $0xC0  }
0xab: {  	_ =	task [dreg:s7], $0x5FFFF  }
0xac: {  	[dreg:$0x1] =	wrdreg $0xFFFFFFFF  }
0xad: {  	[dreg:$0x0] =	wrdreg $0x60  }
0xae: {  	[dreg:$0x2] =	wrdreg s24  }
0xaf: {  	[dreg:$0x3] =	wrdreg s2  }
0xb0: {  	[dreg:$0x4] =	wrdreg $0x0  }
0xb1: {  	[dreg:$0x5] =	wrdreg $0x9C400  }
0xb2: {  	[dreg:$0x6] =	wrdreg $0x9  }
0xb3: {  	_ =	task.clear_ibuf [dreg:s7], $0x7FFFF;
	_ =	strace $0x90000049  }
0xb4: {  	s29 =	simm.s32 $0x9;
	_ =	strace $0x8000004B  }
0xb5: {  	_ =	swait.ge [sflag:s29], $0x1  }
0xb6: {  	[sflag:s29] =	ssyncadd.s32 $0xFFFFFFFF  }
0xb7: {  	_ =	strace $0x9000004B  }
0xb8: {  	_ =	sfence  }
0xb9: {  	s30 =	sld [smem:$0x0];
	_ =	sdelay $0x2  }
0xba: {  	s31 =	sshll.u32 s1, $0xD;
	s1 =	sshrl.u32 s1, $0x2  }
0xbb: {  	s3 =	sand.u32 $0x4000, s31;
	s1 =	sadd.s32 s1, s30  }
0xbc: {  	s0 =	sor.u32 s3, s0;
	s1 =	sshll.u32 s1, $0x11  }
0xbd: {  	s0 =	sor.u32 s1, s0  }
0xbe: {  	s0 =	sadd.s32 $0x8F2B, s0  }
0xbf: {  	[sflag:s0] =	ssyncadd.remote.s32 $0x1  }
0xc0: {  	_ =	sfence.sel $0xFFFF  }
0xc1: {  	[dreg:$0x0] =	wrdreg $0xFFFFFFFF;
	(pc) =	sbr.abs _section_cstart, $3  }
0xc2: {  	[dreg:$0x1] =	wrdreg $0xFFFFFFFF  }
0xc3: {  	_ =	task.clear_ibuf [dreg:s7], $0x2FFFF;
	_ =	strace $0x9FFFFFFF  }
0xc4: {  	(tm) =	ssettm $0x7FFFFFFF  }
0xc5: {  	_ =	shalt  }
tec
execute0_lowered:
.L_overlay_start_1:
0x0: {  	(tag) =	ssettag $0x1  }
0x1: {  	s0 =	rddreg [dreg:$0x0]  }
0x2: {  	s2 =	rddreg [dreg:$0x1]  }
0x3: {  	s1 =	rddreg [dreg:$0x2]  }
0x4: {  	s3 =	rddreg [dreg:$0x3];
	s17 =	simm.s32 $0x0  }
0x5: {  	s15 =	stileid.u32;
	s4 =	srdreg.scid;
	s20 =	simm.s32 $0x13880  }
0x6: {  	s21 =	simm.s32 $0x9;
	s28 =	simm.s32 $0x1;
	s30 =	simm.s32 $0x19F00  }
0x7: {  	s31 =	simm.s32 $0x2;
	s16 =	simm.s32 $0x6;
	s19 =	simm.s32 $0x13B00  }
0x8: {  	s18 =	simm.s32 $0x8;
	[smem:$0x7FF] =	sst s17;
	s7 =	smul.u32 $0x9C00, s15  }
0x9: {  	s4 =	sand.u32 $0x1, s4;
	s5 =	sadd.s32 $0xBC00, s0;
	s6 =	sadd.s32 $0x1400, s0  }
0xa: {  	s11 =	sshll.u32 s15, $0x1;
	s24 =	sadd.s32 $0x3BA80, s0;
	s14 =	sadd.s32 $0x92400, s3  }
0xb: {  	p0 =	seq.s32 s15, $0xF;
	_ =	strace $0x8000004A;
	s8 =	ssub.s32 $0x2, s4  }
0xc: {  	s22 =	sor.u32 s4, s11;
	s4 =	smul.u32 $0x9C400, s4;
	[dreg:$0x8] =	wrdreg s24  }
0xd: {  	s24 =	simm.s32 $0x16080;
	s9 =	sshrl.u32 s7, $0x3;
	s10 =	sshrl.u32 s8, $0x1  }
0xe: {  	s12 =	sadd.s32 s7, s1;
	s13 =	sadd.s32 s7, s3;
	s11 =	smul.u32 $0x2800, s22  }
0xf: {  	s22 =	simm.s32 $0x14C80;
	s9 =	sadd.s32 s9, s0;
	s8 =	ssub.s32 s8, s10  }
0x10: {  	s7 =	sadd.s32 s7, s4;
	s0 =	sadd.s32 $0x28080, s0;
	s4 =	sshrl.u32 s4, $0x3  }
0x11: {  	s10 =	simm.s32 $0x5;
	s23 =	sadd.s32 $0x29600, s9;
	s9 =	sadd.s32 $0x15C00, s9  }
0x12: {  	[dreg:$0x9] =	wrdreg s0;
	s25 =	sshrl.u32 s7, $0x3;
	s26 =	sadd.s32 s2, s4  }
0x13: {  	s29 =	smax.u32 s8, $0x1;
	s4 =	sshrl.u32 @!p0 s13, $0x3;
	[dreg:$0x6] =	wrdreg s23  }
0x14: {  	s7 =	simm.s32 $0x1BE40;
	s8 =	simm.s32 $0x3;
	[dreg:$0x7] =	wrdreg s9  }
0x15: {  	s13 =	simm.s32 $0x4;
	s9 =	sadd.s32 $0x92400, s1;
	[dreg:$0xc] =	wrdreg s29  }
0x16: {  	s0 =	sadd.s32 s2, s25;
	s2 =	sshrl.u32 @!p0 s12, $0x3;
	[dreg:$0x11] =	wrdreg s4  }
0x17: {  	s23 =	simm.s32 $0x7D;
	s12 =	simm.s32 $0x13A80;
	[dreg:$0xa] =	wrdreg s0  }
.Ltmp0:
0x18: {  	s0 =	sadd.s32 $0x12480, s26;
	[dreg:$0x10] =	wrdreg s2;
	(pc) =	sbr.rel .LBB2_1-.Ltmp0, $4  }
0x19: {  	s25 =	sshrl.u32 @p0 s9, $0x3;
	[dreg:$0xb] =	wrdreg s0;
	s0 =	sshrl.u32 @p0 s14, $0x3  }
0x1a: {  	s26 =	simm.s32 $0x17FC0;
	[dreg:$0xe] =	wrdreg s0;
	s0 =	sshll.u32 @!p0 s15, $0x6  }
0x1b: {  	s9 =	simm.s32 $0x14D80;
	[dreg:$0xd] =	wrdreg s25;
	s0 =	sor.u32 @!p0 $0x1C09, s0  }
0x1c: {  	s14 =	simm.s32 $0x14E00;
	s15 =	simm.s32 $0x7;
	[dreg:$0xf] =	wrdreg s0  }
.LBB2_6:
0x1d: {  	[bflag:$0x0] =	sbarrier.arrive $0xFFFF  }
0x1e: {  	s17 =	rddreg [dreg:$0xb]  }
0x1f: {  	s4 =	simm.s32 @p0 $0x1FC9;
	s29 =	rddreg [dreg:$0xd]  }
0x20: {  	[hbm:s17], [sflag:s4] =	dma.local @p0 [spmem:s29], $0x1400  }
0x21: {  	s4 =	simm.s32 @p0 $0x9  }
0x22: {  	_ =	swait.ge @p0 [sflag:s4], $0x1400  }
0x23: {  	s0 =	rddreg [dreg:$0xf]  }
0x24: {  	[sflag:s4] =	ssyncset.done @p0 $0x0;
	s2 =	rddreg [dreg:$0x10]  }
0x25: {  	[sflag:s4] =	ssyncadd.s32 @p0 $0xFFFFEC00;
	s4 =	rddreg [dreg:$0xa]  }
0x26: {  	[hbm:s4], [sflag:s0] =	dma.local @!p0 [spmem:s2], $0x1380  }
0x27: {  	s4 =	simm.s32 @!p0 $0x9  }
0x28: {  	_ =	swait.ge @!p0 [sflag:s4], $0x1380  }
0x29: {  	s25 =	rddreg [dreg:$0x5]  }
0x2a: {  	s17 =	sadd.s32 $0x1, s25;
	s25 =	rddreg [dreg:$0xc]  }
0x2b: {  	p1 =	sne.s32 s17, s25  }
.Ltmp1:
0x2c: {  	_ = 	snop;
	(pc) =	sbr.rel @!p1 .LBB2_7-.Ltmp1, $3  }
0x2d: {  	_ =	sdelay $0x1  }
0x2e: {  	[sflag:s4] =	ssyncset.done @!p0 $0x0  }
0x2f: {  	[sflag:s4] =	ssyncadd.s32 @!p0 $0xFFFFEC80;
	s25 =	smov.u32 s29  }
.LBB2_1:
0x30: {  	[dreg:$0x5] =	wrdreg s17  }
0x31: {  	s4 =	simm.s32 @p0 $0x1FC9;
	s17 =	rddreg [dreg:$0x8]  }
0x32: {  	[spmem:s25], [sflag:s4] =	dma.local @p0 [hbm:s17], $0x1400  }
0x33: {  	s17 =	simm.s32 @p0 $0x9  }
0x34: {  	_ =	swait.ge @p0 [sflag:s17], $0x1400  }
0x35: {  	[sflag:s17] =	ssyncset.done @p0 $0x0;
	s25 =	rddreg [dreg:$0x9]  }
0x36: {  	s29 =	rddreg [dreg:$0xe];
	[sflag:s17] =	ssyncadd.s32 @p0 $0xFFFFEC00  }
0x37: {  	[spmem:s29], [sflag:s4] =	dma.local @p0 [hbm:s25], $0x1400  }
0x38: {  	_ =	swait.ge @p0 [sflag:s17], $0x1400  }
0x39: {  	[sflag:s17] =	ssyncset.done @p0 $0x0  }
0x3a: {  	s4 =	rddreg [dreg:$0x6];
	[sflag:s17] =	ssyncadd.s32 @p0 $0xFFFFEC00  }
0x3b: {  	[spmem:s2], [sflag:s0] =	dma.local @!p0 [hbm:s4], $0x1380  }
0x3c: {  	s4 =	simm.s32 @!p0 $0x9  }
0x3d: {  	_ =	swait.ge @!p0 [sflag:s4], $0x1380  }
0x3e: {  	[sflag:s4] =	ssyncset.done @!p0 $0x0;
	s17 =	rddreg [dreg:$0x7]  }
0x3f: {  	s2 =	rddreg [dreg:$0x11];
	[sflag:s4] =	ssyncadd.s32 @!p0 $0xFFFFEC80  }
0x40: {  	[spmem:s2], [sflag:s0] =	dma.local @!p0 [hbm:s17], $0x1380  }
.Ltmp2:
0x41: {  	_ =	swait.ge @!p0 [sflag:s4], $0x1380;
	(pc) =	sbr.rel .LBB2_2-.Ltmp2, $4  }
0x42: {  	[sflag:s4] =	ssyncset.done @!p0 $0x0  }
0x43: {  	[sflag:s4] =	ssyncadd.s32 @!p0 $0xFFFFEC80  }
0x44: {  	p2 =	por $0x1, $0x1;
	[bflag:$0x0] =	sbarrier.arrive $0xFFFF  }
0x45: {  	s0 =	simm.s32 $0x13900;
	s2 =	simm.s32 $0x13980;
	s4 =	simm.s32 $0x0  }
.LBB2_5:
0x46: {  	_ =	swait.ge [sflag:s13], $0x1F40  }
0x47: {  	[sflag:s13] =	ssyncset.done $0x0  }
0x48: {  	[sflag:s13] =	ssyncadd.s32 $0xFFFFE0C0  }
0x49: {  	[spmem:s1] =	stream.indirect.scatter.add.f32 [tilespmem:s7], [sflag:$0x8], $0x40, s25, s23, $0xb8;
	[tilespmem:$0x1DD80] =	vst v63  }
0x4a: {  	_ =	swait.ge [sflag:s16], $0x1F40  }
0x4b: {  	[sflag:s16] =	ssyncset.done $0x0  }
0x4c: {  	[sflag:s16] =	ssyncadd.s32 $0xFFFFE0C0  }
0x4d: {  	_ =	swait.ge [sflag:s15], $0x1F40  }
.Ltmp3:
0x4e: {  	[sflag:s15] =	ssyncset.done $0x0;
	(pc) =	sbr.rel @!p1 .LBB2_6-.Ltmp3, $4  }
0x4f: {  	[sflag:s15] =	ssyncadd.s32 $0xFFFFE0C0  }
0x50: {  	_ =	swait.ge [sflag:s18], $0x1F40  }
0x51: {  	[sflag:s18] =	ssyncset.done $0x0  }
0x52: {  	s4 =	simm.s32 $0x1400;
	p2 =	por $0x0, $0x0;
	[sflag:s18] =	ssyncadd.s32 $0xFFFFE0C0  }
.LBB2_2:
0x53: {  	s4 =	sadd.s32 s11, s4  }
0x54: {  	s4 =	sshrl.u32 s4, $0x3  }
0x55: {  	s17 =	simm.s32 $0x0;
	s25 =	sadd.s32 s5, s4  }
0x56: {  	[tilespmem:s20], [sflag:$0x9] =	stream.linear.gather [hbm4b:s25+s17], $0x1400, $0x38;
	[tilespmem:$0x1DD80] =	vst v63  }
0x57: {  	_ =	swait.ge [sflag:s21], $0x1400  }
0x58: {  	[sflag:s21] =	ssyncset.done $0x0  }
0x59: {  	s4 =	sadd.s32 s6, s4;
	[sflag:s21] =	ssyncadd.s32 $0xFFFFEC00  }
0x5a: {  	[tilespmem:s22], [sflag:$0x9] =	stream.linear.gather [hbm4b:s4+s17], $0x1400, $0x38;
	[tilespmem:$0x1DD80] =	vst v63  }
0x5b: {  	_ =	swait.ge [sflag:s21], $0x1400  }
0x5c: {  	[sflag:s21] =	ssyncset.done $0x0  }
0x5d: {  	[sflag:s21] =	ssyncadd.s32 $0xFFFFEC00  }
0x5e: {  	[tilespmem:s24], [sflag:$0x1] =	stream.indirect.gather [spmem:s3], $0x40, s20, s23, $0xb8;
	[tilespmem:$0x1DD80] =	vst v63  }
0x5f: {  	_ = 	snop  }
0x60: {  	[tilespmem:s26], [sflag:$0x2] =	stream.indirect.gather [spmem:s3], $0x40, s0, s23, $0xb8;
	[tilespmem:$0x1DD80] =	vst v63  }
0x61: {  	_ =	swait.ge [sflag:s28], $0x1F40  }
0x62: {  	[sflag:s28] =	ssyncset.done $0x0  }
0x63: {  	[sflag:s28] =	ssyncadd.s32 $0xFFFFE0C0  }
0x64: {  	[spmem:s1] =	stream.indirect.scatter.add.f32 [tilespmem:s24], [sflag:$0x5], $0x40, s22, s23, $0xb8;
	[tilespmem:$0x1DD80] =	vst v63  }
0x65: {  	_ = 	snop  }
0x66: {  	[tilespmem:s30], [sflag:$0x3] =	stream.indirect.gather [spmem:s3], $0x40, s2, s23, $0xb8;
	[tilespmem:$0x1DD80] =	vst v63  }
0x67: {  	_ =	swait.ge [sflag:s31], $0x1F40  }
0x68: {  	[sflag:s31] =	ssyncset.done $0x0  }
0x69: {  	s25 =	simm.s32 $0x14D00;
	[sflag:s31] =	ssyncadd.s32 $0xFFFFE0C0  }
0x6a: {  	[spmem:s1] =	stream.indirect.scatter.add.f32 [tilespmem:s26], [sflag:$0x6], $0x40, s25, s23, $0xb8;
	[tilespmem:$0x1DD80] =	vst v63  }
0x6b: {  	s29 =	simm.s32 $0x13A00  }
0x6c: {  	[tilespmem:s7], [sflag:$0x4] =	stream.indirect.gather [spmem:s3], $0x40, s29, s23, $0xb8;
	[tilespmem:$0x1DD80] =	vst v63  }
0x6d: {  	_ =	swait.ge [sflag:s8], $0x1F40  }
0x6e: {  	[sflag:s8] =	ssyncset.done $0x0  }
0x6f: {  	[sflag:s8] =	ssyncadd.s32 $0xFFFFE0C0  }
0x70: {  	[spmem:s1] =	stream.indirect.scatter.add.f32 [tilespmem:s30], [sflag:$0x7], $0x40, s9, s23, $0xb8;
	[tilespmem:$0x1DD80] =	vst v63  }
0x71: {  	_ =	swait.ge [sflag:s10], $0x1F40  }
0x72: {  	[sflag:s10] =	ssyncset.done $0x0  }
0x73: {  	[sflag:s10] =	ssyncadd.s32 $0xFFFFE0C0  }
0x74: {  	[tilespmem:s24], [sflag:$0x1] =	stream.indirect.gather [spmem:s3], $0x40, s12, s23, $0xb8;
	[tilespmem:$0x1DD80] =	vst v63  }
0x75: {  	_ =	swait.ge [sflag:s13], $0x1F40  }
0x76: {  	[sflag:s13] =	ssyncset.done $0x0  }
0x77: {  	[sflag:s13] =	ssyncadd.s32 $0xFFFFE0C0  }
0x78: {  	[spmem:s1] =	stream.indirect.scatter.add.f32 [tilespmem:s7], [sflag:$0x8], $0x40, s14, s23, $0xb8;
	[tilespmem:$0x1DD80] =	vst v63  }
0x79: {  	_ =	swait.ge [sflag:s16], $0x1F40  }
0x7a: {  	[sflag:s16] =	ssyncset.done $0x0  }
0x7b: {  	p1 =	por p2, p2;
	[sflag:s16] =	ssyncadd.s32 $0xFFFFE0C0  }
0x7c: {  	[tilespmem:s26], [sflag:$0x2] =	stream.indirect.gather [spmem:s3], $0x40, s19, s23, $0xb8;
	[tilespmem:$0x1DD80] =	vst v63  }
.LBB2_3:
0x7d: {  	_ =	swait.ge [sflag:s28], $0x1F40  }
0x7e: {  	s4 =	sshra.s32 s17, $0x2;
	[sflag:s28] =	ssyncset.done $0x0  }
0x7f: {  	s25 =	sadd.s32 $0x14E80, s4;
	[sflag:s28] =	ssyncadd.s32 $0xFFFFE0C0  }
0x80: {  	[spmem:s1] =	stream.indirect.scatter.add.f32 [tilespmem:s24], [sflag:$0x5], $0x40, s25, s23, $0xb8;
	[tilespmem:$0x1DD80] =	vst v63  }
0x81: {  	_ =	swait.ge [sflag:s15], $0x1F40  }
0x82: {  	[sflag:s15] =	ssyncset.done $0x0  }
0x83: {  	s29 =	sadd.s32 $0x13B80, s4;
	[sflag:s15] =	ssyncadd.s32 $0xFFFFE0C0  }
0x84: {  	[tilespmem:s30], [sflag:$0x3] =	stream.indirect.gather [spmem:s3], $0x40, s29, s23, $0xb8;
	[tilespmem:$0x1DD80] =	vst v63  }
0x85: {  	_ =	swait.ge [sflag:s31], $0x1F40  }
0x86: {  	[sflag:s31] =	ssyncset.done $0x0  }
0x87: {  	s29 =	sadd.s32 $0x14F00, s4;
	[sflag:s31] =	ssyncadd.s32 $0xFFFFE0C0  }
0x88: {  	[spmem:s1] =	stream.indirect.scatter.add.f32 [tilespmem:s26], [sflag:$0x6], $0x40, s29, s23, $0xb8;
	[tilespmem:$0x1DD80] =	vst v63  }
0x89: {  	_ =	swait.ge [sflag:s18], $0x1F40  }
0x8a: {  	[sflag:s18] =	ssyncset.done $0x0  }
0x8b: {  	s29 =	sadd.s32 $0x13C00, s4;
	[sflag:s18] =	ssyncadd.s32 $0xFFFFE0C0  }
0x8c: {  	[tilespmem:s7], [sflag:$0x4] =	stream.indirect.gather [spmem:s3], $0x40, s29, s23, $0xb8;
	[tilespmem:$0x1DD80] =	vst v63  }
0x8d: {  	_ =	swait.ge [sflag:s8], $0x1F40  }
0x8e: {  	p2 =	seq.s32 s17, $0x4000;
	[sflag:s8] =	ssyncset.done $0x0  }
.Ltmp4:
0x8f: {  	s29 =	sadd.s32 $0x14F80, s4;
	[sflag:s8] =	ssyncadd.s32 $0xFFFFE0C0;
	(pc) =	sbr.rel @p2 .LBB2_5-.Ltmp4, $4  }
0x90: {  	[spmem:s1] =	stream.indirect.scatter.add.f32 [tilespmem:s30], [sflag:$0x7], $0x40, s29, s23, $0xb8;
	[tilespmem:$0x1DD80] =	vst v63  }
0x91: {  	_ =	swait.ge [sflag:s10], $0x1F40  }
0x92: {  	[sflag:s10] =	ssyncset.done $0x0  }
0x93: {  	s25 =	sadd.s32 $0x15000, s4;
	[sflag:s10] =	ssyncadd.s32 $0xFFFFE0C0  }
0x94: {  	s29 =	sadd.s32 $0x13C80, s4  }
0x95: {  	[tilespmem:s24], [sflag:$0x1] =	stream.indirect.gather [spmem:s3], $0x40, s29, s23, $0xb8;
	[tilespmem:$0x1DD80] =	vst v63  }
0x96: {  	_ =	swait.ge [sflag:s13], $0x1F40  }
0x97: {  	[sflag:s13] =	ssyncset.done $0x0  }
0x98: {  	[sflag:s13] =	ssyncadd.s32 $0xFFFFE0C0  }
0x99: {  	[spmem:s1] =	stream.indirect.scatter.add.f32 [tilespmem:s7], [sflag:$0x8], $0x40, s25, s23, $0xb8;
	[tilespmem:$0x1DD80] =	vst v63  }
.Ltmp5:
0x9a: {  	_ = 	snop;
	(pc) =	sbr.rel .LBB2_3-.Ltmp5, $4  }
0x9b: {  	_ =	swait.ge [sflag:s16], $0x1F40  }
0x9c: {  	[sflag:s16] =	ssyncset.done $0x0  }
0x9d: {  	s17 =	sadd.s32 $0x800, s17;
	s29 =	sadd.s32 $0x13D00, s4;
	[sflag:s16] =	ssyncadd.s32 $0xFFFFE0C0  }
0x9e: {  	[tilespmem:s26], [sflag:$0x2] =	stream.indirect.gather [spmem:s3], $0x40, s29, s23, $0xb8;
	[tilespmem:$0x1DD80] =	vst v63  }
.LBB2_7:
0x9f: {  	_ =	sfence.sel $0x180000  }
0xa0: {  	[bflag:$0x0] =	sbarrier.arrive $0xFFFF  }
0xa1: {  	_ =	strace $0x9000004A  }
0xa2: {  	s0 =	stileid.u32;
	[bflag:$0x2] =	sbarrier.arrive $0xFFFF  }
0xa3: {  	p0 =	sne.s32 s0, $0x0;
	s0 =	rddreg [dreg:$0x4]  }
0xa4: {  	s0 =	sadd.s32 @!p0 $0x100000, s0  }
0xa5: {  	[sflag:s0] =	ssyncadd.tile.s32 @!p0 $0x1;
	_ =	shalt  }
.Lfunc_end2:
_tile_overlayer_lowered:
.L_overlay_start_2:
0xa6: {  	(tag) =	ssettag $0x2  }
0xa7: {  	s0 =	rddreg [dreg:$0x0];
	s2 =	stileid.u32  }
0xa8: {  	s1 =	rddreg [dreg:$0x1];
	p0 =	sne.s32 s2, $0x0  }
0xa9: {  	s3 =	rddreg [dreg:$0x2];
	[bflag:$0x3] =	sbarrier.arrive $0xFFFF;
	s2 =	simm.s32 @!p0 $0x1C09  }
0xaa: {  	[timem:s3], [sflag:s2] =	dma.local @!p0 [hbm:s0], s1  }
0xab: {  	s0 =	simm.s32 @!p0 $0x9  }
0xac: {  	_ =	swait.ge @!p0 [sflag:s0], s1  }
0xad: {  	s1 =	ssub.s32 @!p0 $0x0, s1;
	[sflag:s0] =	ssyncset.done @!p0 $0x0  }
0xae: {  	[sflag:s0] =	ssyncadd.s32 @!p0 s1  }
0xaf: {  	[bflag:$0x3] =	sbarrier.arrive $0xFFFF  }
0xb0: {  	_ =	shalt  }

// kernel: kernel.14.cloned.1.call-start
scs
__scs_entry_jumppad:
0x0: {  	(pc) =	sbr.rel $0x88, $3  }
0x1: {  	(tag) =	ssettag $0x0;
	lr =	simm.s32 $0x1  }
0x2: {  	[smem:$0x3F9B] =	sst lr;
	_ =	strace $0xD0000000  }
0x3: {  	_ = 	snop  }
0x4: {  	_ = 	snop  }
0x5: {  	_ = 	snop  }
0x6: {  	_ = 	snop  }
0x7: {  	_ = 	snop  }
__scs_overlays_trampoline_lowered:
0x8: {  	[smem:$0x3FAA] =	sst s0  }
0x9: {  	[smem:$0x3FAB] =	sst s1  }
0xa: {  	[smem:$0x3FAC] =	sst s2  }
0xb: {  	[smem:$0x3FAD] =	sst s3  }
0xc: {  	[smem:$0x3FAE] =	sst s4  }
0xd: {  	[smem:$0x3FAF] =	sst s5  }
0xe: {  	[smem:$0x3FB0] =	sst s6  }
0xf: {  	[smem:$0x3FB1] =	sst s7  }
0x10: {  	[smem:$0x3FB2] =	sst s8  }
0x11: {  	[smem:$0x3FB3] =	sst s9;
	s0 =	simm.s32 @!p0 $0x0  }
0x12: {  	s1 =	sld [smem:$0x3F99];
	s0 =	simm.s32 @p0 $0x1  }
0x13: {  	[smem:$0x3FB4] =	sst s0;
	s0 =	simm.s32 @!p1 $0x0  }
0x14: {  	s2 =	sld [smem:$0x3F98];
	s0 =	simm.s32 @p1 $0x1  }
0x15: {  	[smem:$0x3FB5] =	sst s0;
	s0 =	simm.s32 @!p2 $0x0  }
0x16: {  	s3 =	sld [smem:$0x3FDB];
	s0 =	simm.s32 @p2 $0x1  }
0x17: {  	s4 =	simm.s32 $0x1BF5;
	[smem:$0x3FB7] =	sst s0  }
0x18: {  	s0 =	sld [smem:$0x3F9A];
	_ =	swait.ge [sflag:s4], $0x0  }
0x19: {  	s7 =	sld [smem:$0x3F9B]  }
0x1a: {  	s8 =	sadd.s32 $0xFFFFE003, lr  }
0x1b: {  	s9 =	sadd.s32 $0xFFFFFEF7, lr;
	s5 =	simm.s32 $0xFFFFFFFF;
	p2 =	slt.u32 s8, $0xFFFFF086  }
0x1c: {  	p1 =	slt.u32 s9, $0xF7A;
	s5 =	simm.s32 @!p2 $0x0  }
0x1d: {  	s5 =	simm.s32 @p1 $0x1;
	p0 =	seq.s32 s7, s2  }
0x1e: {  	s7 =	smul.u32 @!p0 $0xF7A, s2;
	p2 =	seq.s32 @!p0 s5, $0x0  }
0x1f: {  	s9 =	smul.u32 $0xF7A, s1;
	s8 =	simm.s32 @!p0 $0x1BF5;
	p2 =	por !p2, p0  }
0x20: {  	[sflag:s8] =	ssyncset.s32 @!p0 $0xFFFFF086;
	s6 =	sadd.s32 @!p0 s3, s7;
	s7 =	simm.s32 @!p0 $0x108  }
0x21: {  	s3 =	sadd.s32 s3, s9;
	s6 =	sadd.s32 @!p0 $0x88, s6;
	s7 =	simm.s32 @p2 $0x1082  }
0x22: {  	[simem:s7], [sflag:s8] =	dma.local @!p0 [hbm:s6], $0xF7A  }
0x23: {  	s9 =	sor.u32 $0xD0000000, s2;
	s6 =	simm.s32 $0x108;
	_ =	swait.ge @!p0 [sflag:s8], $0x0  }
0x24: {  	s3 =	sadd.s32 $0x88, s3;
	s6 =	simm.s32 @!p1 $0x1082;
	[sflag:s4] =	ssyncset.s32 $0xFFFFF086  }
0x25: {  	[simem:s6], [sflag:s4] =	dma.local [hbm:s3], $0xF7A  }
0x26: {  	[smem:$0x3F9B] =	sst s1;
	(tag) =	ssettag s2;
	_ =	strace s9  }
0x27: {  	s1 =	sld [smem:$0x3FAB]  }
0x28: {  	s2 =	sld [smem:$0x3FAC]  }
0x29: {  	s4 =	sld [smem:$0x3FAE]  }
0x2a: {  	p0 =	seq.s32 s5, $0x0;
	s5 =	sld [smem:$0x3FAF]  }
0x2b: {  	s6 =	sld [smem:$0x3FB0]  }
0x2c: {  	s7 =	sld [smem:$0x3FB1]  }
0x2d: {  	s3 =	simm.s32 $0x108;
	s8 =	sld [smem:$0x3FB2]  }
0x2e: {  	s3 =	simm.s32 @!p0 $0x1082;
	s9 =	sld [smem:$0x3FB3]  }
0x2f: {  	lr =	sadd.s32 s0, s3;
	s0 =	sld [smem:$0x3FAA]  }
0x30: {  	s3 =	sld [smem:$0x3FAD]  }
0x31: {  	[smem:$0x3FB6] =	sst s10  }
0x32: {  	s10 =	sld [smem:$0x3FB4];
	_ =	sdelay $0x3  }
0x33: {  	p0 =	seq.s32 s10, $0x1;
	s10 =	sld [smem:$0x3FB6];
	_ =	sdelay $0x3  }
0x34: {  	[smem:$0x3FB6] =	sst s10  }
0x35: {  	s10 =	sld [smem:$0x3FB5];
	_ =	sdelay $0x3  }
0x36: {  	p1 =	seq.s32 s10, $0x1;
	s10 =	sld [smem:$0x3FB6];
	_ =	sdelay $0x3  }
0x37: {  	[smem:$0x3FB6] =	sst s10  }
0x38: {  	s10 =	sld [smem:$0x3FB7]  }
0x39: {  	_ = 	snop;
	(pc) =	sbr.ind lr, $3  }
0x3a: {  	_ = 	snop  }
0x3b: {  	_ = 	snop  }
0x3c: {  	p2 =	seq.s32 s10, $0x1;
	s10 =	sld [smem:$0x3FB6]  }
0x3d: {  	_ =	shalt  }
0x3e: {  	_ =	shalt  }
0x3f: {  	_ =	shalt  }
0x40: {  	_ =	shalt  }
0x41: {  	_ =	shalt  }
0x42: {  	_ =	shalt  }
0x43: {  	_ =	shalt  }
0x44: {  	_ =	shalt  }
0x45: {  	_ =	shalt  }
0x46: {  	_ =	shalt  }
0x47: {  	_ =	shalt  }
0x48: {  	_ =	shalt  }
0x49: {  	_ =	shalt  }
0x4a: {  	_ =	shalt  }
0x4b: {  	_ =	shalt  }
0x4c: {  	_ =	shalt  }
0x4d: {  	_ =	shalt  }
0x4e: {  	_ =	shalt  }
0x4f: {  	_ =	shalt  }
0x50: {  	_ =	shalt  }
0x51: {  	_ =	shalt  }
0x52: {  	_ =	shalt  }
0x53: {  	_ =	shalt  }
0x54: {  	_ =	shalt  }
0x55: {  	_ =	shalt  }
0x56: {  	_ =	shalt  }
0x57: {  	_ =	shalt  }
0x58: {  	_ =	shalt  }
0x59: {  	_ =	shalt  }
0x5a: {  	_ =	shalt  }
0x5b: {  	_ =	shalt  }
0x5c: {  	_ =	shalt  }
0x5d: {  	_ =	shalt  }
0x5e: {  	_ =	shalt  }
0x5f: {  	_ =	shalt  }
0x60: {  	_ =	shalt  }
0x61: {  	_ =	shalt  }
0x62: {  	_ =	shalt  }
0x63: {  	_ =	shalt  }
0x64: {  	_ =	shalt  }
0x65: {  	_ =	shalt  }
0x66: {  	_ =	shalt  }
0x67: {  	_ =	shalt  }
0x68: {  	_ =	shalt  }
0x69: {  	_ =	shalt  }
0x6a: {  	_ =	shalt  }
0x6b: {  	_ =	shalt  }
0x6c: {  	_ =	shalt  }
0x6d: {  	_ =	shalt  }
0x6e: {  	_ =	shalt  }
0x6f: {  	_ =	shalt  }
0x70: {  	_ =	shalt  }
0x71: {  	_ =	shalt  }
0x72: {  	_ =	shalt  }
0x73: {  	_ =	shalt  }
0x74: {  	_ =	shalt  }
0x75: {  	_ =	shalt  }
0x76: {  	_ =	shalt  }
0x77: {  	_ =	shalt  }
0x78: {  	_ =	shalt  }
0x79: {  	_ =	shalt  }
0x7a: {  	_ =	shalt  }
0x7b: {  	_ =	shalt  }
0x7c: {  	_ =	shalt  }
0x7d: {  	_ =	shalt  }
0x7e: {  	_ =	shalt  }
0x7f: {  	_ =	shalt  }
0x80: {  	_ =	shalt  }
0x81: {  	_ =	shalt  }
0x82: {  	_ =	shalt  }
0x83: {  	_ =	shalt  }
0x84: {  	_ =	shalt  }
0x85: {  	_ =	shalt  }
0x86: {  	_ =	shalt  }
0x87: {  	_ =	shalt  }
.Lfunc_end0:
.L_simem_size_0:
called_computation.2_lowered:
.L_overlay_start_0:
0x88: {  	s2 =	sld [smem:$0x3FD9]  }
0x89: {  	s3 =	sld [smem:$0x3FFE];
	_ =	sdelay $0x1  }
0x8a: {  	s1 =	srdreg.scid  }
0x8b: {  	s0 =	sand.u32 $0x1, s1  }
0x8c: {  	s17 =	sshll.u32 s0, $0xA;
	s2 =	sadd.s32 s3, s2  }
0x8d: {  	s2 =	sadd.s32 s2, s17  }
0x8e: {  	[smem:$0x3FC2] =	sst s2  }
0x8f: {  	_ = 	snop  }
0x90: {  	s2 =	sld [smem:$0x3FD0];
	(tm) =	ssettm $0x1  }
0x91: {  	s18 =	sld [smem:$0x3FFB];
	_ =	sdelay $0x3  }
0x92: {  	_ =	strace s18  }
0x93: {  	s3 =	sld [smem:$0x3FFC];
	_ =	sdelay $0x3  }
0x94: {  	_ =	strace s3  }
0x95: {  	s3 =	sld [smem:$0x3FFD];
	_ =	sdelay $0x3  }
0x96: {  	_ =	strace s3  }
0x97: {  	_ =	strace $0x8FFFFFFF  }
0x98: {  	s19 =	sld [smem:$0x3FDB];
	_ =	sdelay $0x1  }
0x99: {  	s4 =	simm.s32 $_scs_section_size  }
0x9a: {  	s5 =	simm.s32 $_size__tile_overlayer_lowered;
	s6 =	simm.s32 $_tile_overlayer_lowered  }
0x9b: {  	s22 =	simm.s32 $0x1BFF;
	s21 =	sshll.u32 s6, $0x1;
	s3 =	sadd.s32 s4, s19  }
0x9c: {  	s7 =	simm.s32 $0x0;
	s20 =	sshll.u32 s5, $0x1;
	s5 =	sadd.s32 s21, s3  }
0x9d: {  	[timem:s7], [sflag:s22] =	dma.local [hbm:s5], s20  }
0x9e: {  	_ =	swait.ge [sflag:s22], s20  }
0x9f: {  	s4 =	ssub.s32 $0x0, s20;
	[sflag:s22] =	ssyncset.done $0x0  }
0xa0: {  	[sflag:s22] =	ssyncadd.s32 s4;
	_ =	sdelay $0x1  }
0xa1: {  	s23 =	simm.s32 $0x1B8B  }
0xa2: {  	_ =	swait.ge [sflag:s23], $0x1  }
0xa3: {  	[sflag:s23] =	ssyncset.done $0x0  }
0xa4: {  	s25 =	simm.s32 $0x1B8E;
	s24 =	sld [smem:$0x3FFE];
	[sflag:s23] =	ssyncadd.s32 $0xFFFFFFFF  }
0xa5: {  	s26 =	simm.s32 $execute0_lowered;
	[smem:$0x3FD2] =	sst s25  }
0xa6: {  	s5 =	sshll.u32 s26, $0x1;
	_ =	strace $0x8000004C;
	[dreg:$0x1] =	wrdreg $0xFFFFFFFF  }
0xa7: {  	s28 =	simm.s32 $_size_execute0_lowered;
	s3 =	sadd.s32 s3, s5;
	[dreg:$0x0] =	wrdreg $0x0  }
0xa8: {  	s5 =	sshll.u32 s28, $0x1;
	[dreg:$0x2] =	wrdreg s3  }
0xa9: {  	[dreg:$0x3] =	wrdreg s5  }
0xaa: {  	[dreg:$0x4] =	wrdreg $0xC0  }
0xab: {  	_ =	task [dreg:s7], $0x5FFFF  }
0xac: {  	[dreg:$0x1] =	wrdreg $0xFFFFFFFF  }
0xad: {  	[dreg:$0x0] =	wrdreg $0x60  }
0xae: {  	[dreg:$0x2] =	wrdreg s24  }
0xaf: {  	[dreg:$0x3] =	wrdreg s2  }
0xb0: {  	[dreg:$0x4] =	wrdreg $0x0  }
0xb1: {  	[dreg:$0x5] =	wrdreg $0x9C400  }
0xb2: {  	[dreg:$0x6] =	wrdreg $0x9  }
0xb3: {  	_ =	task.clear_ibuf [dreg:s7], $0x7FFFF;
	_ =	strace $0x9000004C  }
0xb4: {  	s29 =	simm.s32 $0x9;
	_ =	strace $0x8000004E  }
0xb5: {  	_ =	swait.ge [sflag:s29], $0x1  }
0xb6: {  	[sflag:s29] =	ssyncadd.s32 $0xFFFFFFFF  }
0xb7: {  	_ =	strace $0x9000004E  }
0xb8: {  	_ =	sfence  }
0xb9: {  	s30 =	sld [smem:$0x0];
	_ =	sdelay $0x2  }
0xba: {  	s31 =	sshll.u32 s1, $0xD;
	s1 =	sshrl.u32 s1, $0x2  }
0xbb: {  	s3 =	sand.u32 $0x4000, s31;
	s1 =	sadd.s32 s1, s30  }
0xbc: {  	s0 =	sor.u32 s3, s0;
	s1 =	sshll.u32 s1, $0x11  }
0xbd: {  	s0 =	sor.u32 s1, s0  }
0xbe: {  	s0 =	sadd.s32 $0x8F2B, s0  }
0xbf: {  	[sflag:s0] =	ssyncadd.remote.s32 $0x1  }
0xc0: {  	_ =	sfence.sel $0xFFFF  }
0xc1: {  	[dreg:$0x0] =	wrdreg $0xFFFFFFFF;
	(pc) =	sbr.abs _section_cstart, $3  }
0xc2: {  	[dreg:$0x1] =	wrdreg $0xFFFFFFFF  }
0xc3: {  	_ =	task.clear_ibuf [dreg:s7], $0x2FFFF;
	_ =	strace $0x9FFFFFFF  }
0xc4: {  	(tm) =	ssettm $0x7FFFFFFF  }
0xc5: {  	_ =	shalt  }
tec
execute0_lowered:
.L_overlay_start_1:
0x0: {  	(tag) =	ssettag $0x1  }
0x1: {  	s0 =	rddreg [dreg:$0x0]  }
0x2: {  	s2 =	rddreg [dreg:$0x1]  }
0x3: {  	s1 =	rddreg [dreg:$0x2]  }
0x4: {  	s3 =	rddreg [dreg:$0x3];
	s17 =	simm.s32 $0x0  }
0x5: {  	s15 =	stileid.u32;
	s4 =	srdreg.scid;
	s20 =	simm.s32 $0x13880  }
0x6: {  	s21 =	simm.s32 $0x9;
	s28 =	simm.s32 $0x1;
	s30 =	simm.s32 $0x19F00  }
0x7: {  	s31 =	simm.s32 $0x2;
	s16 =	simm.s32 $0x6;
	s19 =	simm.s32 $0x13B00  }
0x8: {  	s18 =	simm.s32 $0x8;
	[smem:$0x7FF] =	sst s17;
	s7 =	smul.u32 $0x9C00, s15  }
0x9: {  	s4 =	sand.u32 $0x1, s4;
	s5 =	sadd.s32 $0xBC00, s0;
	s6 =	sadd.s32 $0x1400, s0  }
0xa: {  	s11 =	sshll.u32 s15, $0x1;
	s24 =	sadd.s32 $0x3BA80, s0;
	s14 =	sadd.s32 $0x92400, s3  }
0xb: {  	p0 =	seq.s32 s15, $0xF;
	_ =	strace $0x8000004D;
	s8 =	ssub.s32 $0x2, s4  }
0xc: {  	s22 =	sor.u32 s4, s11;
	s4 =	smul.u32 $0x9C400, s4;
	[dreg:$0x8] =	wrdreg s24  }
0xd: {  	s24 =	simm.s32 $0x16080;
	s9 =	sshrl.u32 s7, $0x3;
	s10 =	sshrl.u32 s8, $0x1  }
0xe: {  	s12 =	sadd.s32 s7, s1;
	s13 =	sadd.s32 s7, s3;
	s11 =	smul.u32 $0x2800, s22  }
0xf: {  	s22 =	simm.s32 $0x14C80;
	s9 =	sadd.s32 s9, s0;
	s8 =	ssub.s32 s8, s10  }
0x10: {  	s7 =	sadd.s32 s7, s4;
	s0 =	sadd.s32 $0x28080, s0;
	s4 =	sshrl.u32 s4, $0x3  }
0x11: {  	s10 =	simm.s32 $0x5;
	s23 =	sadd.s32 $0x29600, s9;
	s9 =	sadd.s32 $0x15C00, s9  }
0x12: {  	[dreg:$0x9] =	wrdreg s0;
	s25 =	sshrl.u32 s7, $0x3;
	s26 =	sadd.s32 s2, s4  }
0x13: {  	s29 =	smax.u32 s8, $0x1;
	s4 =	sshrl.u32 @!p0 s13, $0x3;
	[dreg:$0x6] =	wrdreg s23  }
0x14: {  	s7 =	simm.s32 $0x1BE40;
	s8 =	simm.s32 $0x3;
	[dreg:$0x7] =	wrdreg s9  }
0x15: {  	s13 =	simm.s32 $0x4;
	s9 =	sadd.s32 $0x92400, s1;
	[dreg:$0xc] =	wrdreg s29  }
0x16: {  	s0 =	sadd.s32 s2, s25;
	s2 =	sshrl.u32 @!p0 s12, $0x3;
	[dreg:$0x11] =	wrdreg s4  }
0x17: {  	s23 =	simm.s32 $0x7D;
	s12 =	simm.s32 $0x13A80;
	[dreg:$0xa] =	wrdreg s0  }
.Ltmp0:
0x18: {  	s0 =	sadd.s32 $0x12480, s26;
	[dreg:$0x10] =	wrdreg s2;
	(pc) =	sbr.rel .LBB2_1-.Ltmp0, $4  }
0x19: {  	s25 =	sshrl.u32 @p0 s9, $0x3;
	[dreg:$0xb] =	wrdreg s0;
	s0 =	sshrl.u32 @p0 s14, $0x3  }
0x1a: {  	s26 =	simm.s32 $0x17FC0;
	[dreg:$0xe] =	wrdreg s0;
	s0 =	sshll.u32 @!p0 s15, $0x6  }
0x1b: {  	s9 =	simm.s32 $0x14D80;
	[dreg:$0xd] =	wrdreg s25;
	s0 =	sor.u32 @!p0 $0x1C09, s0  }
0x1c: {  	s14 =	simm.s32 $0x14E00;
	s15 =	simm.s32 $0x7;
	[dreg:$0xf] =	wrdreg s0  }
.LBB2_6:
0x1d: {  	[bflag:$0x0] =	sbarrier.arrive $0xFFFF  }
0x1e: {  	s17 =	rddreg [dreg:$0xb]  }
0x1f: {  	s4 =	simm.s32 @p0 $0x1FC9;
	s29 =	rddreg [dreg:$0xd]  }
0x20: {  	[hbm:s17], [sflag:s4] =	dma.local @p0 [spmem:s29], $0x1400  }
0x21: {  	s4 =	simm.s32 @p0 $0x9  }
0x22: {  	_ =	swait.ge @p0 [sflag:s4], $0x1400  }
0x23: {  	s0 =	rddreg [dreg:$0xf]  }
0x24: {  	[sflag:s4] =	ssyncset.done @p0 $0x0;
	s2 =	rddreg [dreg:$0x10]  }
0x25: {  	[sflag:s4] =	ssyncadd.s32 @p0 $0xFFFFEC00;
	s4 =	rddreg [dreg:$0xa]  }
0x26: {  	[hbm:s4], [sflag:s0] =	dma.local @!p0 [spmem:s2], $0x1380  }
0x27: {  	s4 =	simm.s32 @!p0 $0x9  }
0x28: {  	_ =	swait.ge @!p0 [sflag:s4], $0x1380  }
0x29: {  	s25 =	rddreg [dreg:$0x5]  }
0x2a: {  	s17 =	sadd.s32 $0x1, s25;
	s25 =	rddreg [dreg:$0xc]  }
0x2b: {  	p1 =	sne.s32 s17, s25  }
.Ltmp1:
0x2c: {  	_ = 	snop;
	(pc) =	sbr.rel @!p1 .LBB2_7-.Ltmp1, $3  }
0x2d: {  	_ =	sdelay $0x1  }
0x2e: {  	[sflag:s4] =	ssyncset.done @!p0 $0x0  }
0x2f: {  	[sflag:s4] =	ssyncadd.s32 @!p0 $0xFFFFEC80;
	s25 =	smov.u32 s29  }
.LBB2_1:
0x30: {  	[dreg:$0x5] =	wrdreg s17  }
0x31: {  	s4 =	simm.s32 @p0 $0x1FC9;
	s17 =	rddreg [dreg:$0x8]  }
0x32: {  	[spmem:s25], [sflag:s4] =	dma.local @p0 [hbm:s17], $0x1400  }
0x33: {  	s17 =	simm.s32 @p0 $0x9  }
0x34: {  	_ =	swait.ge @p0 [sflag:s17], $0x1400  }
0x35: {  	[sflag:s17] =	ssyncset.done @p0 $0x0;
	s25 =	rddreg [dreg:$0x9]  }
0x36: {  	s29 =	rddreg [dreg:$0xe];
	[sflag:s17] =	ssyncadd.s32 @p0 $0xFFFFEC00  }
0x37: {  	[spmem:s29], [sflag:s4] =	dma.local @p0 [hbm:s25], $0x1400  }
0x38: {  	_ =	swait.ge @p0 [sflag:s17], $0x1400  }
0x39: {  	[sflag:s17] =	ssyncset.done @p0 $0x0  }
0x3a: {  	s4 =	rddreg [dreg:$0x6];
	[sflag:s17] =	ssyncadd.s32 @p0 $0xFFFFEC00  }
0x3b: {  	[spmem:s2], [sflag:s0] =	dma.local @!p0 [hbm:s4], $0x1380  }
0x3c: {  	s4 =	simm.s32 @!p0 $0x9  }
0x3d: {  	_ =	swait.ge @!p0 [sflag:s4], $0x1380  }
0x3e: {  	[sflag:s4] =	ssyncset.done @!p0 $0x0;
	s17 =	rddreg [dreg:$0x7]  }
0x3f: {  	s2 =	rddreg [dreg:$0x11];
	[sflag:s4] =	ssyncadd.s32 @!p0 $0xFFFFEC80  }
0x40: {  	[spmem:s2], [sflag:s0] =	dma.local @!p0 [hbm:s17], $0x1380  }
.Ltmp2:
0x41: {  	_ =	swait.ge @!p0 [sflag:s4], $0x1380;
	(pc) =	sbr.rel .LBB2_2-.Ltmp2, $4  }
0x42: {  	[sflag:s4] =	ssyncset.done @!p0 $0x0  }
0x43: {  	[sflag:s4] =	ssyncadd.s32 @!p0 $0xFFFFEC80  }
0x44: {  	p2 =	por $0x1, $0x1;
	[bflag:$0x0] =	sbarrier.arrive $0xFFFF  }
0x45: {  	s0 =	simm.s32 $0x13900;
	s2 =	simm.s32 $0x13980;
	s4 =	simm.s32 $0x0  }
.LBB2_5:
0x46: {  	_ =	swait.ge [sflag:s13], $0x1F40  }
0x47: {  	[sflag:s13] =	ssyncset.done $0x0  }
0x48: {  	[sflag:s13] =	ssyncadd.s32 $0xFFFFE0C0  }
0x49: {  	[spmem:s1] =	stream.indirect.scatter.add.f32 [tilespmem:s7], [sflag:$0x8], $0x40, s25, s23, $0xb8;
	[tilespmem:$0x1DD80] =	vst v63  }
0x4a: {  	_ =	swait.ge [sflag:s16], $0x1F40  }
0x4b: {  	[sflag:s16] =	ssyncset.done $0x0  }
0x4c: {  	[sflag:s16] =	ssyncadd.s32 $0xFFFFE0C0  }
0x4d: {  	_ =	swait.ge [sflag:s15], $0x1F40  }
.Ltmp3:
0x4e: {  	[sflag:s15] =	ssyncset.done $0x0;
	(pc) =	sbr.rel @!p1 .LBB2_6-.Ltmp3, $4  }
0x4f: {  	[sflag:s15] =	ssyncadd.s32 $0xFFFFE0C0  }
0x50: {  	_ =	swait.ge [sflag:s18], $0x1F40  }
0x51: {  	[sflag:s18] =	ssyncset.done $0x0  }
0x52: {  	s4 =	simm.s32 $0x1400;
	p2 =	por $0x0, $0x0;
	[sflag:s18] =	ssyncadd.s32 $0xFFFFE0C0  }
.LBB2_2:
0x53: {  	s4 =	sadd.s32 s11, s4  }
0x54: {  	s4 =	sshrl.u32 s4, $0x3  }
0x55: {  	s17 =	simm.s32 $0x0;
	s25 =	sadd.s32 s5, s4  }
0x56: {  	[tilespmem:s20], [sflag:$0x9] =	stream.linear.gather [hbm4b:s25+s17], $0x1400, $0x38;
	[tilespmem:$0x1DD80] =	vst v63  }
0x57: {  	_ =	swait.ge [sflag:s21], $0x1400  }
0x58: {  	[sflag:s21] =	ssyncset.done $0x0  }
0x59: {  	s4 =	sadd.s32 s6, s4;
	[sflag:s21] =	ssyncadd.s32 $0xFFFFEC00  }
0x5a: {  	[tilespmem:s22], [sflag:$0x9] =	stream.linear.gather [hbm4b:s4+s17], $0x1400, $0x38;
	[tilespmem:$0x1DD80] =	vst v63  }
0x5b: {  	_ =	swait.ge [sflag:s21], $0x1400  }
0x5c: {  	[sflag:s21] =	ssyncset.done $0x0  }
0x5d: {  	[sflag:s21] =	ssyncadd.s32 $0xFFFFEC00  }
0x5e: {  	[tilespmem:s24], [sflag:$0x1] =	stream.indirect.gather [spmem:s3], $0x40, s20, s23, $0xb8;
	[tilespmem:$0x1DD80] =	vst v63  }
0x5f: {  	_ = 	snop  }
0x60: {  	[tilespmem:s26], [sflag:$0x2] =	stream.indirect.gather [spmem:s3], $0x40, s0, s23, $0xb8;
	[tilespmem:$0x1DD80] =	vst v63  }
0x61: {  	_ =	swait.ge [sflag:s28], $0x1F40  }
0x62: {  	[sflag:s28] =	ssyncset.done $0x0  }
0x63: {  	[sflag:s28] =	ssyncadd.s32 $0xFFFFE0C0  }
0x64: {  	[spmem:s1] =	stream.indirect.scatter.add.f32 [tilespmem:s24], [sflag:$0x5], $0x40, s22, s23, $0xb8;
	[tilespmem:$0x1DD80] =	vst v63  }
0x65: {  	_ = 	snop  }
0x66: {  	[tilespmem:s30], [sflag:$0x3] =	stream.indirect.gather [spmem:s3], $0x40, s2, s23, $0xb8;
	[tilespmem:$0x1DD80] =	vst v63  }
0x67: {  	_ =	swait.ge [sflag:s31], $0x1F40  }
0x68: {  	[sflag:s31] =	ssyncset.done $0x0  }
0x69: {  	s25 =	simm.s32 $0x14D00;
	[sflag:s31] =	ssyncadd.s32 $0xFFFFE0C0  }
0x6a: {  	[spmem:s1] =	stream.indirect.scatter.add.f32 [tilespmem:s26], [sflag:$0x6], $0x40, s25, s23, $0xb8;
	[tilespmem:$0x1DD80] =	vst v63  }
0x6b: {  	s29 =	simm.s32 $0x13A00  }
0x6c: {  	[tilespmem:s7], [sflag:$0x4] =	stream.indirect.gather [spmem:s3], $0x40, s29, s23, $0xb8;
	[tilespmem:$0x1DD80] =	vst v63  }
0x6d: {  	_ =	swait.ge [sflag:s8], $0x1F40  }
0x6e: {  	[sflag:s8] =	ssyncset.done $0x0  }
0x6f: {  	[sflag:s8] =	ssyncadd.s32 $0xFFFFE0C0  }
0x70: {  	[spmem:s1] =	stream.indirect.scatter.add.f32 [tilespmem:s30], [sflag:$0x7], $0x40, s9, s23, $0xb8;
	[tilespmem:$0x1DD80] =	vst v63  }
0x71: {  	_ =	swait.ge [sflag:s10], $0x1F40  }
0x72: {  	[sflag:s10] =	ssyncset.done $0x0  }
0x73: {  	[sflag:s10] =	ssyncadd.s32 $0xFFFFE0C0  }
0x74: {  	[tilespmem:s24], [sflag:$0x1] =	stream.indirect.gather [spmem:s3], $0x40, s12, s23, $0xb8;
	[tilespmem:$0x1DD80] =	vst v63  }
0x75: {  	_ =	swait.ge [sflag:s13], $0x1F40  }
0x76: {  	[sflag:s13] =	ssyncset.done $0x0  }
0x77: {  	[sflag:s13] =	ssyncadd.s32 $0xFFFFE0C0  }
0x78: {  	[spmem:s1] =	stream.indirect.scatter.add.f32 [tilespmem:s7], [sflag:$0x8], $0x40, s14, s23, $0xb8;
	[tilespmem:$0x1DD80] =	vst v63  }
0x79: {  	_ =	swait.ge [sflag:s16], $0x1F40  }
0x7a: {  	[sflag:s16] =	ssyncset.done $0x0  }
0x7b: {  	p1 =	por p2, p2;
	[sflag:s16] =	ssyncadd.s32 $0xFFFFE0C0  }
0x7c: {  	[tilespmem:s26], [sflag:$0x2] =	stream.indirect.gather [spmem:s3], $0x40, s19, s23, $0xb8;
	[tilespmem:$0x1DD80] =	vst v63  }
.LBB2_3:
0x7d: {  	_ =	swait.ge [sflag:s28], $0x1F40  }
0x7e: {  	s4 =	sshra.s32 s17, $0x2;
	[sflag:s28] =	ssyncset.done $0x0  }
0x7f: {  	s25 =	sadd.s32 $0x14E80, s4;
	[sflag:s28] =	ssyncadd.s32 $0xFFFFE0C0  }
0x80: {  	[spmem:s1] =	stream.indirect.scatter.add.f32 [tilespmem:s24], [sflag:$0x5], $0x40, s25, s23, $0xb8;
	[tilespmem:$0x1DD80] =	vst v63  }
0x81: {  	_ =	swait.ge [sflag:s15], $0x1F40  }
0x82: {  	[sflag:s15] =	ssyncset.done $0x0  }
0x83: {  	s29 =	sadd.s32 $0x13B80, s4;
	[sflag:s15] =	ssyncadd.s32 $0xFFFFE0C0  }
0x84: {  	[tilespmem:s30], [sflag:$0x3] =	stream.indirect.gather [spmem:s3], $0x40, s29, s23, $0xb8;
	[tilespmem:$0x1DD80] =	vst v63  }
0x85: {  	_ =	swait.ge [sflag:s31], $0x1F40  }
0x86: {  	[sflag:s31] =	ssyncset.done $0x0  }
0x87: {  	s29 =	sadd.s32 $0x14F00, s4;
	[sflag:s31] =	ssyncadd.s32 $0xFFFFE0C0  }
0x88: {  	[spmem:s1] =	stream.indirect.scatter.add.f32 [tilespmem:s26], [sflag:$0x6], $0x40, s29, s23, $0xb8;
	[tilespmem:$0x1DD80] =	vst v63  }
0x89: {  	_ =	swait.ge [sflag:s18], $0x1F40  }
0x8a: {  	[sflag:s18] =	ssyncset.done $0x0  }
0x8b: {  	s29 =	sadd.s32 $0x13C00, s4;
	[sflag:s18] =	ssyncadd.s32 $0xFFFFE0C0  }
0x8c: {  	[tilespmem:s7], [sflag:$0x4] =	stream.indirect.gather [spmem:s3], $0x40, s29, s23, $0xb8;
	[tilespmem:$0x1DD80] =	vst v63  }
0x8d: {  	_ =	swait.ge [sflag:s8], $0x1F40  }
0x8e: {  	p2 =	seq.s32 s17, $0x4000;
	[sflag:s8] =	ssyncset.done $0x0  }
.Ltmp4:
0x8f: {  	s29 =	sadd.s32 $0x14F80, s4;
	[sflag:s8] =	ssyncadd.s32 $0xFFFFE0C0;
	(pc) =	sbr.rel @p2 .LBB2_5-.Ltmp4, $4  }
0x90: {  	[spmem:s1] =	stream.indirect.scatter.add.f32 [tilespmem:s30], [sflag:$0x7], $0x40, s29, s23, $0xb8;
	[tilespmem:$0x1DD80] =	vst v63  }
0x91: {  	_ =	swait.ge [sflag:s10], $0x1F40  }
0x92: {  	[sflag:s10] =	ssyncset.done $0x0  }
0x93: {  	s25 =	sadd.s32 $0x15000, s4;
	[sflag:s10] =	ssyncadd.s32 $0xFFFFE0C0  }
0x94: {  	s29 =	sadd.s32 $0x13C80, s4  }
0x95: {  	[tilespmem:s24], [sflag:$0x1] =	stream.indirect.gather [spmem:s3], $0x40, s29, s23, $0xb8;
	[tilespmem:$0x1DD80] =	vst v63  }
0x96: {  	_ =	swait.ge [sflag:s13], $0x1F40  }
0x97: {  	[sflag:s13] =	ssyncset.done $0x0  }
0x98: {  	[sflag:s13] =	ssyncadd.s32 $0xFFFFE0C0  }
0x99: {  	[spmem:s1] =	stream.indirect.scatter.add.f32 [tilespmem:s7], [sflag:$0x8], $0x40, s25, s23, $0xb8;
	[tilespmem:$0x1DD80] =	vst v63  }
.Ltmp5:
0x9a: {  	_ = 	snop;
	(pc) =	sbr.rel .LBB2_3-.Ltmp5, $4  }
0x9b: {  	_ =	swait.ge [sflag:s16], $0x1F40  }
0x9c: {  	[sflag:s16] =	ssyncset.done $0x0  }
0x9d: {  	s17 =	sadd.s32 $0x800, s17;
	s29 =	sadd.s32 $0x13D00, s4;
	[sflag:s16] =	ssyncadd.s32 $0xFFFFE0C0  }
0x9e: {  	[tilespmem:s26], [sflag:$0x2] =	stream.indirect.gather [spmem:s3], $0x40, s29, s23, $0xb8;
	[tilespmem:$0x1DD80] =	vst v63  }
.LBB2_7:
0x9f: {  	_ =	sfence.sel $0x180000  }
0xa0: {  	[bflag:$0x0] =	sbarrier.arrive $0xFFFF  }
0xa1: {  	_ =	strace $0x9000004D  }
0xa2: {  	s0 =	stileid.u32;
	[bflag:$0x2] =	sbarrier.arrive $0xFFFF  }
0xa3: {  	p0 =	sne.s32 s0, $0x0;
	s0 =	rddreg [dreg:$0x4]  }
0xa4: {  	s0 =	sadd.s32 @!p0 $0x100000, s0  }
0xa5: {  	[sflag:s0] =	ssyncadd.tile.s32 @!p0 $0x1;
	_ =	shalt  }
.Lfunc_end2:
_tile_overlayer_lowered:
.L_overlay_start_2:
0xa6: {  	(tag) =	ssettag $0x2  }
0xa7: {  	s0 =	rddreg [dreg:$0x0];
	s2 =	stileid.u32  }
0xa8: {  	s1 =	rddreg [dreg:$0x1];
	p0 =	sne.s32 s2, $0x0  }
0xa9: {  	s3 =	rddreg [dreg:$0x2];
	[bflag:$0x3] =	sbarrier.arrive $0xFFFF;
	s2 =	simm.s32 @!p0 $0x1C09  }
0xaa: {  	[timem:s3], [sflag:s2] =	dma.local @!p0 [hbm:s0], s1  }
0xab: {  	s0 =	simm.s32 @!p0 $0x9  }
0xac: {  	_ =	swait.ge @!p0 [sflag:s0], s1  }
0xad: {  	s1 =	ssub.s32 @!p0 $0x0, s1;
	[sflag:s0] =	ssyncset.done @!p0 $0x0  }
0xae: {  	[sflag:s0] =	ssyncadd.s32 @!p0 s1  }
0xaf: {  	[bflag:$0x3] =	sbarrier.arrive $0xFFFF  }
0xb0: {  	_ =	shalt  }

// kernel: kernel.8.cloned.1.call-start
scs
__scs_entry_jumppad:
0x0: {  	(pc) =	sbr.rel $0x88, $3  }
0x1: {  	(tag) =	ssettag $0x0;
	lr =	simm.s32 $0x1  }
0x2: {  	[smem:$0x3F9B] =	sst lr;
	_ =	strace $0xD0000000  }
0x3: {  	_ = 	snop  }
0x4: {  	_ = 	snop  }
0x5: {  	_ = 	snop  }
0x6: {  	_ = 	snop  }
0x7: {  	_ = 	snop  }
__scs_overlays_trampoline_lowered:
0x8: {  	[smem:$0x3FAA] =	sst s0  }
0x9: {  	[smem:$0x3FAB] =	sst s1  }
0xa: {  	[smem:$0x3FAC] =	sst s2  }
0xb: {  	[smem:$0x3FAD] =	sst s3  }
0xc: {  	[smem:$0x3FAE] =	sst s4  }
0xd: {  	[smem:$0x3FAF] =	sst s5  }
0xe: {  	[smem:$0x3FB0] =	sst s6  }
0xf: {  	[smem:$0x3FB1] =	sst s7  }
0x10: {  	[smem:$0x3FB2] =	sst s8  }
0x11: {  	[smem:$0x3FB3] =	sst s9;
	s0 =	simm.s32 @!p0 $0x0  }
0x12: {  	s1 =	sld [smem:$0x3F99];
	s0 =	simm.s32 @p0 $0x1  }
0x13: {  	[smem:$0x3FB4] =	sst s0;
	s0 =	simm.s32 @!p1 $0x0  }
0x14: {  	s2 =	sld [smem:$0x3F98];
	s0 =	simm.s32 @p1 $0x1  }
0x15: {  	[smem:$0x3FB5] =	sst s0;
	s0 =	simm.s32 @!p2 $0x0  }
0x16: {  	s3 =	sld [smem:$0x3FDB];
	s0 =	simm.s32 @p2 $0x1  }
0x17: {  	s4 =	simm.s32 $0x1BF5;
	[smem:$0x3FB7] =	sst s0  }
0x18: {  	s0 =	sld [smem:$0x3F9A];
	_ =	swait.ge [sflag:s4], $0x0  }
0x19: {  	s7 =	sld [smem:$0x3F9B]  }
0x1a: {  	s8 =	sadd.s32 $0xFFFFE003, lr  }
0x1b: {  	s9 =	sadd.s32 $0xFFFFFEF7, lr;
	s5 =	simm.s32 $0xFFFFFFFF;
	p2 =	slt.u32 s8, $0xFFFFF086  }
0x1c: {  	p1 =	slt.u32 s9, $0xF7A;
	s5 =	simm.s32 @!p2 $0x0  }
0x1d: {  	s5 =	simm.s32 @p1 $0x1;
	p0 =	seq.s32 s7, s2  }
0x1e: {  	s7 =	smul.u32 @!p0 $0xF7A, s2;
	p2 =	seq.s32 @!p0 s5, $0x0  }
0x1f: {  	s9 =	smul.u32 $0xF7A, s1;
	s8 =	simm.s32 @!p0 $0x1BF5;
	p2 =	por !p2, p0  }
0x20: {  	[sflag:s8] =	ssyncset.s32 @!p0 $0xFFFFF086;
	s6 =	sadd.s32 @!p0 s3, s7;
	s7 =	simm.s32 @!p0 $0x108  }
0x21: {  	s3 =	sadd.s32 s3, s9;
	s6 =	sadd.s32 @!p0 $0x88, s6;
	s7 =	simm.s32 @p2 $0x1082  }
0x22: {  	[simem:s7], [sflag:s8] =	dma.local @!p0 [hbm:s6], $0xF7A  }
0x23: {  	s9 =	sor.u32 $0xD0000000, s2;
	s6 =	simm.s32 $0x108;
	_ =	swait.ge @!p0 [sflag:s8], $0x0  }
0x24: {  	s3 =	sadd.s32 $0x88, s3;
	s6 =	simm.s32 @!p1 $0x1082;
	[sflag:s4] =	ssyncset.s32 $0xFFFFF086  }
0x25: {  	[simem:s6], [sflag:s4] =	dma.local [hbm:s3], $0xF7A  }
0x26: {  	[smem:$0x3F9B] =	sst s1;
	(tag) =	ssettag s2;
	_ =	strace s9  }
0x27: {  	s1 =	sld [smem:$0x3FAB]  }
0x28: {  	s2 =	sld [smem:$0x3FAC]  }
0x29: {  	s4 =	sld [smem:$0x3FAE]  }
0x2a: {  	p0 =	seq.s32 s5, $0x0;
	s5 =	sld [smem:$0x3FAF]  }
0x2b: {  	s6 =	sld [smem:$0x3FB0]  }
0x2c: {  	s7 =	sld [smem:$0x3FB1]  }
0x2d: {  	s3 =	simm.s32 $0x108;
	s8 =	sld [smem:$0x3FB2]  }
0x2e: {  	s3 =	simm.s32 @!p0 $0x1082;
	s9 =	sld [smem:$0x3FB3]  }
0x2f: {  	lr =	sadd.s32 s0, s3;
	s0 =	sld [smem:$0x3FAA]  }
0x30: {  	s3 =	sld [smem:$0x3FAD]  }
0x31: {  	[smem:$0x3FB6] =	sst s10  }
0x32: {  	s10 =	sld [smem:$0x3FB4];
	_ =	sdelay $0x3  }
0x33: {  	p0 =	seq.s32 s10, $0x1;
	s10 =	sld [smem:$0x3FB6];
	_ =	sdelay $0x3  }
0x34: {  	[smem:$0x3FB6] =	sst s10  }
0x35: {  	s10 =	sld [smem:$0x3FB5];
	_ =	sdelay $0x3  }
0x36: {  	p1 =	seq.s32 s10, $0x1;
	s10 =	sld [smem:$0x3FB6];
	_ =	sdelay $0x3  }
0x37: {  	[smem:$0x3FB6] =	sst s10  }
0x38: {  	s10 =	sld [smem:$0x3FB7]  }
0x39: {  	_ = 	snop;
	(pc) =	sbr.ind lr, $3  }
0x3a: {  	_ = 	snop  }
0x3b: {  	_ = 	snop  }
0x3c: {  	p2 =	seq.s32 s10, $0x1;
	s10 =	sld [smem:$0x3FB6]  }
0x3d: {  	_ =	shalt  }
0x3e: {  	_ =	shalt  }
0x3f: {  	_ =	shalt  }
0x40: {  	_ =	shalt  }
0x41: {  	_ =	shalt  }
0x42: {  	_ =	shalt  }
0x43: {  	_ =	shalt  }
0x44: {  	_ =	shalt  }
0x45: {  	_ =	shalt  }
0x46: {  	_ =	shalt  }
0x47: {  	_ =	shalt  }
0x48: {  	_ =	shalt  }
0x49: {  	_ =	shalt  }
0x4a: {  	_ =	shalt  }
0x4b: {  	_ =	shalt  }
0x4c: {  	_ =	shalt  }
0x4d: {  	_ =	shalt  }
0x4e: {  	_ =	shalt  }
0x4f: {  	_ =	shalt  }
0x50: {  	_ =	shalt  }
0x51: {  	_ =	shalt  }
0x52: {  	_ =	shalt  }
0x53: {  	_ =	shalt  }
0x54: {  	_ =	shalt  }
0x55: {  	_ =	shalt  }
0x56: {  	_ =	shalt  }
0x57: {  	_ =	shalt  }
0x58: {  	_ =	shalt  }
0x59: {  	_ =	shalt  }
0x5a: {  	_ =	shalt  }
0x5b: {  	_ =	shalt  }
0x5c: {  	_ =	shalt  }
0x5d: {  	_ =	shalt  }
0x5e: {  	_ =	shalt  }
0x5f: {  	_ =	shalt  }
0x60: {  	_ =	shalt  }
0x61: {  	_ =	shalt  }
0x62: {  	_ =	shalt  }
0x63: {  	_ =	shalt  }
0x64: {  	_ =	shalt  }
0x65: {  	_ =	shalt  }
0x66: {  	_ =	shalt  }
0x67: {  	_ =	shalt  }
0x68: {  	_ =	shalt  }
0x69: {  	_ =	shalt  }
0x6a: {  	_ =	shalt  }
0x6b: {  	_ =	shalt  }
0x6c: {  	_ =	shalt  }
0x6d: {  	_ =	shalt  }
0x6e: {  	_ =	shalt  }
0x6f: {  	_ =	shalt  }
0x70: {  	_ =	shalt  }
0x71: {  	_ =	shalt  }
0x72: {  	_ =	shalt  }
0x73: {  	_ =	shalt  }
0x74: {  	_ =	shalt  }
0x75: {  	_ =	shalt  }
0x76: {  	_ =	shalt  }
0x77: {  	_ =	shalt  }
0x78: {  	_ =	shalt  }
0x79: {  	_ =	shalt  }
0x7a: {  	_ =	shalt  }
0x7b: {  	_ =	shalt  }
0x7c: {  	_ =	shalt  }
0x7d: {  	_ =	shalt  }
0x7e: {  	_ =	shalt  }
0x7f: {  	_ =	shalt  }
0x80: {  	_ =	shalt  }
0x81: {  	_ =	shalt  }
0x82: {  	_ =	shalt  }
0x83: {  	_ =	shalt  }
0x84: {  	_ =	shalt  }
0x85: {  	_ =	shalt  }
0x86: {  	_ =	shalt  }
0x87: {  	_ =	shalt  }
.Lfunc_end0:
.L_simem_size_0:
called_computation_lowered:
.L_overlay_start_0:
0x88: {  	s2 =	sld [smem:$0x3FD9]  }
0x89: {  	s3 =	sld [smem:$0x3FFE];
	_ =	sdelay $0x1  }
0x8a: {  	s1 =	srdreg.scid  }
0x8b: {  	s0 =	sand.u32 $0x1, s1  }
0x8c: {  	s17 =	sshll.u32 s0, $0xA;
	s2 =	sadd.s32 s3, s2  }
0x8d: {  	s2 =	sadd.s32 s2, s17  }
0x8e: {  	[smem:$0x3FC2] =	sst s2  }
0x8f: {  	_ = 	snop  }
0x90: {  	s2 =	sld [smem:$0x3FD0];
	(tm) =	ssettm $0x1  }
0x91: {  	s18 =	sld [smem:$0x3FFB];
	_ =	sdelay $0x3  }
0x92: {  	_ =	strace s18  }
0x93: {  	s3 =	sld [smem:$0x3FFC];
	_ =	sdelay $0x3  }
0x94: {  	_ =	strace s3  }
0x95: {  	s3 =	sld [smem:$0x3FFD];
	_ =	sdelay $0x3  }
0x96: {  	_ =	strace s3  }
0x97: {  	_ =	strace $0x8FFFFFFF  }
0x98: {  	s19 =	sld [smem:$0x3FDB];
	_ =	sdelay $0x1  }
0x99: {  	s4 =	simm.s32 $_scs_section_size  }
0x9a: {  	s5 =	simm.s32 $_size__tile_overlayer_lowered;
	s6 =	simm.s32 $_tile_overlayer_lowered  }
0x9b: {  	s22 =	simm.s32 $0x1BFF;
	s21 =	sshll.u32 s6, $0x1;
	s3 =	sadd.s32 s4, s19  }
0x9c: {  	s7 =	simm.s32 $0x0;
	s20 =	sshll.u32 s5, $0x1;
	s5 =	sadd.s32 s21, s3  }
0x9d: {  	[timem:s7], [sflag:s22] =	dma.local [hbm:s5], s20  }
0x9e: {  	_ =	swait.ge [sflag:s22], s20  }
0x9f: {  	s4 =	ssub.s32 $0x0, s20;
	[sflag:s22] =	ssyncset.done $0x0  }
0xa0: {  	[sflag:s22] =	ssyncadd.s32 s4;
	_ =	sdelay $0x1  }
0xa1: {  	s23 =	simm.s32 $0x1B8B  }
0xa2: {  	_ =	swait.ge [sflag:s23], $0x1  }
0xa3: {  	[sflag:s23] =	ssyncset.done $0x0  }
0xa4: {  	s25 =	simm.s32 $0x1B8E;
	s24 =	sld [smem:$0x3FFE];
	[sflag:s23] =	ssyncadd.s32 $0xFFFFFFFF  }
0xa5: {  	s26 =	simm.s32 $execute0_lowered;
	[smem:$0x3FD2] =	sst s25  }
0xa6: {  	s5 =	sshll.u32 s26, $0x1;
	_ =	strace $0x80000046;
	[dreg:$0x1] =	wrdreg $0xFFFFFFFF  }
0xa7: {  	s28 =	simm.s32 $_size_execute0_lowered;
	s3 =	sadd.s32 s3, s5;
	[dreg:$0x0] =	wrdreg $0x0  }
0xa8: {  	s5 =	sshll.u32 s28, $0x1;
	[dreg:$0x2] =	wrdreg s3  }
0xa9: {  	[dreg:$0x3] =	wrdreg s5  }
0xaa: {  	[dreg:$0x4] =	wrdreg $0xC0  }
0xab: {  	_ =	task [dreg:s7], $0x5FFFF  }
0xac: {  	[dreg:$0x1] =	wrdreg $0xFFFFFFFF  }
0xad: {  	[dreg:$0x0] =	wrdreg $0x60  }
0xae: {  	[dreg:$0x2] =	wrdreg s24  }
0xaf: {  	[dreg:$0x3] =	wrdreg s2  }
0xb0: {  	[dreg:$0x4] =	wrdreg $0x0  }
0xb1: {  	[dreg:$0x5] =	wrdreg $0x9  }
0xb2: {  	_ =	task.clear_ibuf [dreg:s7], $0x6FFFF;
	_ =	strace $0x90000046  }
0xb3: {  	s29 =	simm.s32 $0x9;
	_ =	strace $0x80000048  }
0xb4: {  	_ =	swait.ge [sflag:s29], $0x1  }
0xb5: {  	[sflag:s29] =	ssyncadd.s32 $0xFFFFFFFF  }
0xb6: {  	_ =	strace $0x90000048  }
0xb7: {  	_ =	sfence  }
0xb8: {  	s30 =	sld [smem:$0x0];
	_ =	sdelay $0x2  }
0xb9: {  	s31 =	sshll.u32 s1, $0xD;
	s1 =	sshrl.u32 s1, $0x2  }
0xba: {  	s3 =	sand.u32 $0x4000, s31;
	s1 =	sadd.s32 s1, s30  }
0xbb: {  	s0 =	sor.u32 s3, s0;
	s1 =	sshll.u32 s1, $0x11  }
0xbc: {  	s0 =	sor.u32 s1, s0  }
0xbd: {  	s0 =	sadd.s32 $0x8F2B, s0  }
0xbe: {  	[sflag:s0] =	ssyncadd.remote.s32 $0x1  }
0xbf: {  	_ =	sfence.sel $0xFFFF  }
0xc0: {  	[dreg:$0x0] =	wrdreg $0xFFFFFFFF;
	(pc) =	sbr.abs _section_cstart, $3  }
0xc1: {  	[dreg:$0x1] =	wrdreg $0xFFFFFFFF  }
0xc2: {  	_ =	task.clear_ibuf [dreg:s7], $0x2FFFF;
	_ =	strace $0x9FFFFFFF  }
0xc3: {  	(tm) =	ssettm $0x7FFFFFFF  }
tec
execute0_lowered:
.L_overlay_start_1:
0x0: {  	(tag) =	ssettag $0x1  }
0x1: {  	s7 =	rddreg [dreg:$0x0]  }
0x2: {  	s8 =	rddreg [dreg:$0x1]  }
0x3: {  	s2 =	rddreg [dreg:$0x2];
	s3 =	srdreg.scid  }
0x4: {  	s1 =	stileid.u32;
	s0 =	rddreg [dreg:$0x3]  }
0x5: {  	s17 =	simm.s32 $0x7D;
	s18 =	simm.s32 $0x1;
	s19 =	simm.s32 $0x0  }
0x6: {  	s5 =	sand.u32 $0x1, s3;
	s4 =	sshll.u32 s1, $0x1;
	s3 =	simm.s32 $0x0  }
0x7: {  	s9 =	smul.u32 $0x270, s1;
	s14 =	sadd.s32 $0x2490, s2;
	p0 =	seq.s32 s1, $0xF  }
0x8: {  	s4 =	sor.u32 s5, s4;
	[smem:$0x7FF] =	sst s3;
	s11 =	ssub.s32 $0x2, s5  }
0x9: {  	s13 =	smul.u32 $0x2710, s5;
	s15 =	sshll.u32 @!p0 s1, $0x6;
	s14 =	sshrl.u32 @p0 s14, $0x3  }
0xa: {  	s4 =	smul.u32 $0x500, s4;
	_ =	strace $0x80000047;
	s6 =	sshrl.u32 s9, $0x3  }
0xb: {  	s12 =	sshrl.u32 s11, $0x1;
	s16 =	sadd.s32 s9, s2;
	s15 =	sor.u32 @!p0 $0x1C02, s15  }
0xc: {  	s6 =	sadd.s32 s6, s7;
	s11 =	ssub.s32 s11, s12;
	s9 =	sadd.s32 s9, s13  }
0xd: {  	s31 =	sshrl.u32 s13, $0x3;
	s12 =	simm.s32 $0x2;
	s13 =	simm.s32 $0x2A78  }
0xe: {  	s16 =	sshrl.u32 @!p0 s16, $0x3;
	s10 =	sadd.s32 s4, s7;
	s4 =	sadd.s32 $0xB400, s7  }
0xf: {  	s6 =	sadd.s32 $0xB600, s6;
	s9 =	sshrl.u32 s9, $0x3;
	s7 =	sadd.s32 $0xBA92, s7  }
0x10: {  	s5 =	sadd.s32 $0x1400, s10;
	s10 =	sadd.s32 s8, s31;
	s8 =	sadd.s32 s8, s9  }
0x11: {  	s9 =	sadd.s32 $0x492, s10;
	s10 =	smax.u32 s11, $0x1;
	s11 =	simm.s32 $0x278  }
.LBB2_1:
0x12: {  	[tilespmem:s11], [sflag:$0x2] =	stream.linear.gather [hbm4b:s5+s3], $0x2800, $0x38;
	[tilespmem:$0x2AF8] =	vst v63  }
0x13: {  	_ =	swait.ge [sflag:s12], $0x2800  }
0x14: {  	[sflag:s12] =	ssyncset.done $0x0  }
0x15: {  	[sflag:s12] =	ssyncadd.s32 $0xFFFFD800  }
0x16: {  	[tilespmem:s13], [sflag:$0x2] =	stream.linear.gather [hbm4b:s4+s3], $0x80, $0x38;
	[tilespmem:$0x2AF8] =	vst v63  }
0x17: {  	_ =	swait.ge [sflag:s12], $0x80  }
0x18: {  	[sflag:s12] =	ssyncset.done $0x0  }
0x19: {  	s20 =	simm.s32 @p0 $0x1FC2;
	[sflag:s12] =	ssyncadd.s32 $0xFFFFFF80  }
0x1a: {  	[spmem:s14], [sflag:s20] =	dma.local @p0 [hbm:s7], $0x50  }
0x1b: {  	s20 =	simm.s32 @p0 $0x2  }
0x1c: {  	_ =	swait.ge @p0 [sflag:s20], $0x50  }
0x1d: {  	[sflag:s20] =	ssyncset.done @p0 $0x0  }
0x1e: {  	[sflag:s20] =	ssyncadd.s32 @p0 $0xFFFFFFB0;
	s20 =	simm.s32 @!p0 $0x2  }
0x1f: {  	[spmem:s16], [sflag:s15] =	dma.local @!p0 [hbm:s6], $0x4E  }
0x20: {  	_ =	swait.ge @!p0 [sflag:s20], $0x4E  }
0x21: {  	[sflag:s20] =	ssyncset.done @!p0 $0x0  }
0x22: {  	[sflag:s20] =	ssyncadd.s32 @!p0 $0xFFFFFFB2  }
0x23: {  	s23 =	simm.s32 $0x278;
	[bflag:$0x0] =	sbarrier.arrive $0xFFFF  }
0x24: {  	[spmem:s2] =	stream.indirect.scatter.add.f32 [tilespmem:s13], [sflag:$0x1], $0x1, s23, s17, $0xb8;
	[tilespmem:$0x2AF8] =	vst v63  }
0x25: {  	s24 =	simm.s32 $0x2F8  }
0x26: {  	[spmem:s2] =	stream.indirect.scatter.add.f32 [tilespmem:s13], [sflag:$0x1], $0x1, s24, s17, $0xb8;
	[tilespmem:$0x2AF8] =	vst v63  }
0x27: {  	s25 =	simm.s32 $0x378  }
0x28: {  	[spmem:s2] =	stream.indirect.scatter.add.f32 [tilespmem:s13], [sflag:$0x1], $0x1, s25, s17, $0xb8;
	[tilespmem:$0x2AF8] =	vst v63  }
0x29: {  	s26 =	simm.s32 $0x3F8  }
0x2a: {  	[spmem:s2] =	stream.indirect.scatter.add.f32 [tilespmem:s13], [sflag:$0x1], $0x1, s26, s17, $0xb8;
	[tilespmem:$0x2AF8] =	vst v63  }
0x2b: {  	s28 =	simm.s32 $0x478  }
0x2c: {  	[spmem:s2] =	stream.indirect.scatter.add.f32 [tilespmem:s13], [sflag:$0x1], $0x1, s28, s17, $0xb8;
	[tilespmem:$0x2AF8] =	vst v63  }
0x2d: {  	s29 =	simm.s32 $0x4F8  }
0x2e: {  	[spmem:s2] =	stream.indirect.scatter.add.f32 [tilespmem:s13], [sflag:$0x1], $0x1, s29, s17, $0xb8;
	[tilespmem:$0x2AF8] =	vst v63  }
0x2f: {  	s30 =	simm.s32 $0x578  }
0x30: {  	[spmem:s2] =	stream.indirect.scatter.add.f32 [tilespmem:s13], [sflag:$0x1], $0x1, s30, s17, $0xb8;
	[tilespmem:$0x2AF8] =	vst v63  }
0x31: {  	s31 =	simm.s32 $0x5F8  }
0x32: {  	[spmem:s2] =	stream.indirect.scatter.add.f32 [tilespmem:s13], [sflag:$0x1], $0x1, s31, s17, $0xb8;
	[tilespmem:$0x2AF8] =	vst v63  }
0x33: {  	_ =	swait.ge [sflag:s18], $0x7D  }
0x34: {  	[sflag:s18] =	ssyncset.done $0x0  }
0x35: {  	[sflag:s18] =	ssyncadd.s32 $0xFFFFFF83  }
0x36: {  	_ =	swait.ge [sflag:s18], $0x7D  }
0x37: {  	[sflag:s18] =	ssyncset.done $0x0  }
0x38: {  	[sflag:s18] =	ssyncadd.s32 $0xFFFFFF83  }
0x39: {  	_ =	swait.ge [sflag:s18], $0x7D  }
0x3a: {  	[sflag:s18] =	ssyncset.done $0x0  }
0x3b: {  	[sflag:s18] =	ssyncadd.s32 $0xFFFFFF83  }
0x3c: {  	_ =	swait.ge [sflag:s18], $0x7D  }
0x3d: {  	[sflag:s18] =	ssyncset.done $0x0  }
0x3e: {  	[sflag:s18] =	ssyncadd.s32 $0xFFFFFF83  }
0x3f: {  	_ =	swait.ge [sflag:s18], $0x7D  }
0x40: {  	[sflag:s18] =	ssyncset.done $0x0  }
0x41: {  	[sflag:s18] =	ssyncadd.s32 $0xFFFFFF83  }
0x42: {  	_ =	swait.ge [sflag:s18], $0x7D  }
0x43: {  	[sflag:s18] =	ssyncset.done $0x0  }
0x44: {  	[sflag:s18] =	ssyncadd.s32 $0xFFFFFF83  }
0x45: {  	_ =	swait.ge [sflag:s18], $0x7D  }
0x46: {  	[sflag:s18] =	ssyncset.done $0x0  }
0x47: {  	[sflag:s18] =	ssyncadd.s32 $0xFFFFFF83  }
0x48: {  	_ =	swait.ge [sflag:s18], $0x7D  }
0x49: {  	s22 =	simm.s32 $0x400;
	s23 =	simm.s32 $0x2000;
	[sflag:s18] =	ssyncset.done $0x0  }
.LBB2_2:
0x4a: {  	s24 =	sadd.s32 $0x278, s22  }
0x4b: {  	[sflag:s18] =	ssyncadd.s32 $0xFFFFFF83;
	s21 =	smov.u32 s23;
	s20 =	sadd.s32 $0x1000, s23  }
0x4c: {  	[spmem:s2] =	stream.indirect.scatter.add.f32 [tilespmem:s13], [sflag:$0x1], $0x1, s24, s17, $0xb8;
	[tilespmem:$0x2AF8] =	vst v63  }
0x4d: {  	p1 =	sne.s32 s23, $0x9000;
	s23 =	sadd.s32 $0x2F8, s22  }
0x4e: {  	[spmem:s2] =	stream.indirect.scatter.add.f32 [tilespmem:s13], [sflag:$0x1], $0x1, s23, s17, $0xb8;
	[tilespmem:$0x2AF8] =	vst v63  }
0x4f: {  	s23 =	sadd.s32 $0x378, s22  }
0x50: {  	[spmem:s2] =	stream.indirect.scatter.add.f32 [tilespmem:s13], [sflag:$0x1], $0x1, s23, s17, $0xb8;
	[tilespmem:$0x2AF8] =	vst v63  }
0x51: {  	s23 =	sadd.s32 $0x3F8, s22  }
0x52: {  	[spmem:s2] =	stream.indirect.scatter.add.f32 [tilespmem:s13], [sflag:$0x1], $0x1, s23, s17, $0xb8;
	[tilespmem:$0x2AF8] =	vst v63  }
0x53: {  	s23 =	sadd.s32 $0x478, s22  }
0x54: {  	[spmem:s2] =	stream.indirect.scatter.add.f32 [tilespmem:s13], [sflag:$0x1], $0x1, s23, s17, $0xb8;
	[tilespmem:$0x2AF8] =	vst v63  }
0x55: {  	s23 =	sadd.s32 $0x4F8, s22  }
0x56: {  	[spmem:s2] =	stream.indirect.scatter.add.f32 [tilespmem:s13], [sflag:$0x1], $0x1, s23, s17, $0xb8;
	[tilespmem:$0x2AF8] =	vst v63  }
0x57: {  	s23 =	sadd.s32 $0x578, s22  }
0x58: {  	[spmem:s2] =	stream.indirect.scatter.add.f32 [tilespmem:s13], [sflag:$0x1], $0x1, s23, s17, $0xb8;
	[tilespmem:$0x2AF8] =	vst v63  }
0x59: {  	s22 =	sadd.s32 $0x5F8, s22  }
0x5a: {  	[spmem:s2] =	stream.indirect.scatter.add.f32 [tilespmem:s13], [sflag:$0x1], $0x1, s22, s17, $0xb8;
	[tilespmem:$0x2AF8] =	vst v63  }
0x5b: {  	_ =	swait.ge [sflag:s18], $0x7D  }
0x5c: {  	[sflag:s18] =	ssyncset.done $0x0  }
0x5d: {  	[sflag:s18] =	ssyncadd.s32 $0xFFFFFF83  }
0x5e: {  	_ =	swait.ge [sflag:s18], $0x7D  }
0x5f: {  	[sflag:s18] =	ssyncset.done $0x0  }
0x60: {  	[sflag:s18] =	ssyncadd.s32 $0xFFFFFF83  }
0x61: {  	_ =	swait.ge [sflag:s18], $0x7D  }
0x62: {  	[sflag:s18] =	ssyncset.done $0x0  }
0x63: {  	[sflag:s18] =	ssyncadd.s32 $0xFFFFFF83  }
0x64: {  	_ =	swait.ge [sflag:s18], $0x7D  }
0x65: {  	[sflag:s18] =	ssyncset.done $0x0  }
0x66: {  	[sflag:s18] =	ssyncadd.s32 $0xFFFFFF83  }
0x67: {  	_ =	swait.ge [sflag:s18], $0x7D  }
0x68: {  	[sflag:s18] =	ssyncset.done $0x0  }
0x69: {  	[sflag:s18] =	ssyncadd.s32 $0xFFFFFF83  }
0x6a: {  	_ =	swait.ge [sflag:s18], $0x7D  }
0x6b: {  	[sflag:s18] =	ssyncset.done $0x0  }
0x6c: {  	[sflag:s18] =	ssyncadd.s32 $0xFFFFFF83  }
.Ltmp0:
0x6d: {  	_ =	swait.ge [sflag:s18], $0x7D;
	(pc) =	sbr.rel @p1 .LBB2_2-.Ltmp0, $4  }
0x6e: {  	[sflag:s18] =	ssyncset.done $0x0  }
0x6f: {  	[sflag:s18] =	ssyncadd.s32 $0xFFFFFF83  }
0x70: {  	_ =	swait.ge [sflag:s18], $0x7D  }
0x71: {  	s23 =	smov.u32 s20;
	s22 =	sshra.s32 s21, $0x2;
	[sflag:s18] =	ssyncset.done $0x0  }
0x72: {  	s20 =	sadd.s32 $0x278, s22;
	[sflag:s18] =	ssyncadd.s32 $0xFFFFFF83  }
0x73: {  	[spmem:s2] =	stream.indirect.scatter.add.f32 [tilespmem:s13], [sflag:$0x1], $0x1, s20, s17, $0xb8;
	[tilespmem:$0x2AF8] =	vst v63  }
0x74: {  	s24 =	sadd.s32 $0x2F8, s22  }
0x75: {  	[spmem:s2] =	stream.indirect.scatter.add.f32 [tilespmem:s13], [sflag:$0x1], $0x1, s24, s17, $0xb8;
	[tilespmem:$0x2AF8] =	vst v63  }
0x76: {  	s25 =	sadd.s32 $0x378, s22  }
0x77: {  	[spmem:s2] =	stream.indirect.scatter.add.f32 [tilespmem:s13], [sflag:$0x1], $0x1, s25, s17, $0xb8;
	[tilespmem:$0x2AF8] =	vst v63  }
0x78: {  	s26 =	sadd.s32 $0x3F8, s22  }
0x79: {  	[spmem:s2] =	stream.indirect.scatter.add.f32 [tilespmem:s13], [sflag:$0x1], $0x1, s26, s17, $0xb8;
	[tilespmem:$0x2AF8] =	vst v63  }
0x7a: {  	s28 =	sadd.s32 $0x478, s22  }
0x7b: {  	[spmem:s2] =	stream.indirect.scatter.add.f32 [tilespmem:s13], [sflag:$0x1], $0x1, s28, s17, $0xb8;
	[tilespmem:$0x2AF8] =	vst v63  }
0x7c: {  	s29 =	sadd.s32 $0x4F8, s22  }
0x7d: {  	[spmem:s2] =	stream.indirect.scatter.add.f32 [tilespmem:s13], [sflag:$0x1], $0x1, s29, s17, $0xb8;
	[tilespmem:$0x2AF8] =	vst v63  }
0x7e: {  	s30 =	sadd.s32 $0x578, s22  }
0x7f: {  	[spmem:s2] =	stream.indirect.scatter.add.f32 [tilespmem:s13], [sflag:$0x1], $0x1, s30, s17, $0xb8;
	[tilespmem:$0x2AF8] =	vst v63  }
0x80: {  	s31 =	sadd.s32 $0x5F8, s22  }
0x81: {  	[spmem:s2] =	stream.indirect.scatter.add.f32 [tilespmem:s13], [sflag:$0x1], $0x1, s31, s17, $0xb8;
	[tilespmem:$0x2AF8] =	vst v63  }
0x82: {  	_ =	swait.ge [sflag:s18], $0x7D  }
0x83: {  	[sflag:s18] =	ssyncset.done $0x0  }
0x84: {  	[sflag:s18] =	ssyncadd.s32 $0xFFFFFF83  }
0x85: {  	_ =	swait.ge [sflag:s18], $0x7D  }
0x86: {  	[sflag:s18] =	ssyncset.done $0x0  }
0x87: {  	[sflag:s18] =	ssyncadd.s32 $0xFFFFFF83  }
0x88: {  	_ =	swait.ge [sflag:s18], $0x7D  }
0x89: {  	[sflag:s18] =	ssyncset.done $0x0  }
0x8a: {  	[sflag:s18] =	ssyncadd.s32 $0xFFFFFF83  }
0x8b: {  	_ =	swait.ge [sflag:s18], $0x7D  }
0x8c: {  	[sflag:s18] =	ssyncset.done $0x0  }
0x8d: {  	[sflag:s18] =	ssyncadd.s32 $0xFFFFFF83  }
0x8e: {  	_ =	swait.ge [sflag:s18], $0x7D  }
0x8f: {  	[sflag:s18] =	ssyncset.done $0x0  }
0x90: {  	[sflag:s18] =	ssyncadd.s32 $0xFFFFFF83  }
0x91: {  	_ =	swait.ge [sflag:s18], $0x7D  }
0x92: {  	[sflag:s18] =	ssyncset.done $0x0  }
0x93: {  	[sflag:s18] =	ssyncadd.s32 $0xFFFFFF83  }
0x94: {  	_ =	swait.ge [sflag:s18], $0x7D  }
0x95: {  	[sflag:s18] =	ssyncset.done $0x0  }
0x96: {  	[sflag:s18] =	ssyncadd.s32 $0xFFFFFF83  }
0x97: {  	_ =	swait.ge [sflag:s18], $0x7D  }
0x98: {  	[sflag:s18] =	ssyncset.done $0x0  }
0x99: {  	[sflag:s18] =	ssyncadd.s32 $0xFFFFFF83  }
0x9a: {  	s20 =	simm.s32 @p0 $0x1FC2;
	[bflag:$0x0] =	sbarrier.arrive $0xFFFF  }
0x9b: {  	[hbm:s9], [sflag:s20] =	dma.local @p0 [spmem:s14], $0x50  }
0x9c: {  	s20 =	simm.s32 @p0 $0x2  }
0x9d: {  	s19 =	sadd.s32 $0x1, s19;
	_ =	swait.ge @p0 [sflag:s20], $0x50  }
0x9e: {  	p1 =	sne.s32 s19, s10;
	[sflag:s20] =	ssyncset.done @p0 $0x0  }
.Ltmp1:
0x9f: {  	[sflag:s20] =	ssyncadd.s32 @p0 $0xFFFFFFB0;
	s20 =	simm.s32 @!p0 $0x2;
	(pc) =	sbr.rel @p1 .LBB2_1-.Ltmp1, $4  }
0xa0: {  	[hbm:s8], [sflag:s15] =	dma.local @!p0 [spmem:s16], $0x4E  }
0xa1: {  	_ =	swait.ge @!p0 [sflag:s20], $0x4E  }
0xa2: {  	[sflag:s20] =	ssyncset.done @!p0 $0x0  }
0xa3: {  	[sflag:s20] =	ssyncadd.s32 @!p0 $0xFFFFFFB2  }
0xa4: {  	_ =	sfence.sel $0x180000  }
0xa5: {  	[bflag:$0x0] =	sbarrier.arrive $0xFFFF  }
0xa6: {  	p0 =	sne.s32 s1, $0x0;
	_ =	strace $0x90000047  }
0xa7: {  	s0 =	sadd.s32 @!p0 $0x100000, s0;
	[bflag:$0x2] =	sbarrier.arrive $0xFFFF  }
0xa8: {  	[sflag:s0] =	ssyncadd.tile.s32 @!p0 $0x1;
	_ =	shalt  }
.Lfunc_end2:
_tile_overlayer_lowered:
.L_overlay_start_2:
0xa9: {  	(tag) =	ssettag $0x2  }
0xaa: {  	s0 =	rddreg [dreg:$0x0];
	s2 =	stileid.u32  }
0xab: {  	s1 =	rddreg [dreg:$0x1];
	p0 =	sne.s32 s2, $0x0  }
0xac: {  	s3 =	rddreg [dreg:$0x2];
	[bflag:$0x3] =	sbarrier.arrive $0xFFFF;
	s2 =	simm.s32 @!p0 $0x1C02  }
0xad: {  	[timem:s3], [sflag:s2] =	dma.local @!p0 [hbm:s0], s1  }
0xae: {  	s0 =	simm.s32 @!p0 $0x2  }
0xaf: {  	_ =	swait.ge @!p0 [sflag:s0], s1  }
0xb0: {  	s1 =	ssub.s32 @!p0 $0x0, s1;
	[sflag:s0] =	ssyncset.done @!p0 $0x0  }
0xb1: {  	[sflag:s0] =	ssyncadd.s32 @!p0 s1  }
0xb2: {  	[bflag:$0x3] =	sbarrier.arrive $0xFFFF  }
0xb3: {  	_ =	shalt  }

</sc_bundles>
